<compile_context>
chip_gen: v7x
topology: tpu7x:2x2x1
jax: 0.10.2.dev20260603
libtpu: 0.0.44.dev20260713+nightly
codegen_flags: <defaults>
</compile_context>

<pallas_src>
import jax
import jax.numpy as jnp
from jax import lax
from jax.experimental import pallas as pl
from jax.experimental.pallas import tpu as pltpu
from jax.experimental.pallas import tpu_sc as plsc

N = 10000
D = 128
E = 320000
NS = 16
EPT = E // NS
K = 80
STEPS = EPT // K
NB = 5
CW = 32


def _sc_body(xu, xi, eui, eiu,
             sum_i, cnt_i, sum_u, cnt_u,
             acc, cacc, src_v, dst_v, rows, ones_v, semG, semS, semC):
  c = lax.axis_index("c")
  s = lax.axis_index("s")

  @pl.loop(0, K)
  def _(j):
    for l in range(4):
      rows[0, j, pl.ds(l * 32, 32)] = jnp.zeros((32,), jnp.bfloat16)
    ones_v[j, :] = jnp.zeros((32,), jnp.bfloat16)

  @pl.when(s < NS - 1)
  def _():
    @pl.loop(0, 8)
    def _(r):
      o = s * 640 + r * K
      pltpu.sync_copy(rows.at[0], acc.at[pl.ds(o, K)])
      pltpu.sync_copy(ones_v, cacc.at[pl.ds(o, K)])

  @pl.when(s == NS - 1)
  def _():
    @pl.loop(0, 5)
    def _(r):
      o = 9600 + r * K
      pltpu.sync_copy(rows.at[0], acc.at[pl.ds(o, K)])
      pltpu.sync_copy(ones_v, cacc.at[pl.ds(o, K)])

  @pl.loop(0, K)
  def _(j):
    ones_v[j, :] = jnp.ones((32,), jnp.bfloat16)

  plsc.subcore_barrier()

  def run_type(e_hbm, x_src):
    pltpu.sync_copy(e_hbm.at[0, pl.ds(s * EPT, EPT)], src_v)
    pltpu.sync_copy(e_hbm.at[1, pl.ds(s * EPT, EPT)], dst_v)

    def sidx(jq):
      return src_v.at[pl.ds(jq * K, K)]

    def didx(jq):
      return dst_v.at[pl.ds(jq * K, K)]

    for q in range(NB - 1):
      pltpu.async_copy(x_src.at[sidx(q)], rows.at[q], semG[q])

    @pl.loop(0, STEPS // NB)
    def _(t):
      j0 = NB * t
      for q in range(NB):
        jq = j0 + q
        qn = (q + NB - 1) % NB

        @pl.when(jq >= 1)
        def _():
          pltpu.make_async_copy(rows.at[qn], acc.at[didx(0)], semS[qn]).wait()
          pltpu.make_async_copy(ones_v, cacc.at[didx(0)], semC[qn]).wait()

        @pl.when(jq + NB - 1 < STEPS)
        def _():
          pltpu.async_copy(x_src.at[sidx(jq + NB - 1)], rows.at[qn], semG[qn])

        pltpu.make_async_copy(x_src.at[sidx(jq)], rows.at[q], semG[q]).wait()
        pltpu.async_copy(rows.at[q], acc.at[didx(jq)], semS[q], add=True)
        pltpu.async_copy(ones_v, cacc.at[didx(jq)], semC[q], add=True)

    pltpu.make_async_copy(rows.at[NB - 1], acc.at[didx(0)],
                          semS[NB - 1]).wait()
    pltpu.make_async_copy(ones_v, cacc.at[didx(0)], semC[NB - 1]).wait()

  @pl.when(c == 0)
  def _():
    run_type(eui, xu)

  @pl.when(c == 1)
  def _():
    run_type(eiu, xi)

  plsc.subcore_barrier()

  def write_out(sum_o, cnt_o):
    @pl.when(s < NS - 1)
    def _():
      pltpu.sync_copy(acc.at[pl.ds(s * 640, 640)], sum_o.at[pl.ds(s * 640, 640)])
      pltpu.sync_copy(cacc.at[pl.ds(s * 640, 640)], cnt_o.at[pl.ds(s * 640, 640)])

    @pl.when(s == NS - 1)
    def _():
      pltpu.sync_copy(acc.at[pl.ds(9600, 400)], sum_o.at[pl.ds(9600, 400)])
      pltpu.sync_copy(cacc.at[pl.ds(9600, 400)], cnt_o.at[pl.ds(9600, 400)])

  @pl.when(c == 0)
  def _():
    write_out(sum_i, cnt_i)

  @pl.when(c == 1)
  def _():
    write_out(sum_u, cnt_u)


_sc_segment_sums = pl.kernel(
    _sc_body,
    out_type=[
        jax.ShapeDtypeStruct((N, D), jnp.bfloat16),
        jax.ShapeDtypeStruct((N, CW), jnp.bfloat16),
        jax.ShapeDtypeStruct((N, D), jnp.bfloat16),
        jax.ShapeDtypeStruct((N, CW), jnp.bfloat16),
    ],
    mesh=plsc.VectorSubcoreMesh(core_axis_name="c", subcore_axis_name="s"),
    scratch_types=[
        pltpu.VMEM_SHARED((N, D), jnp.bfloat16),
        pltpu.VMEM_SHARED((N, CW), jnp.bfloat16),
        pltpu.VMEM((EPT,), jnp.int32),
        pltpu.VMEM((EPT,), jnp.int32),
        pltpu.VMEM((NB, K, D), jnp.bfloat16),
        pltpu.VMEM((K, CW), jnp.bfloat16),
        [pltpu.SemaphoreType.DMA] * NB,
        [pltpu.SemaphoreType.DMA] * NB,
        [pltpu.SemaphoreType.DMA] * NB,
    ],
    compiler_params=pltpu.CompilerParams(use_tc_tiling_on_sc=False),
)


def _matmul_t(a, w):
  return lax.dot_general(a, w, (((1,), (1,)), ((), ())),
                         preferred_element_type=jnp.float32,
                         precision=lax.Precision.HIGHEST)


def _tc_pre_body(xu, wr_iu, bl_iu, xi, wr_ui, bl_ui, pre_u, pre_i):
  pre_u[...] = _matmul_t(xu[...], wr_iu[...]) + bl_iu[...]
  pre_i[...] = _matmul_t(xi[...], wr_ui[...]) + bl_ui[...]


def _tc_body(sum_u, cnt_u, pre_u, wl_iu, g_u, b_u,
             sum_i, cnt_i, pre_i, wl_ui, g_i, b_i,
             out_u, out_i):
  def post(summed, cnt, pre, wl, g, b):
    mean = (summed.astype(jnp.float32)
            / jnp.maximum(cnt[:, 0:1].astype(jnp.float32), 1.0))
    y = _matmul_t(mean, wl) + pre
    mu = jnp.mean(y, axis=-1, keepdims=True)
    var = jnp.mean((y - mu) ** 2, axis=-1, keepdims=True)
    yn = (y - mu) * lax.rsqrt(var + 1e-5) * g + b
    return yn * 0.5 * (1.0 + lax.erf(yn * 0.7071067811865476))

  out_u[...] = post(sum_u[...], cnt_u[...], pre_u[...],
                    wl_iu[...], g_u[...], b_u[...])
  out_i[...] = post(sum_i[...], cnt_i[...], pre_i[...],
                    wl_ui[...], g_i[...], b_i[...])


_TC_BLOCK = 2000
_row_spec = pl.BlockSpec((_TC_BLOCK, D), lambda i: (i, 0))
_sum_spec = pl.BlockSpec((_TC_BLOCK, D), lambda i: (i, 0))
_cnt_spec = pl.BlockSpec((_TC_BLOCK, CW), lambda i: (i, 0))
_w_spec = pl.BlockSpec((D, D), lambda i: (0, 0))
_v_spec = pl.BlockSpec((D,), lambda i: (0,))
_row_out = [jax.ShapeDtypeStruct((N, D), jnp.float32),
            jax.ShapeDtypeStruct((N, D), jnp.float32)]


def _tc_pre(*args):
  per_type = [_row_spec, _w_spec, _v_spec]
  return pl.pallas_call(
      _tc_pre_body,
      grid=(N // _TC_BLOCK,),
      in_specs=per_type + per_type,
      out_specs=[_row_spec, _row_spec],
      out_shape=_row_out,
  )(*args)


def _tc_call(*args):
  per_type = [_sum_spec, _cnt_spec, _row_spec, _w_spec, _v_spec, _v_spec]
  return pl.pallas_call(
      _tc_body,
      grid=(N // _TC_BLOCK,),
      in_specs=per_type + per_type,
      out_specs=[_row_spec, _row_spec],
      out_shape=_row_out,
  )(*args)


def kernel(x_user, x_item, edge_ui, edge_iu, Wl_ui, bl_ui, Wr_ui,
           Wl_iu, bl_iu, Wr_iu, g_user, b_user, g_item, b_item):
  sum_i, cnt_i, sum_u, cnt_u = _sc_segment_sums(
      x_user.astype(jnp.bfloat16), x_item.astype(jnp.bfloat16),
      edge_ui, edge_iu)
  pre_u, pre_i = _tc_pre(x_user, Wr_iu, bl_iu, x_item, Wr_ui, bl_ui)
  out_u, out_i = _tc_call(
      sum_u, cnt_u, pre_u, Wl_iu, g_user, b_user,
      sum_i, cnt_i, pre_i, Wl_ui, g_item, b_item)
  return (out_u, out_i)

# --- scband reference (transcript-rebuilt; emitter-appended) ---
"""Pipeline reference for scband-hetero-graph-conv-40492951666820 (READ-ONLY COPY).

The authoritative reference and input builder live on the scoring server;
editing this copy changes nothing except your own understanding.
"""

import jax, jax.numpy as jnp
import numpy as np

N_USER = 10000
N_ITEM = 10000
D_IN = 128
D_OUT = 128
E = 320000


def _layer_norm(x, gamma, beta, eps=1e-5):
    mu = jnp.mean(x, axis=-1, keepdims=True)
    var = jnp.var(x, axis=-1, keepdims=True)
    return (x - mu) / jnp.sqrt(var + eps) * gamma + beta


def _sage_mean(x_src, x_dst, edge_index, Wl, bl, Wr):
    # PyG SAGEConv with aggr='mean': out = lin_l(mean_{j in N(i)} x_j) + lin_r(x_i)
    src = edge_index[0]
    dst = edge_index[1]
    msgs = jnp.take(x_src, src, axis=0)
    n_dst = x_dst.shape[0]
    summed = jax.ops.segment_sum(msgs, dst, num_segments=n_dst)
    counts = jax.ops.segment_sum(jnp.ones((src.shape[0], 1), dtype=x_src.dtype), dst, num_segments=n_dst)
    mean = summed / jnp.maximum(counts, 1.0)
    return mean @ Wl.T + bl + x_dst @ Wr.T


def setup_inputs(seed: int = 0) -> dict:
    key = jax.random.key(seed)
    ks = jax.random.split(key, 16)
    x_user = jax.random.normal(ks[0], (N_USER, D_IN), dtype=jnp.float32)
    x_item = jax.random.normal(ks[1], (N_ITEM, D_IN), dtype=jnp.float32)
    edge_ui = jax.random.randint(ks[2], (2, E), 0, N_USER, dtype=jnp.int64) if False else jax.random.randint(ks[2], (2, E), 0, N_USER).astype(jnp.int32)
    edge_iu = jax.random.randint(ks[3], (2, E), 0, N_ITEM).astype(jnp.int32)
    s = 0.05
    return {
        'x_user': x_user,
        'x_item': x_item,
        'edge_ui': edge_ui,
        'edge_iu': edge_iu,
        'Wl_ui': jax.random.normal(ks[4], (D_OUT, D_IN), dtype=jnp.float32) * s,
        'bl_ui': jnp.zeros((D_OUT,), dtype=jnp.float32),
        'Wr_ui': jax.random.normal(ks[5], (D_OUT, D_IN), dtype=jnp.float32) * s,
        'Wl_iu': jax.random.normal(ks[6], (D_OUT, D_IN), dtype=jnp.float32) * s,
        'bl_iu': jnp.zeros((D_OUT,), dtype=jnp.float32),
        'Wr_iu': jax.random.normal(ks[7], (D_OUT, D_IN), dtype=jnp.float32) * s,
        'g_user': jnp.ones((D_OUT,), dtype=jnp.float32),
        'b_user': jnp.zeros((D_OUT,), dtype=jnp.float32),
        'g_item': jnp.ones((D_OUT,), dtype=jnp.float32),
        'b_item': jnp.zeros((D_OUT,), dtype=jnp.float32),
    }


def reference(x_user, x_item, edge_ui, edge_iu, Wl_ui, bl_ui, Wr_ui, Wl_iu, bl_iu, Wr_iu, g_user, b_user, g_item, b_item):
    # edge type ('user','clicks','item'): src=user, dst=item
    out_item = _sage_mean(x_user, x_item, edge_ui, Wl_ui, bl_ui, Wr_ui)
    # edge type ('item','clicked_by','user'): src=item, dst=user
    out_user = _sage_mean(x_item, x_user, edge_iu, Wl_iu, bl_iu, Wr_iu)
    # per-node-type post-processing: LayerNorm -> GELU -> Dropout(p=0.0)
    out_user = jax.nn.gelu(_layer_norm(out_user, g_user, b_user), approximate=False)
    out_item = jax.nn.gelu(_layer_norm(out_item, g_item, b_item), approximate=False)
    return (out_user, out_item)

if __name__ == "__main__":
    import jax
    _d = setup_inputs()
    print(jax.jit(kernel)(*tuple(_d.values())))

</pallas_src>

<mosaic_0001>
#map = affine_map<(d0, d1) -> (0, 0)>
module attributes {stable_mosaic.version = 14 : i64} {
  func.func @_sc_body(%arg0: i32, %arg1: i32, %arg2: memref<10000x128xbf16, #tpu.memory_space<hbm>>, %arg3: memref<10000x128xbf16, #tpu.memory_space<hbm>>, %arg4: memref<2x320000xi32, #tpu.memory_space<hbm>>, %arg5: memref<2x320000xi32, #tpu.memory_space<hbm>>, %arg6: memref<10000x128xbf16, #tpu.memory_space<hbm>>, %arg7: memref<10000x32xbf16, #tpu.memory_space<hbm>>, %arg8: memref<10000x128xbf16, #tpu.memory_space<hbm>>, %arg9: memref<10000x32xbf16, #tpu.memory_space<hbm>>, %arg10: memref<10000x128xbf16, #tpu.memory_space<vmem_shared>>, %arg11: memref<10000x32xbf16, #tpu.memory_space<vmem_shared>>, %arg12: memref<20000xi32, #tpu.memory_space<vmem>>, %arg13: memref<20000xi32, #tpu.memory_space<vmem>>, %arg14: memref<5x80x128xbf16, #tpu.memory_space<vmem>>, %arg15: memref<80x32xbf16, #tpu.memory_space<vmem>>, %arg16: memref<!tpu.dma_semaphore, #tpu.memory_space<semaphore_mem>>, %arg17: memref<!tpu.dma_semaphore, #tpu.memory_space<semaphore_mem>>, %arg18: memref<!tpu.dma_semaphore, #tpu.memory_space<semaphore_mem>>, %arg19: memref<!tpu.dma_semaphore, #tpu.memory_space<semaphore_mem>>, %arg20: memref<!tpu.dma_semaphore, #tpu.memory_space<semaphore_mem>>, %arg21: memref<!tpu.dma_semaphore, #tpu.memory_space<semaphore_mem>>, %arg22: memref<!tpu.dma_semaphore, #tpu.memory_space<semaphore_mem>>, %arg23: memref<!tpu.dma_semaphore, #tpu.memory_space<semaphore_mem>>, %arg24: memref<!tpu.dma_semaphore, #tpu.memory_space<semaphore_mem>>, %arg25: memref<!tpu.dma_semaphore, #tpu.memory_space<semaphore_mem>>, %arg26: memref<!tpu.dma_semaphore, #tpu.memory_space<semaphore_mem>>, %arg27: memref<!tpu.dma_semaphore, #tpu.memory_space<semaphore_mem>>, %arg28: memref<!tpu.dma_semaphore, #tpu.memory_space<semaphore_mem>>, %arg29: memref<!tpu.dma_semaphore, #tpu.memory_space<semaphore_mem>>, %arg30: memref<!tpu.dma_semaphore, #tpu.memory_space<semaphore_mem>>) attributes {dimension_semantics = [#tpu.dimension_semantics<core_parallel>, #tpu.dimension_semantics<subcore_parallel>], iteration_bounds = array<i64: 2, 16>, scalar_prefetch = 0 : i64, scratch_operands = 21 : i64, tpu.core_type = #tpu.core_type<sc_vector_subcore>, window_params = [{transform_indices = #map}, {transform_indices = #map}, {transform_indices = #map}, {transform_indices = #map}, {transform_indices = #map}, {transform_indices = #map}, {transform_indices = #map}, {transform_indices = #map}]} {
    %scan3A = arith.constant 0 : i32
    %scan3A_0 = arith.constant 80 : i32
    %scan3A_1 = arith.addi %scan3A, %scan3A_0 : i32
    %scan3A_2 = arith.constant 1 : i32
    scf.for %scan3A_36 = %scan3A to %scan3A_1 step %scan3A_2  : i32 {
      %mul3A = arith.constant 1 : i32
      %mul3A_37 = arith.muli %scan3A_36, %mul3A : i32
      %add3A = arith.constant 0 : i32
      %add3A_38 = arith.addi %add3A, %mul3A_37 : i32
      %broadcast_in_dim3A = arith.constant 0.000000e+00 : bf16
      %broadcast_in_dim3A_39 = vector.broadcast %broadcast_in_dim3A : bf16 to vector<32xbf16>
      %swap3A = arith.constant 0 : i32
      %swap3A_40 = arith.index_cast %swap3A : i32 to index
      %swap3A_41 = arith.index_cast %add3A_38 : i32 to index
      %swap3A_42 = arith.constant 0 : index
      %swap3A_43 = tpu.vector_load %arg14[%swap3A_40, %swap3A_41, %swap3A_42] {strides = array<i32>} : memref<5x80x128xbf16, #tpu.memory_space<vmem>>, vector<1x1x32xbf16>,
      %swap3A_44 = vector.shape_cast %swap3A_43 : vector<1x1x32xbf16> to vector<32xbf16>
      %swap3A_45 = vector.shape_cast %broadcast_in_dim3A_39 : vector<32xbf16> to vector<1x1x32xbf16>
      tpu.vector_store %arg14[%swap3A_40, %swap3A_41, %swap3A_42], %swap3A_45 {strides = array<i32>} : memref<5x80x128xbf16, #tpu.memory_space<vmem>>, vector<1x1x32xbf16>,
      %broadcast_in_dim3A_46 = arith.constant 0.000000e+00 : bf16
      %broadcast_in_dim3A_47 = vector.broadcast %broadcast_in_dim3A_46 : bf16 to vector<32xbf16>
      %swap3A_48 = arith.constant 0 : i32
      %swap3A_49 = arith.index_cast %swap3A_48 : i32 to index
      %swap3A_50 = arith.index_cast %add3A_38 : i32 to index
      %swap3A_51 = arith.constant 32 : index
      %swap3A_52 = tpu.vector_load %arg14[%swap3A_49, %swap3A_50, %swap3A_51] {strides = array<i32>} : memref<5x80x128xbf16, #tpu.memory_space<vmem>>, vector<1x1x32xbf16>,
      %swap3A_53 = vector.shape_cast %swap3A_52 : vector<1x1x32xbf16> to vector<32xbf16>
      %swap3A_54 = vector.shape_cast %broadcast_in_dim3A_47 : vector<32xbf16> to vector<1x1x32xbf16>
      tpu.vector_store %arg14[%swap3A_49, %swap3A_50, %swap3A_51], %swap3A_54 {strides = array<i32>} : memref<5x80x128xbf16, #tpu.memory_space<vmem>>, vector<1x1x32xbf16>,
      %broadcast_in_dim3A_55 = arith.constant 0.000000e+00 : bf16
      %broadcast_in_dim3A_56 = vector.broadcast %broadcast_in_dim3A_55 : bf16 to vector<32xbf16>
      %swap3A_57 = arith.constant 0 : i32
      %swap3A_58 = arith.index_cast %swap3A_57 : i32 to index
      %swap3A_59 = arith.index_cast %add3A_38 : i32 to index
      %swap3A_60 = arith.constant 64 : index
      %swap3A_61 = tpu.vector_load %arg14[%swap3A_58, %swap3A_59, %swap3A_60] {strides = array<i32>} : memref<5x80x128xbf16, #tpu.memory_space<vmem>>, vector<1x1x32xbf16>,
      %swap3A_62 = vector.shape_cast %swap3A_61 : vector<1x1x32xbf16> to vector<32xbf16>
      %swap3A_63 = vector.shape_cast %broadcast_in_dim3A_56 : vector<32xbf16> to vector<1x1x32xbf16>
      tpu.vector_store %arg14[%swap3A_58, %swap3A_59, %swap3A_60], %swap3A_63 {strides = array<i32>} : memref<5x80x128xbf16, #tpu.memory_space<vmem>>, vector<1x1x32xbf16>,
      %broadcast_in_dim3A_64 = arith.constant 0.000000e+00 : bf16
      %broadcast_in_dim3A_65 = vector.broadcast %broadcast_in_dim3A_64 : bf16 to vector<32xbf16>
      %swap3A_66 = arith.constant 0 : i32
      %swap3A_67 = arith.index_cast %swap3A_66 : i32 to index
      %swap3A_68 = arith.index_cast %add3A_38 : i32 to index
      %swap3A_69 = arith.constant 96 : index
      %swap3A_70 = tpu.vector_load %arg14[%swap3A_67, %swap3A_68, %swap3A_69] {strides = array<i32>} : memref<5x80x128xbf16, #tpu.memory_space<vmem>>, vector<1x1x32xbf16>,
      %swap3A_71 = vector.shape_cast %swap3A_70 : vector<1x1x32xbf16> to vector<32xbf16>
      %swap3A_72 = vector.shape_cast %broadcast_in_dim3A_65 : vector<32xbf16> to vector<1x1x32xbf16>
      tpu.vector_store %arg14[%swap3A_67, %swap3A_68, %swap3A_69], %swap3A_72 {strides = array<i32>} : memref<5x80x128xbf16, #tpu.memory_space<vmem>>, vector<1x1x32xbf16>,
      %broadcast_in_dim3A_73 = arith.constant 0.000000e+00 : bf16
      %broadcast_in_dim3A_74 = vector.broadcast %broadcast_in_dim3A_73 : bf16 to vector<32xbf16>
      %swap3A_75 = arith.index_cast %add3A_38 : i32 to index
      %swap3A_76 = arith.constant 0 : index
      %swap3A_77 = tpu.vector_load %arg15[%swap3A_75, %swap3A_76] {strides = array<i32>} : memref<80x32xbf16, #tpu.memory_space<vmem>>, vector<1x32xbf16>,
      %swap3A_78 = vector.shape_cast %swap3A_77 : vector<1x32xbf16> to vector<32xbf16>
      %swap3A_79 = vector.shape_cast %broadcast_in_dim3A_74 : vector<32xbf16> to vector<1x32xbf16>
      tpu.vector_store %arg15[%swap3A_75, %swap3A_76], %swap3A_79 {strides = array<i32>} : memref<80x32xbf16, #tpu.memory_space<vmem>>, vector<1x32xbf16>,
    }
    %scan3A_3 = arith.constant 80 : i32
    %lt3A = arith.constant 15 : i32
    %lt3A_4 = arith.cmpi slt, %arg1, %lt3A : i32
    %convert_element_type3A = arith.extui %lt3A_4 : i1 to i32
    %cond3A = arith.constant 0 : i32
    %cond3A_5 = arith.cmpi ne, %convert_element_type3A, %cond3A : i32
    scf.if %cond3A_5 {
      %scan3A_36 = arith.constant 0 : i32
      %scan3A_37 = arith.constant 8 : i32
      %scan3A_38 = arith.addi %scan3A_36, %scan3A_37 : i32
      %scan3A_39 = arith.constant 1 : i32
      scf.for %scan3A_41 = %scan3A_36 to %scan3A_38 step %scan3A_39  : i32 {
        %mul3A = arith.constant 1 : i32
        %mul3A_42 = arith.muli %scan3A_41, %mul3A : i32
        %add3A = arith.constant 0 : i32
        %add3A_43 = arith.addi %add3A, %mul3A_42 : i32
        %mul3A_44 = arith.constant 640 : i32
        %mul3A_45 = arith.muli %arg1, %mul3A_44 : i32
        %mul3A_46 = arith.constant 80 : i32
        %mul3A_47 = arith.muli %add3A_43, %mul3A_46 : i32
        %add3A_48 = arith.addi %mul3A_45, %mul3A_47 : i32
        %run_scoped3A = arith.constant 0 : i32
        "tpu.region"() ({
          %run_scoped3A_49 = tpu.sem_alloc : memref<!tpu.dma_semaphore, #tpu.memory_space<semaphore_mem>>
          %dma_start3A = arith.constant 0 : i32
          %dma_start3A_50 = arith.constant 0 : i32
          %dma_start3A_51 = tpu.memref_slice %arg14[%run_scoped3A, %dma_start3A, %dma_start3A_50] : memref<5x80x128xbf16, #tpu.memory_space<vmem>> -> memref<1x80x128xbf16, #tpu.memory_space<vmem>>
          %dma_start3A_52 = tpu.memref_squeeze %dma_start3A_51 : memref<1x80x128xbf16, #tpu.memory_space<vmem>> -> memref<80x128xbf16, #tpu.memory_space<vmem>>
          %dma_start3A_53 = arith.constant 0 : i32
          %dma_start3A_54 = tpu.memref_slice %arg10[%add3A_48, %dma_start3A_53] : memref<10000x128xbf16, #tpu.memory_space<vmem_shared>> -> memref<80x128xbf16, #tpu.memory_space<vmem_shared>>
          %dma_start3A_55 = arith.constant 0 : i32
          %dma_start3A_56 = tpu.memref_slice %arg10[%add3A_48, %dma_start3A_55] : memref<10000x128xbf16, #tpu.memory_space<vmem_shared>> -> memref<80x128xbf16, #tpu.memory_space<vmem_shared>>
          %dma_start3A_57 = arith.constant 0 : i32
          %dma_start3A_58 = arith.constant 0 : i32
          %dma_start3A_59 = tpu.memref_slice %arg14[%run_scoped3A, %dma_start3A_57, %dma_start3A_58] : memref<5x80x128xbf16, #tpu.memory_space<vmem>> -> memref<1x80x128xbf16, #tpu.memory_space<vmem>>
          %dma_start3A_60 = tpu.memref_squeeze %dma_start3A_59 : memref<1x80x128xbf16, #tpu.memory_space<vmem>> -> memref<80x128xbf16, #tpu.memory_space<vmem>>
          tpu.enqueue_dma source(%dma_start3A_60 : memref<80x128xbf16, #tpu.memory_space<vmem>>) target(%dma_start3A_56 : memref<80x128xbf16, #tpu.memory_space<vmem_shared>>) target_semaphore(%run_scoped3A_49 : memref<!tpu.dma_semaphore, #tpu.memory_space<semaphore_mem>>)
          %dma_wait3A = arith.constant 0 : i32
          %dma_wait3A_61 = arith.constant 0 : i32
          %dma_wait3A_62 = tpu.memref_slice %arg14[%run_scoped3A, %dma_wait3A, %dma_wait3A_61] : memref<5x80x128xbf16, #tpu.memory_space<vmem>> -> memref<1x80x128xbf16, #tpu.memory_space<vmem>>
          %dma_wait3A_63 = tpu.memref_squeeze %dma_wait3A_62 : memref<1x80x128xbf16, #tpu.memory_space<vmem>> -> memref<80x128xbf16, #tpu.memory_space<vmem>>
          %dma_wait3A_64 = arith.constant 0 : i32
          %dma_wait3A_65 = tpu.memref_slice %arg10[%add3A_48, %dma_wait3A_64] : memref<10000x128xbf16, #tpu.memory_space<vmem_shared>> -> memref<80x128xbf16, #tpu.memory_space<vmem_shared>>
          %dma_wait3A_66 = arith.constant 0 : i32
          %dma_wait3A_67 = tpu.memref_slice %arg10[%add3A_48, %dma_wait3A_66] : memref<10000x128xbf16, #tpu.memory_space<vmem_shared>> -> memref<80x128xbf16, #tpu.memory_space<vmem_shared>>
          %dma_wait3A_68 = arith.constant 0 : i32
          %dma_wait3A_69 = arith.constant 0 : i32
          %dma_wait3A_70 = tpu.memref_slice %arg14[%run_scoped3A, %dma_wait3A_68, %dma_wait3A_69] : memref<5x80x128xbf16, #tpu.memory_space<vmem>> -> memref<1x80x128xbf16, #tpu.memory_space<vmem>>
          %dma_wait3A_71 = tpu.memref_squeeze %dma_wait3A_70 : memref<1x80x128xbf16, #tpu.memory_space<vmem>> -> memref<80x128xbf16, #tpu.memory_space<vmem>>
          tpu.wait_dma2 semaphore(%run_scoped3A_49 : memref<!tpu.dma_semaphore, #tpu.memory_space<semaphore_mem>>) src(%dma_wait3A_71 : memref<80x128xbf16, #tpu.memory_space<vmem>>) dst(%dma_wait3A_67 : memref<80x128xbf16, #tpu.memory_space<vmem_shared>>)
          tpu.yield
        }) : () -> ()
        "tpu.region"() ({
          %run_scoped3A_49 = tpu.sem_alloc : memref<!tpu.dma_semaphore, #tpu.memory_space<semaphore_mem>>
          %dma_start3A = arith.constant 0 : i32
          %dma_start3A_50 = tpu.memref_slice %arg11[%add3A_48, %dma_start3A] : memref<10000x32xbf16, #tpu.memory_space<vmem_shared>> -> memref<80x32xbf16, #tpu.memory_space<vmem_shared>>
          %dma_start3A_51 = arith.constant 0 : i32
          %dma_start3A_52 = tpu.memref_slice %arg11[%add3A_48, %dma_start3A_51] : memref<10000x32xbf16, #tpu.memory_space<vmem_shared>> -> memref<80x32xbf16, #tpu.memory_space<vmem_shared>>
          tpu.enqueue_dma source(%arg15 : memref<80x32xbf16, #tpu.memory_space<vmem>>) target(%dma_start3A_52 : memref<80x32xbf16, #tpu.memory_space<vmem_shared>>) target_semaphore(%run_scoped3A_49 : memref<!tpu.dma_semaphore, #tpu.memory_space<semaphore_mem>>)
          %dma_wait3A = arith.constant 0 : i32
          %dma_wait3A_53 = tpu.memref_slice %arg11[%add3A_48, %dma_wait3A] : memref<10000x32xbf16, #tpu.memory_space<vmem_shared>> -> memref<80x32xbf16, #tpu.memory_space<vmem_shared>>
          %dma_wait3A_54 = arith.constant 0 : i32
          %dma_wait3A_55 = tpu.memref_slice %arg11[%add3A_48, %dma_wait3A_54] : memref<10000x32xbf16, #tpu.memory_space<vmem_shared>> -> memref<80x32xbf16, #tpu.memory_space<vmem_shared>>
          tpu.wait_dma2 semaphore(%run_scoped3A_49 : memref<!tpu.dma_semaphore, #tpu.memory_space<semaphore_mem>>) src(%arg15 : memref<80x32xbf16, #tpu.memory_space<vmem>>) dst(%dma_wait3A_55 : memref<80x32xbf16, #tpu.memory_space<vmem_shared>>)
          tpu.yield
        }) : () -> ()
      }
      %scan3A_40 = arith.constant 8 : i32
    } else {
    }
    %eq3A = arith.constant 15 : i32
    %eq3A_6 = arith.cmpi eq, %arg1, %eq3A : i32
    %convert_element_type3A_7 = arith.extui %eq3A_6 : i1 to i32
    %cond3A_8 = arith.constant 0 : i32
    %cond3A_9 = arith.cmpi ne, %convert_element_type3A_7, %cond3A_8 : i32
    scf.if %cond3A_9 {
      %scan3A_36 = arith.constant 0 : i32
      %scan3A_37 = arith.constant 5 : i32
      %scan3A_38 = arith.addi %scan3A_36, %scan3A_37 : i32
      %scan3A_39 = arith.constant 1 : i32
      scf.for %scan3A_41 = %scan3A_36 to %scan3A_38 step %scan3A_39  : i32 {
        %mul3A = arith.constant 1 : i32
        %mul3A_42 = arith.muli %scan3A_41, %mul3A : i32
        %add3A = arith.constant 0 : i32
        %add3A_43 = arith.addi %add3A, %mul3A_42 : i32
        %mul3A_44 = arith.constant 80 : i32
        %mul3A_45 = arith.muli %add3A_43, %mul3A_44 : i32
        %add3A_46 = arith.constant 9600 : i32
        %add3A_47 = arith.addi %add3A_46, %mul3A_45 : i32
        %run_scoped3A = arith.constant 0 : i32
        "tpu.region"() ({
          %run_scoped3A_48 = tpu.sem_alloc : memref<!tpu.dma_semaphore, #tpu.memory_space<semaphore_mem>>
          %dma_start3A = arith.constant 0 : i32
          %dma_start3A_49 = arith.constant 0 : i32
          %dma_start3A_50 = tpu.memref_slice %arg14[%run_scoped3A, %dma_start3A, %dma_start3A_49] : memref<5x80x128xbf16, #tpu.memory_space<vmem>> -> memref<1x80x128xbf16, #tpu.memory_space<vmem>>
          %dma_start3A_51 = tpu.memref_squeeze %dma_start3A_50 : memref<1x80x128xbf16, #tpu.memory_space<vmem>> -> memref<80x128xbf16, #tpu.memory_space<vmem>>
          %dma_start3A_52 = arith.constant 0 : i32
          %dma_start3A_53 = tpu.memref_slice %arg10[%add3A_47, %dma_start3A_52] : memref<10000x128xbf16, #tpu.memory_space<vmem_shared>> -> memref<80x128xbf16, #tpu.memory_space<vmem_shared>>
          %dma_start3A_54 = arith.constant 0 : i32
          %dma_start3A_55 = tpu.memref_slice %arg10[%add3A_47, %dma_start3A_54] : memref<10000x128xbf16, #tpu.memory_space<vmem_shared>> -> memref<80x128xbf16, #tpu.memory_space<vmem_shared>>
          %dma_start3A_56 = arith.constant 0 : i32
          %dma_start3A_57 = arith.constant 0 : i32
          %dma_start3A_58 = tpu.memref_slice %arg14[%run_scoped3A, %dma_start3A_56, %dma_start3A_57] : memref<5x80x128xbf16, #tpu.memory_space<vmem>> -> memref<1x80x128xbf16, #tpu.memory_space<vmem>>
          %dma_start3A_59 = tpu.memref_squeeze %dma_start3A_58 : memref<1x80x128xbf16, #tpu.memory_space<vmem>> -> memref<80x128xbf16, #tpu.memory_space<vmem>>
          tpu.enqueue_dma source(%dma_start3A_59 : memref<80x128xbf16, #tpu.memory_space<vmem>>) target(%dma_start3A_55 : memref<80x128xbf16, #tpu.memory_space<vmem_shared>>) target_semaphore(%run_scoped3A_48 : memref<!tpu.dma_semaphore, #tpu.memory_space<semaphore_mem>>)
          %dma_wait3A = arith.constant 0 : i32
          %dma_wait3A_60 = arith.constant 0 : i32
          %dma_wait3A_61 = tpu.memref_slice %arg14[%run_scoped3A, %dma_wait3A, %dma_wait3A_60] : memref<5x80x128xbf16, #tpu.memory_space<vmem>> -> memref<1x80x128xbf16, #tpu.memory_space<vmem>>
          %dma_wait3A_62 = tpu.memref_squeeze %dma_wait3A_61 : memref<1x80x128xbf16, #tpu.memory_space<vmem>> -> memref<80x128xbf16, #tpu.memory_space<vmem>>
          %dma_wait3A_63 = arith.constant 0 : i32
          %dma_wait3A_64 = tpu.memref_slice %arg10[%add3A_47, %dma_wait3A_63] : memref<10000x128xbf16, #tpu.memory_space<vmem_shared>> -> memref<80x128xbf16, #tpu.memory_space<vmem_shared>>
          %dma_wait3A_65 = arith.constant 0 : i32
          %dma_wait3A_66 = tpu.memref_slice %arg10[%add3A_47, %dma_wait3A_65] : memref<10000x128xbf16, #tpu.memory_space<vmem_shared>> -> memref<80x128xbf16, #tpu.memory_space<vmem_shared>>
          %dma_wait3A_67 = arith.constant 0 : i32
          %dma_wait3A_68 = arith.constant 0 : i32
          %dma_wait3A_69 = tpu.memref_slice %arg14[%run_scoped3A, %dma_wait3A_67, %dma_wait3A_68] : memref<5x80x128xbf16, #tpu.memory_space<vmem>> -> memref<1x80x128xbf16, #tpu.memory_space<vmem>>
          %dma_wait3A_70 = tpu.memref_squeeze %dma_wait3A_69 : memref<1x80x128xbf16, #tpu.memory_space<vmem>> -> memref<80x128xbf16, #tpu.memory_space<vmem>>
          tpu.wait_dma2 semaphore(%run_scoped3A_48 : memref<!tpu.dma_semaphore, #tpu.memory_space<semaphore_mem>>) src(%dma_wait3A_70 : memref<80x128xbf16, #tpu.memory_space<vmem>>) dst(%dma_wait3A_66 : memref<80x128xbf16, #tpu.memory_space<vmem_shared>>)
          tpu.yield
        }) : () -> ()
        "tpu.region"() ({
          %run_scoped3A_48 = tpu.sem_alloc : memref<!tpu.dma_semaphore, #tpu.memory_space<semaphore_mem>>
          %dma_start3A = arith.constant 0 : i32
          %dma_start3A_49 = tpu.memref_slice %arg11[%add3A_47, %dma_start3A] : memref<10000x32xbf16, #tpu.memory_space<vmem_shared>> -> memref<80x32xbf16, #tpu.memory_space<vmem_shared>>
          %dma_start3A_50 = arith.constant 0 : i32
          %dma_start3A_51 = tpu.memref_slice %arg11[%add3A_47, %dma_start3A_50] : memref<10000x32xbf16, #tpu.memory_space<vmem_shared>> -> memref<80x32xbf16, #tpu.memory_space<vmem_shared>>
          tpu.enqueue_dma source(%arg15 : memref<80x32xbf16, #tpu.memory_space<vmem>>) target(%dma_start3A_51 : memref<80x32xbf16, #tpu.memory_space<vmem_shared>>) target_semaphore(%run_scoped3A_48 : memref<!tpu.dma_semaphore, #tpu.memory_space<semaphore_mem>>)
          %dma_wait3A = arith.constant 0 : i32
          %dma_wait3A_52 = tpu.memref_slice %arg11[%add3A_47, %dma_wait3A] : memref<10000x32xbf16, #tpu.memory_space<vmem_shared>> -> memref<80x32xbf16, #tpu.memory_space<vmem_shared>>
          %dma_wait3A_53 = arith.constant 0 : i32
          %dma_wait3A_54 = tpu.memref_slice %arg11[%add3A_47, %dma_wait3A_53] : memref<10000x32xbf16, #tpu.memory_space<vmem_shared>> -> memref<80x32xbf16, #tpu.memory_space<vmem_shared>>
          tpu.wait_dma2 semaphore(%run_scoped3A_48 : memref<!tpu.dma_semaphore, #tpu.memory_space<semaphore_mem>>) src(%arg15 : memref<80x32xbf16, #tpu.memory_space<vmem>>) dst(%dma_wait3A_54 : memref<80x32xbf16, #tpu.memory_space<vmem_shared>>)
          tpu.yield
        }) : () -> ()
      }
      %scan3A_40 = arith.constant 5 : i32
    } else {
    }
    %scan3A_10 = arith.constant 0 : i32
    %scan3A_11 = arith.constant 80 : i32
    %scan3A_12 = arith.addi %scan3A_10, %scan3A_11 : i32
    %scan3A_13 = arith.constant 1 : i32
    scf.for %scan3A_36 = %scan3A_10 to %scan3A_12 step %scan3A_13  : i32 {
      %mul3A = arith.constant 1 : i32
      %mul3A_37 = arith.muli %scan3A_36, %mul3A : i32
      %add3A = arith.constant 0 : i32
      %add3A_38 = arith.addi %add3A, %mul3A_37 : i32
      %broadcast_in_dim3A = arith.constant 1.000000e+00 : bf16
      %broadcast_in_dim3A_39 = vector.broadcast %broadcast_in_dim3A : bf16 to vector<32xbf16>
      %swap3A = arith.index_cast %add3A_38 : i32 to index
      %swap3A_40 = arith.constant 0 : index
      %swap3A_41 = tpu.vector_load %arg15[%swap3A, %swap3A_40] {strides = array<i32>} : memref<80x32xbf16, #tpu.memory_space<vmem>>, vector<1x32xbf16>,
      %swap3A_42 = vector.shape_cast %swap3A_41 : vector<1x32xbf16> to vector<32xbf16>
      %swap3A_43 = vector.shape_cast %broadcast_in_dim3A_39 : vector<32xbf16> to vector<1x32xbf16>
      tpu.vector_store %arg15[%swap3A, %swap3A_40], %swap3A_43 {strides = array<i32>} : memref<80x32xbf16, #tpu.memory_space<vmem>>, vector<1x32xbf16>,
    }
    %scan3A_14 = arith.constant 80 : i32
    %barrier3A = arith.constant 0 : index
    tpu.barrier barrier_id(%barrier3A)
    %eq3A_15 = arith.constant 0 : i32
    %eq3A_16 = arith.cmpi eq, %arg0, %eq3A_15 : i32
    %convert_element_type3A_17 = arith.extui %eq3A_16 : i1 to i32
    %cond3A_18 = arith.constant 0 : i32
    %cond3A_19 = arith.cmpi ne, %convert_element_type3A_17, %cond3A_18 : i32
    scf.if %cond3A_19 {
      %mul3A = arith.constant 20000 : i32
      %mul3A_36 = arith.muli %arg1, %mul3A : i32
      %run_scoped3A = arith.constant 0 : i32
      "tpu.region"() ({
        %run_scoped3A_98 = tpu.sem_alloc : memref<!tpu.dma_semaphore, #tpu.memory_space<semaphore_mem>>
        %dma_start3A_99 = tpu.memref_slice %arg4[%run_scoped3A, %mul3A_36] : memref<2x320000xi32, #tpu.memory_space<hbm>> -> memref<1x20000xi32, #tpu.memory_space<hbm>>
        %dma_start3A_100 = tpu.memref_squeeze %dma_start3A_99 : memref<1x20000xi32, #tpu.memory_space<hbm>> -> memref<20000xi32, #tpu.memory_space<hbm>>
        %dma_start3A_101 = tpu.memref_slice %arg4[%run_scoped3A, %mul3A_36] : memref<2x320000xi32, #tpu.memory_space<hbm>> -> memref<1x20000xi32, #tpu.memory_space<hbm>>
        %dma_start3A_102 = tpu.memref_squeeze %dma_start3A_101 : memref<1x20000xi32, #tpu.memory_space<hbm>> -> memref<20000xi32, #tpu.memory_space<hbm>>
        tpu.enqueue_dma source(%dma_start3A_102 : memref<20000xi32, #tpu.memory_space<hbm>>) target(%arg12 : memref<20000xi32, #tpu.memory_space<vmem>>) target_semaphore(%run_scoped3A_98 : memref<!tpu.dma_semaphore, #tpu.memory_space<semaphore_mem>>)
        %dma_wait3A_103 = tpu.memref_slice %arg4[%run_scoped3A, %mul3A_36] : memref<2x320000xi32, #tpu.memory_space<hbm>> -> memref<1x20000xi32, #tpu.memory_space<hbm>>
        %dma_wait3A_104 = tpu.memref_squeeze %dma_wait3A_103 : memref<1x20000xi32, #tpu.memory_space<hbm>> -> memref<20000xi32, #tpu.memory_space<hbm>>
        %dma_wait3A_105 = tpu.memref_slice %arg4[%run_scoped3A, %mul3A_36] : memref<2x320000xi32, #tpu.memory_space<hbm>> -> memref<1x20000xi32, #tpu.memory_space<hbm>>
        %dma_wait3A_106 = tpu.memref_squeeze %dma_wait3A_105 : memref<1x20000xi32, #tpu.memory_space<hbm>> -> memref<20000xi32, #tpu.memory_space<hbm>>
        tpu.wait_dma2 semaphore(%run_scoped3A_98 : memref<!tpu.dma_semaphore, #tpu.memory_space<semaphore_mem>>) src(%dma_wait3A_106 : memref<20000xi32, #tpu.memory_space<hbm>>) dst(%arg12 : memref<20000xi32, #tpu.memory_space<vmem>>)
        tpu.yield
      }) : () -> ()
      %mul3A_37 = arith.constant 20000 : i32
      %mul3A_38 = arith.muli %arg1, %mul3A_37 : i32
      %run_scoped3A_39 = arith.constant 1 : i32
      "tpu.region"() ({
        %run_scoped3A_98 = tpu.sem_alloc : memref<!tpu.dma_semaphore, #tpu.memory_space<semaphore_mem>>
        %dma_start3A_99 = tpu.memref_slice %arg4[%run_scoped3A_39, %mul3A_38] : memref<2x320000xi32, #tpu.memory_space<hbm>> -> memref<1x20000xi32, #tpu.memory_space<hbm>>
        %dma_start3A_100 = tpu.memref_squeeze %dma_start3A_99 : memref<1x20000xi32, #tpu.memory_space<hbm>> -> memref<20000xi32, #tpu.memory_space<hbm>>
        %dma_start3A_101 = tpu.memref_slice %arg4[%run_scoped3A_39, %mul3A_38] : memref<2x320000xi32, #tpu.memory_space<hbm>> -> memref<1x20000xi32, #tpu.memory_space<hbm>>
        %dma_start3A_102 = tpu.memref_squeeze %dma_start3A_101 : memref<1x20000xi32, #tpu.memory_space<hbm>> -> memref<20000xi32, #tpu.memory_space<hbm>>
        tpu.enqueue_dma source(%dma_start3A_102 : memref<20000xi32, #tpu.memory_space<hbm>>) target(%arg13 : memref<20000xi32, #tpu.memory_space<vmem>>) target_semaphore(%run_scoped3A_98 : memref<!tpu.dma_semaphore, #tpu.memory_space<semaphore_mem>>)
        %dma_wait3A_103 = tpu.memref_slice %arg4[%run_scoped3A_39, %mul3A_38] : memref<2x320000xi32, #tpu.memory_space<hbm>> -> memref<1x20000xi32, #tpu.memory_space<hbm>>
        %dma_wait3A_104 = tpu.memref_squeeze %dma_wait3A_103 : memref<1x20000xi32, #tpu.memory_space<hbm>> -> memref<20000xi32, #tpu.memory_space<hbm>>
        %dma_wait3A_105 = tpu.memref_slice %arg4[%run_scoped3A_39, %mul3A_38] : memref<2x320000xi32, #tpu.memory_space<hbm>> -> memref<1x20000xi32, #tpu.memory_space<hbm>>
        %dma_wait3A_106 = tpu.memref_squeeze %dma_wait3A_105 : memref<1x20000xi32, #tpu.memory_space<hbm>> -> memref<20000xi32, #tpu.memory_space<hbm>>
        tpu.wait_dma2 semaphore(%run_scoped3A_98 : memref<!tpu.dma_semaphore, #tpu.memory_space<semaphore_mem>>) src(%dma_wait3A_106 : memref<20000xi32, #tpu.memory_space<hbm>>) dst(%arg13 : memref<20000xi32, #tpu.memory_space<vmem>>)
        tpu.yield
      }) : () -> ()
      %dma_start3A = arith.constant 0 : i32
      %dma_start3A_40 = arith.constant 0 : i32
      %dma_start3A_41 = arith.constant 0 : i32
      %dma_start3A_42 = tpu.memref_slice %arg14[%dma_start3A, %dma_start3A_40, %dma_start3A_41] : memref<5x80x128xbf16, #tpu.memory_space<vmem>> -> memref<1x80x128xbf16, #tpu.memory_space<vmem>>
      %dma_start3A_43 = tpu.memref_squeeze %dma_start3A_42 : memref<1x80x128xbf16, #tpu.memory_space<vmem>> -> memref<80x128xbf16, #tpu.memory_space<vmem>>
      %dma_start3A_44 = arith.constant 0 : i32
      %dma_start3A_45 = tpu.memref_slice %arg12[%dma_start3A_44] : memref<20000xi32, #tpu.memory_space<vmem>> -> memref<80xi32, #tpu.memory_space<vmem>>
      %dma_start3A_46 = arith.constant 0 : i32
      %dma_start3A_47 = arith.constant 0 : i32
      %dma_start3A_48 = tpu.memref_slice %arg2[%dma_start3A_46, %dma_start3A_47] : memref<10000x128xbf16, #tpu.memory_space<hbm>> -> memref<10000x128xbf16, #tpu.memory_space<hbm>>
      tpu.enqueue_indirect_dma source(%dma_start3A_48 : memref<10000x128xbf16, #tpu.memory_space<hbm>>) target(%dma_start3A_43 : memref<80x128xbf16, #tpu.memory_space<vmem>>) offsets(%dma_start3A_45 : memref<80xi32, #tpu.memory_space<vmem>>) semaphore(%arg16 : memref<!tpu.dma_semaphore, #tpu.memory_space<semaphore_mem>>)
      %dma_start3A_49 = arith.constant 1 : i32
      %dma_start3A_50 = arith.constant 0 : i32
      %dma_start3A_51 = arith.constant 0 : i32
      %dma_start3A_52 = tpu.memref_slice %arg14[%dma_start3A_49, %dma_start3A_50, %dma_start3A_51] : memref<5x80x128xbf16, #tpu.memory_space<vmem>> -> memref<1x80x128xbf16, #tpu.memory_space<vmem>>
      %dma_start3A_53 = tpu.memref_squeeze %dma_start3A_52 : memref<1x80x128xbf16, #tpu.memory_space<vmem>> -> memref<80x128xbf16, #tpu.memory_space<vmem>>
      %dma_start3A_54 = arith.constant 80 : i32
      %dma_start3A_55 = tpu.memref_slice %arg12[%dma_start3A_54] : memref<20000xi32, #tpu.memory_space<vmem>> -> memref<80xi32, #tpu.memory_space<vmem>>
      %dma_start3A_56 = arith.constant 0 : i32
      %dma_start3A_57 = arith.constant 0 : i32
      %dma_start3A_58 = tpu.memref_slice %arg2[%dma_start3A_56, %dma_start3A_57] : memref<10000x128xbf16, #tpu.memory_space<hbm>> -> memref<10000x128xbf16, #tpu.memory_space<hbm>>
      tpu.enqueue_indirect_dma source(%dma_start3A_58 : memref<10000x128xbf16, #tpu.memory_space<hbm>>) target(%dma_start3A_53 : memref<80x128xbf16, #tpu.memory_space<vmem>>) offsets(%dma_start3A_55 : memref<80xi32, #tpu.memory_space<vmem>>) semaphore(%arg17 : memref<!tpu.dma_semaphore, #tpu.memory_space<semaphore_mem>>)
      %dma_start3A_59 = arith.constant 2 : i32
      %dma_start3A_60 = arith.constant 0 : i32
      %dma_start3A_61 = arith.constant 0 : i32
      %dma_start3A_62 = tpu.memref_slice %arg14[%dma_start3A_59, %dma_start3A_60, %dma_start3A_61] : memref<5x80x128xbf16, #tpu.memory_space<vmem>> -> memref<1x80x128xbf16, #tpu.memory_space<vmem>>
      %dma_start3A_63 = tpu.memref_squeeze %dma_start3A_62 : memref<1x80x128xbf16, #tpu.memory_space<vmem>> -> memref<80x128xbf16, #tpu.memory_space<vmem>>
      %dma_start3A_64 = arith.constant 160 : i32
      %dma_start3A_65 = tpu.memref_slice %arg12[%dma_start3A_64] : memref<20000xi32, #tpu.memory_space<vmem>> -> memref<80xi32, #tpu.memory_space<vmem>>
      %dma_start3A_66 = arith.constant 0 : i32
      %dma_start3A_67 = arith.constant 0 : i32
      %dma_start3A_68 = tpu.memref_slice %arg2[%dma_start3A_66, %dma_start3A_67] : memref<10000x128xbf16, #tpu.memory_space<hbm>> -> memref<10000x128xbf16, #tpu.memory_space<hbm>>
      tpu.enqueue_indirect_dma source(%dma_start3A_68 : memref<10000x128xbf16, #tpu.memory_space<hbm>>) target(%dma_start3A_63 : memref<80x128xbf16, #tpu.memory_space<vmem>>) offsets(%dma_start3A_65 : memref<80xi32, #tpu.memory_space<vmem>>) semaphore(%arg18 : memref<!tpu.dma_semaphore, #tpu.memory_space<semaphore_mem>>)
      %dma_start3A_69 = arith.constant 3 : i32
      %dma_start3A_70 = arith.constant 0 : i32
      %dma_start3A_71 = arith.constant 0 : i32
      %dma_start3A_72 = tpu.memref_slice %arg14[%dma_start3A_69, %dma_start3A_70, %dma_start3A_71] : memref<5x80x128xbf16, #tpu.memory_space<vmem>> -> memref<1x80x128xbf16, #tpu.memory_space<vmem>>
      %dma_start3A_73 = tpu.memref_squeeze %dma_start3A_72 : memref<1x80x128xbf16, #tpu.memory_space<vmem>> -> memref<80x128xbf16, #tpu.memory_space<vmem>>
      %dma_start3A_74 = arith.constant 240 : i32
      %dma_start3A_75 = tpu.memref_slice %arg12[%dma_start3A_74] : memref<20000xi32, #tpu.memory_space<vmem>> -> memref<80xi32, #tpu.memory_space<vmem>>
      %dma_start3A_76 = arith.constant 0 : i32
      %dma_start3A_77 = arith.constant 0 : i32
      %dma_start3A_78 = tpu.memref_slice %arg2[%dma_start3A_76, %dma_start3A_77] : memref<10000x128xbf16, #tpu.memory_space<hbm>> -> memref<10000x128xbf16, #tpu.memory_space<hbm>>
      tpu.enqueue_indirect_dma source(%dma_start3A_78 : memref<10000x128xbf16, #tpu.memory_space<hbm>>) target(%dma_start3A_73 : memref<80x128xbf16, #tpu.memory_space<vmem>>) offsets(%dma_start3A_75 : memref<80xi32, #tpu.memory_space<vmem>>) semaphore(%arg19 : memref<!tpu.dma_semaphore, #tpu.memory_space<semaphore_mem>>)
      %scan3A_79 = arith.constant 0 : i32
      %scan3A_80 = arith.constant 50 : i32
      %scan3A_81 = arith.addi %scan3A_79, %scan3A_80 : i32
      %scan3A_82 = arith.constant 1 : i32
      scf.for %scan3A_98 = %scan3A_79 to %scan3A_81 step %scan3A_82  : i32 {
        %mul3A_99 = arith.constant 1 : i32
        %mul3A_100 = arith.muli %scan3A_98, %mul3A_99 : i32
        %add3A = arith.constant 0 : i32
        %add3A_101 = arith.addi %add3A, %mul3A_100 : i32
        %mul3A_102 = arith.constant 5 : i32
        %mul3A_103 = arith.muli %mul3A_102, %add3A_101 : i32
        %add3A_104 = arith.constant 0 : i32
        %add3A_105 = arith.addi %mul3A_103, %add3A_104 : i32
        %ge3A = arith.constant 1 : i32
        %ge3A_106 = arith.cmpi sge, %add3A_105, %ge3A : i32
        %convert_element_type3A_107 = arith.extui %ge3A_106 : i1 to i32
        %cond3A_108 = arith.constant 0 : i32
        %cond3A_109 = arith.cmpi ne, %convert_element_type3A_107, %cond3A_108 : i32
        scf.if %cond3A_109 {
          %dma_wait3A_322 = arith.constant 4 : i32
          %dma_wait3A_323 = arith.constant 0 : i32
          %dma_wait3A_324 = arith.constant 0 : i32
          %dma_wait3A_325 = tpu.memref_slice %arg14[%dma_wait3A_322, %dma_wait3A_323, %dma_wait3A_324] : memref<5x80x128xbf16, #tpu.memory_space<vmem>> -> memref<1x80x128xbf16, #tpu.memory_space<vmem>>
          %dma_wait3A_326 = tpu.memref_squeeze %dma_wait3A_325 : memref<1x80x128xbf16, #tpu.memory_space<vmem>> -> memref<80x128xbf16, #tpu.memory_space<vmem>>
          %dma_wait3A_327 = arith.constant 0 : i32
          %dma_wait3A_328 = tpu.memref_slice %arg13[%dma_wait3A_327] : memref<20000xi32, #tpu.memory_space<vmem>> -> memref<80xi32, #tpu.memory_space<vmem>>
          %dma_wait3A_329 = arith.constant 0 : i32
          %dma_wait3A_330 = arith.constant 0 : i32
          %dma_wait3A_331 = tpu.memref_slice %arg10[%dma_wait3A_329, %dma_wait3A_330] : memref<10000x128xbf16, #tpu.memory_space<vmem_shared>> -> memref<10000x128xbf16, #tpu.memory_space<vmem_shared>>
          tpu.wait_indirect_dma semaphore(%arg25 : memref<!tpu.dma_semaphore, #tpu.memory_space<semaphore_mem>>) src(%dma_wait3A_326 : memref<80x128xbf16, #tpu.memory_space<vmem>>) dst(%dma_wait3A_331 : memref<10000x128xbf16, #tpu.memory_space<vmem_shared>>)
          %dma_wait3A_332 = arith.constant 0 : i32
          %dma_wait3A_333 = tpu.memref_slice %arg13[%dma_wait3A_332] : memref<20000xi32, #tpu.memory_space<vmem>> -> memref<80xi32, #tpu.memory_space<vmem>>
          %dma_wait3A_334 = arith.constant 0 : i32
          %dma_wait3A_335 = arith.constant 0 : i32
          %dma_wait3A_336 = tpu.memref_slice %arg11[%dma_wait3A_334, %dma_wait3A_335] : memref<10000x32xbf16, #tpu.memory_space<vmem_shared>> -> memref<10000x32xbf16, #tpu.memory_space<vmem_shared>>
          tpu.wait_indirect_dma semaphore(%arg30 : memref<!tpu.dma_semaphore, #tpu.memory_space<semaphore_mem>>) src(%arg15 : memref<80x32xbf16, #tpu.memory_space<vmem>>) dst(%dma_wait3A_336 : memref<10000x32xbf16, #tpu.memory_space<vmem_shared>>)
        } else {
        }
        %add3A_110 = arith.constant 5 : i32
        %add3A_111 = arith.addi %add3A_105, %add3A_110 : i32
        %sub3A = arith.constant 1 : i32
        %sub3A_112 = arith.subi %add3A_111, %sub3A : i32
        %lt3A_113 = arith.constant 250 : i32
        %lt3A_114 = arith.cmpi slt, %sub3A_112, %lt3A_113 : i32
        %convert_element_type3A_115 = arith.extui %lt3A_114 : i1 to i32
        %cond3A_116 = arith.constant 0 : i32
        %cond3A_117 = arith.cmpi ne, %convert_element_type3A_115, %cond3A_116 : i32
        scf.if %cond3A_117 {
          %add3A_322 = arith.constant 5 : i32
          %add3A_323 = arith.addi %add3A_105, %add3A_322 : i32
          %sub3A_324 = arith.constant 1 : i32
          %sub3A_325 = arith.subi %add3A_323, %sub3A_324 : i32
          %mul3A_326 = arith.constant 80 : i32
          %mul3A_327 = arith.muli %sub3A_325, %mul3A_326 : i32
          %dma_start3A_328 = arith.constant 4 : i32
          %dma_start3A_329 = arith.constant 0 : i32
          %dma_start3A_330 = arith.constant 0 : i32
          %dma_start3A_331 = tpu.memref_slice %arg14[%dma_start3A_328, %dma_start3A_329, %dma_start3A_330] : memref<5x80x128xbf16, #tpu.memory_space<vmem>> -> memref<1x80x128xbf16, #tpu.memory_space<vmem>>
          %dma_start3A_332 = tpu.memref_squeeze %dma_start3A_331 : memref<1x80x128xbf16, #tpu.memory_space<vmem>> -> memref<80x128xbf16, #tpu.memory_space<vmem>>
          %dma_start3A_333 = tpu.memref_slice %arg12[%mul3A_327] : memref<20000xi32, #tpu.memory_space<vmem>> -> memref<80xi32, #tpu.memory_space<vmem>>
          %dma_start3A_334 = arith.constant 0 : i32
          %dma_start3A_335 = arith.constant 0 : i32
          %dma_start3A_336 = tpu.memref_slice %arg2[%dma_start3A_334, %dma_start3A_335] : memref<10000x128xbf16, #tpu.memory_space<hbm>> -> memref<10000x128xbf16, #tpu.memory_space<hbm>>
          tpu.enqueue_indirect_dma source(%dma_start3A_336 : memref<10000x128xbf16, #tpu.memory_space<hbm>>) target(%dma_start3A_332 : memref<80x128xbf16, #tpu.memory_space<vmem>>) offsets(%dma_start3A_333 : memref<80xi32, #tpu.memory_space<vmem>>) semaphore(%arg20 : memref<!tpu.dma_semaphore, #tpu.memory_space<semaphore_mem>>)
        } else {
        }
        %mul3A_118 = arith.constant 80 : i32
        %mul3A_119 = arith.muli %add3A_105, %mul3A_118 : i32
        %dma_wait3A_120 = arith.constant 0 : i32
        %dma_wait3A_121 = arith.constant 0 : i32
        %dma_wait3A_122 = arith.constant 0 : i32
        %dma_wait3A_123 = tpu.memref_slice %arg14[%dma_wait3A_120, %dma_wait3A_121, %dma_wait3A_122] : memref<5x80x128xbf16, #tpu.memory_space<vmem>> -> memref<1x80x128xbf16, #tpu.memory_space<vmem>>
        %dma_wait3A_124 = tpu.memref_squeeze %dma_wait3A_123 : memref<1x80x128xbf16, #tpu.memory_space<vmem>> -> memref<80x128xbf16, #tpu.memory_space<vmem>>
        %dma_wait3A_125 = tpu.memref_slice %arg12[%mul3A_119] : memref<20000xi32, #tpu.memory_space<vmem>> -> memref<80xi32, #tpu.memory_space<vmem>>
        %dma_wait3A_126 = arith.constant 0 : i32
        %dma_wait3A_127 = arith.constant 0 : i32
        %dma_wait3A_128 = tpu.memref_slice %arg2[%dma_wait3A_126, %dma_wait3A_127] : memref<10000x128xbf16, #tpu.memory_space<hbm>> -> memref<10000x128xbf16, #tpu.memory_space<hbm>>
        tpu.wait_indirect_dma semaphore(%arg16 : memref<!tpu.dma_semaphore, #tpu.memory_space<semaphore_mem>>) src(%dma_wait3A_128 : memref<10000x128xbf16, #tpu.memory_space<hbm>>) dst(%dma_wait3A_124 : memref<80x128xbf16, #tpu.memory_space<vmem>>)
        %mul3A_129 = arith.constant 80 : i32
        %mul3A_130 = arith.muli %add3A_105, %mul3A_129 : i32
        %dma_start3A_131 = arith.constant 0 : i32
        %dma_start3A_132 = arith.constant 0 : i32
        %dma_start3A_133 = arith.constant 0 : i32
        %dma_start3A_134 = tpu.memref_slice %arg14[%dma_start3A_131, %dma_start3A_132, %dma_start3A_133] : memref<5x80x128xbf16, #tpu.memory_space<vmem>> -> memref<1x80x128xbf16, #tpu.memory_space<vmem>>
        %dma_start3A_135 = tpu.memref_squeeze %dma_start3A_134 : memref<1x80x128xbf16, #tpu.memory_space<vmem>> -> memref<80x128xbf16, #tpu.memory_space<vmem>>
        %dma_start3A_136 = tpu.memref_slice %arg13[%mul3A_130] : memref<20000xi32, #tpu.memory_space<vmem>> -> memref<80xi32, #tpu.memory_space<vmem>>
        %dma_start3A_137 = arith.constant 0 : i32
        %dma_start3A_138 = arith.constant 0 : i32
        %dma_start3A_139 = tpu.memref_slice %arg10[%dma_start3A_137, %dma_start3A_138] : memref<10000x128xbf16, #tpu.memory_space<vmem_shared>> -> memref<10000x128xbf16, #tpu.memory_space<vmem_shared>>
        tpu.enqueue_indirect_dma source(%dma_start3A_135 : memref<80x128xbf16, #tpu.memory_space<vmem>>) target(%dma_start3A_139 : memref<10000x128xbf16, #tpu.memory_space<vmem_shared>>) offsets(%dma_start3A_136 : memref<80xi32, #tpu.memory_space<vmem>>) semaphore(%arg21 : memref<!tpu.dma_semaphore, #tpu.memory_space<semaphore_mem>>) {add = true}
        %mul3A_140 = arith.constant 80 : i32
        %mul3A_141 = arith.muli %add3A_105, %mul3A_140 : i32
        %dma_start3A_142 = tpu.memref_slice %arg13[%mul3A_141] : memref<20000xi32, #tpu.memory_space<vmem>> -> memref<80xi32, #tpu.memory_space<vmem>>
        %dma_start3A_143 = arith.constant 0 : i32
        %dma_start3A_144 = arith.constant 0 : i32
        %dma_start3A_145 = tpu.memref_slice %arg11[%dma_start3A_143, %dma_start3A_144] : memref<10000x32xbf16, #tpu.memory_space<vmem_shared>> -> memref<10000x32xbf16, #tpu.memory_space<vmem_shared>>
        tpu.enqueue_indirect_dma source(%arg15 : memref<80x32xbf16, #tpu.memory_space<vmem>>) target(%dma_start3A_145 : memref<10000x32xbf16, #tpu.memory_space<vmem_shared>>) offsets(%dma_start3A_142 : memref<80xi32, #tpu.memory_space<vmem>>) semaphore(%arg26 : memref<!tpu.dma_semaphore, #tpu.memory_space<semaphore_mem>>) {add = true}
        %add3A_146 = arith.constant 1 : i32
        %add3A_147 = arith.addi %mul3A_103, %add3A_146 : i32
        %ge3A_148 = arith.constant 1 : i32
        %ge3A_149 = arith.cmpi sge, %add3A_147, %ge3A_148 : i32
        %convert_element_type3A_150 = arith.extui %ge3A_149 : i1 to i32
        %cond3A_151 = arith.constant 0 : i32
        %cond3A_152 = arith.cmpi ne, %convert_element_type3A_150, %cond3A_151 : i32
        scf.if %cond3A_152 {
          %dma_wait3A_322 = arith.constant 0 : i32
          %dma_wait3A_323 = arith.constant 0 : i32
          %dma_wait3A_324 = arith.constant 0 : i32
          %dma_wait3A_325 = tpu.memref_slice %arg14[%dma_wait3A_322, %dma_wait3A_323, %dma_wait3A_324] : memref<5x80x128xbf16, #tpu.memory_space<vmem>> -> memref<1x80x128xbf16, #tpu.memory_space<vmem>>
          %dma_wait3A_326 = tpu.memref_squeeze %dma_wait3A_325 : memref<1x80x128xbf16, #tpu.memory_space<vmem>> -> memref<80x128xbf16, #tpu.memory_space<vmem>>
          %dma_wait3A_327 = arith.constant 0 : i32
          %dma_wait3A_328 = tpu.memref_slice %arg13[%dma_wait3A_327] : memref<20000xi32, #tpu.memory_space<vmem>> -> memref<80xi32, #tpu.memory_space<vmem>>
          %dma_wait3A_329 = arith.constant 0 : i32
          %dma_wait3A_330 = arith.constant 0 : i32
          %dma_wait3A_331 = tpu.memref_slice %arg10[%dma_wait3A_329, %dma_wait3A_330] : memref<10000x128xbf16, #tpu.memory_space<vmem_shared>> -> memref<10000x128xbf16, #tpu.memory_space<vmem_shared>>
          tpu.wait_indirect_dma semaphore(%arg21 : memref<!tpu.dma_semaphore, #tpu.memory_space<semaphore_mem>>) src(%dma_wait3A_326 : memref<80x128xbf16, #tpu.memory_space<vmem>>) dst(%dma_wait3A_331 : memref<10000x128xbf16, #tpu.memory_space<vmem_shared>>)
          %dma_wait3A_332 = arith.constant 0 : i32
          %dma_wait3A_333 = tpu.memref_slice %arg13[%dma_wait3A_332] : memref<20000xi32, #tpu.memory_space<vmem>> -> memref<80xi32, #tpu.memory_space<vmem>>
          %dma_wait3A_334 = arith.constant 0 : i32
          %dma_wait3A_335 = arith.constant 0 : i32
          %dma_wait3A_336 = tpu.memref_slice %arg11[%dma_wait3A_334, %dma_wait3A_335] : memref<10000x32xbf16, #tpu.memory_space<vmem_shared>> -> memref<10000x32xbf16, #tpu.memory_space<vmem_shared>>
          tpu.wait_indirect_dma semaphore(%arg26 : memref<!tpu.dma_semaphore, #tpu.memory_space<semaphore_mem>>) src(%arg15 : memref<80x32xbf16, #tpu.memory_space<vmem>>) dst(%dma_wait3A_336 : memref<10000x32xbf16, #tpu.memory_space<vmem_shared>>)
        } else {
        }
        %add3A_153 = arith.constant 5 : i32
        %add3A_154 = arith.addi %add3A_147, %add3A_153 : i32
        %sub3A_155 = arith.constant 1 : i32
        %sub3A_156 = arith.subi %add3A_154, %sub3A_155 : i32
        %lt3A_157 = arith.constant 250 : i32
        %lt3A_158 = arith.cmpi slt, %sub3A_156, %lt3A_157 : i32
        %convert_element_type3A_159 = arith.extui %lt3A_158 : i1 to i32
        %cond3A_160 = arith.constant 0 : i32
        %cond3A_161 = arith.cmpi ne, %convert_element_type3A_159, %cond3A_160 : i32
        scf.if %cond3A_161 {
          %add3A_322 = arith.constant 5 : i32
          %add3A_323 = arith.addi %add3A_147, %add3A_322 : i32
          %sub3A_324 = arith.constant 1 : i32
          %sub3A_325 = arith.subi %add3A_323, %sub3A_324 : i32
          %mul3A_326 = arith.constant 80 : i32
          %mul3A_327 = arith.muli %sub3A_325, %mul3A_326 : i32
          %dma_start3A_328 = arith.constant 0 : i32
          %dma_start3A_329 = arith.constant 0 : i32
          %dma_start3A_330 = arith.constant 0 : i32
          %dma_start3A_331 = tpu.memref_slice %arg14[%dma_start3A_328, %dma_start3A_329, %dma_start3A_330] : memref<5x80x128xbf16, #tpu.memory_space<vmem>> -> memref<1x80x128xbf16, #tpu.memory_space<vmem>>
          %dma_start3A_332 = tpu.memref_squeeze %dma_start3A_331 : memref<1x80x128xbf16, #tpu.memory_space<vmem>> -> memref<80x128xbf16, #tpu.memory_space<vmem>>
          %dma_start3A_333 = tpu.memref_slice %arg12[%mul3A_327] : memref<20000xi32, #tpu.memory_space<vmem>> -> memref<80xi32, #tpu.memory_space<vmem>>
          %dma_start3A_334 = arith.constant 0 : i32
          %dma_start3A_335 = arith.constant 0 : i32
          %dma_start3A_336 = tpu.memref_slice %arg2[%dma_start3A_334, %dma_start3A_335] : memref<10000x128xbf16, #tpu.memory_space<hbm>> -> memref<10000x128xbf16, #tpu.memory_space<hbm>>
          tpu.enqueue_indirect_dma source(%dma_start3A_336 : memref<10000x128xbf16, #tpu.memory_space<hbm>>) target(%dma_start3A_332 : memref<80x128xbf16, #tpu.memory_space<vmem>>) offsets(%dma_start3A_333 : memref<80xi32, #tpu.memory_space<vmem>>) semaphore(%arg16 : memref<!tpu.dma_semaphore, #tpu.memory_space<semaphore_mem>>)
        } else {
        }
        %mul3A_162 = arith.constant 80 : i32
        %mul3A_163 = arith.muli %add3A_147, %mul3A_162 : i32
        %dma_wait3A_164 = arith.constant 1 : i32
        %dma_wait3A_165 = arith.constant 0 : i32
        %dma_wait3A_166 = arith.constant 0 : i32
        %dma_wait3A_167 = tpu.memref_slice %arg14[%dma_wait3A_164, %dma_wait3A_165, %dma_wait3A_166] : memref<5x80x128xbf16, #tpu.memory_space<vmem>> -> memref<1x80x128xbf16, #tpu.memory_space<vmem>>
        %dma_wait3A_168 = tpu.memref_squeeze %dma_wait3A_167 : memref<1x80x128xbf16, #tpu.memory_space<vmem>> -> memref<80x128xbf16, #tpu.memory_space<vmem>>
        %dma_wait3A_169 = tpu.memref_slice %arg12[%mul3A_163] : memref<20000xi32, #tpu.memory_space<vmem>> -> memref<80xi32, #tpu.memory_space<vmem>>
        %dma_wait3A_170 = arith.constant 0 : i32
        %dma_wait3A_171 = arith.constant 0 : i32
        %dma_wait3A_172 = tpu.memref_slice %arg2[%dma_wait3A_170, %dma_wait3A_171] : memref<10000x128xbf16, #tpu.memory_space<hbm>> -> memref<10000x128xbf16, #tpu.memory_space<hbm>>
        tpu.wait_indirect_dma semaphore(%arg17 : memref<!tpu.dma_semaphore, #tpu.memory_space<semaphore_mem>>) src(%dma_wait3A_172 : memref<10000x128xbf16, #tpu.memory_space<hbm>>) dst(%dma_wait3A_168 : memref<80x128xbf16, #tpu.memory_space<vmem>>)
        %mul3A_173 = arith.constant 80 : i32
        %mul3A_174 = arith.muli %add3A_147, %mul3A_173 : i32
        %dma_start3A_175 = arith.constant 1 : i32
        %dma_start3A_176 = arith.constant 0 : i32
        %dma_start3A_177 = arith.constant 0 : i32
        %dma_start3A_178 = tpu.memref_slice %arg14[%dma_start3A_175, %dma_start3A_176, %dma_start3A_177] : memref<5x80x128xbf16, #tpu.memory_space<vmem>> -> memref<1x80x128xbf16, #tpu.memory_space<vmem>>
        %dma_start3A_179 = tpu.memref_squeeze %dma_start3A_178 : memref<1x80x128xbf16, #tpu.memory_space<vmem>> -> memref<80x128xbf16, #tpu.memory_space<vmem>>
        %dma_start3A_180 = tpu.memref_slice %arg13[%mul3A_174] : memref<20000xi32, #tpu.memory_space<vmem>> -> memref<80xi32, #tpu.memory_space<vmem>>
        %dma_start3A_181 = arith.constant 0 : i32
        %dma_start3A_182 = arith.constant 0 : i32
        %dma_start3A_183 = tpu.memref_slice %arg10[%dma_start3A_181, %dma_start3A_182] : memref<10000x128xbf16, #tpu.memory_space<vmem_shared>> -> memref<10000x128xbf16, #tpu.memory_space<vmem_shared>>
        tpu.enqueue_indirect_dma source(%dma_start3A_179 : memref<80x128xbf16, #tpu.memory_space<vmem>>) target(%dma_start3A_183 : memref<10000x128xbf16, #tpu.memory_space<vmem_shared>>) offsets(%dma_start3A_180 : memref<80xi32, #tpu.memory_space<vmem>>) semaphore(%arg22 : memref<!tpu.dma_semaphore, #tpu.memory_space<semaphore_mem>>) {add = true}
        %mul3A_184 = arith.constant 80 : i32
        %mul3A_185 = arith.muli %add3A_147, %mul3A_184 : i32
        %dma_start3A_186 = tpu.memref_slice %arg13[%mul3A_185] : memref<20000xi32, #tpu.memory_space<vmem>> -> memref<80xi32, #tpu.memory_space<vmem>>
        %dma_start3A_187 = arith.constant 0 : i32
        %dma_start3A_188 = arith.constant 0 : i32
        %dma_start3A_189 = tpu.memref_slice %arg11[%dma_start3A_187, %dma_start3A_188] : memref<10000x32xbf16, #tpu.memory_space<vmem_shared>> -> memref<10000x32xbf16, #tpu.memory_space<vmem_shared>>
        tpu.enqueue_indirect_dma source(%arg15 : memref<80x32xbf16, #tpu.memory_space<vmem>>) target(%dma_start3A_189 : memref<10000x32xbf16, #tpu.memory_space<vmem_shared>>) offsets(%dma_start3A_186 : memref<80xi32, #tpu.memory_space<vmem>>) semaphore(%arg27 : memref<!tpu.dma_semaphore, #tpu.memory_space<semaphore_mem>>) {add = true}
        %add3A_190 = arith.constant 2 : i32
        %add3A_191 = arith.addi %mul3A_103, %add3A_190 : i32
        %ge3A_192 = arith.constant 1 : i32
        %ge3A_193 = arith.cmpi sge, %add3A_191, %ge3A_192 : i32
        %convert_element_type3A_194 = arith.extui %ge3A_193 : i1 to i32
        %cond3A_195 = arith.constant 0 : i32
        %cond3A_196 = arith.cmpi ne, %convert_element_type3A_194, %cond3A_195 : i32
        scf.if %cond3A_196 {
          %dma_wait3A_322 = arith.constant 1 : i32
          %dma_wait3A_323 = arith.constant 0 : i32
          %dma_wait3A_324 = arith.constant 0 : i32
          %dma_wait3A_325 = tpu.memref_slice %arg14[%dma_wait3A_322, %dma_wait3A_323, %dma_wait3A_324] : memref<5x80x128xbf16, #tpu.memory_space<vmem>> -> memref<1x80x128xbf16, #tpu.memory_space<vmem>>
          %dma_wait3A_326 = tpu.memref_squeeze %dma_wait3A_325 : memref<1x80x128xbf16, #tpu.memory_space<vmem>> -> memref<80x128xbf16, #tpu.memory_space<vmem>>
          %dma_wait3A_327 = arith.constant 0 : i32
          %dma_wait3A_328 = tpu.memref_slice %arg13[%dma_wait3A_327] : memref<20000xi32, #tpu.memory_space<vmem>> -> memref<80xi32, #tpu.memory_space<vmem>>
          %dma_wait3A_329 = arith.constant 0 : i32
          %dma_wait3A_330 = arith.constant 0 : i32
          %dma_wait3A_331 = tpu.memref_slice %arg10[%dma_wait3A_329, %dma_wait3A_330] : memref<10000x128xbf16, #tpu.memory_space<vmem_shared>> -> memref<10000x128xbf16, #tpu.memory_space<vmem_shared>>
          tpu.wait_indirect_dma semaphore(%arg22 : memref<!tpu.dma_semaphore, #tpu.memory_space<semaphore_mem>>) src(%dma_wait3A_326 : memref<80x128xbf16, #tpu.memory_space<vmem>>) dst(%dma_wait3A_331 : memref<10000x128xbf16, #tpu.memory_space<vmem_shared>>)
          %dma_wait3A_332 = arith.constant 0 : i32
          %dma_wait3A_333 = tpu.memref_slice %arg13[%dma_wait3A_332] : memref<20000xi32, #tpu.memory_space<vmem>> -> memref<80xi32, #tpu.memory_space<vmem>>
          %dma_wait3A_334 = arith.constant 0 : i32
          %dma_wait3A_335 = arith.constant 0 : i32
          %dma_wait3A_336 = tpu.memref_slice %arg11[%dma_wait3A_334, %dma_wait3A_335] : memref<10000x32xbf16, #tpu.memory_space<vmem_shared>> -> memref<10000x32xbf16, #tpu.memory_space<vmem_shared>>
          tpu.wait_indirect_dma semaphore(%arg27 : memref<!tpu.dma_semaphore, #tpu.memory_space<semaphore_mem>>) src(%arg15 : memref<80x32xbf16, #tpu.memory_space<vmem>>) dst(%dma_wait3A_336 : memref<10000x32xbf16, #tpu.memory_space<vmem_shared>>)
        } else {
        }
        %add3A_197 = arith.constant 5 : i32
        %add3A_198 = arith.addi %add3A_191, %add3A_197 : i32
        %sub3A_199 = arith.constant 1 : i32
        %sub3A_200 = arith.subi %add3A_198, %sub3A_199 : i32
        %lt3A_201 = arith.constant 250 : i32
        %lt3A_202 = arith.cmpi slt, %sub3A_200, %lt3A_201 : i32
        %convert_element_type3A_203 = arith.extui %lt3A_202 : i1 to i32
        %cond3A_204 = arith.constant 0 : i32
        %cond3A_205 = arith.cmpi ne, %convert_element_type3A_203, %cond3A_204 : i32
        scf.if %cond3A_205 {
          %add3A_322 = arith.constant 5 : i32
          %add3A_323 = arith.addi %add3A_191, %add3A_322 : i32
          %sub3A_324 = arith.constant 1 : i32
          %sub3A_325 = arith.subi %add3A_323, %sub3A_324 : i32
          %mul3A_326 = arith.constant 80 : i32
          %mul3A_327 = arith.muli %sub3A_325, %mul3A_326 : i32
          %dma_start3A_328 = arith.constant 1 : i32
          %dma_start3A_329 = arith.constant 0 : i32
          %dma_start3A_330 = arith.constant 0 : i32
          %dma_start3A_331 = tpu.memref_slice %arg14[%dma_start3A_328, %dma_start3A_329, %dma_start3A_330] : memref<5x80x128xbf16, #tpu.memory_space<vmem>> -> memref<1x80x128xbf16, #tpu.memory_space<vmem>>
          %dma_start3A_332 = tpu.memref_squeeze %dma_start3A_331 : memref<1x80x128xbf16, #tpu.memory_space<vmem>> -> memref<80x128xbf16, #tpu.memory_space<vmem>>
          %dma_start3A_333 = tpu.memref_slice %arg12[%mul3A_327] : memref<20000xi32, #tpu.memory_space<vmem>> -> memref<80xi32, #tpu.memory_space<vmem>>
          %dma_start3A_334 = arith.constant 0 : i32
          %dma_start3A_335 = arith.constant 0 : i32
          %dma_start3A_336 = tpu.memref_slice %arg2[%dma_start3A_334, %dma_start3A_335] : memref<10000x128xbf16, #tpu.memory_space<hbm>> -> memref<10000x128xbf16, #tpu.memory_space<hbm>>
          tpu.enqueue_indirect_dma source(%dma_start3A_336 : memref<10000x128xbf16, #tpu.memory_space<hbm>>) target(%dma_start3A_332 : memref<80x128xbf16, #tpu.memory_space<vmem>>) offsets(%dma_start3A_333 : memref<80xi32, #tpu.memory_space<vmem>>) semaphore(%arg17 : memref<!tpu.dma_semaphore, #tpu.memory_space<semaphore_mem>>)
        } else {
        }
        %mul3A_206 = arith.constant 80 : i32
        %mul3A_207 = arith.muli %add3A_191, %mul3A_206 : i32
        %dma_wait3A_208 = arith.constant 2 : i32
        %dma_wait3A_209 = arith.constant 0 : i32
        %dma_wait3A_210 = arith.constant 0 : i32
        %dma_wait3A_211 = tpu.memref_slice %arg14[%dma_wait3A_208, %dma_wait3A_209, %dma_wait3A_210] : memref<5x80x128xbf16, #tpu.memory_space<vmem>> -> memref<1x80x128xbf16, #tpu.memory_space<vmem>>
        %dma_wait3A_212 = tpu.memref_squeeze %dma_wait3A_211 : memref<1x80x128xbf16, #tpu.memory_space<vmem>> -> memref<80x128xbf16, #tpu.memory_space<vmem>>
        %dma_wait3A_213 = tpu.memref_slice %arg12[%mul3A_207] : memref<20000xi32, #tpu.memory_space<vmem>> -> memref<80xi32, #tpu.memory_space<vmem>>
        %dma_wait3A_214 = arith.constant 0 : i32
        %dma_wait3A_215 = arith.constant 0 : i32
        %dma_wait3A_216 = tpu.memref_slice %arg2[%dma_wait3A_214, %dma_wait3A_215] : memref<10000x128xbf16, #tpu.memory_space<hbm>> -> memref<10000x128xbf16, #tpu.memory_space<hbm>>
        tpu.wait_indirect_dma semaphore(%arg18 : memref<!tpu.dma_semaphore, #tpu.memory_space<semaphore_mem>>) src(%dma_wait3A_216 : memref<10000x128xbf16, #tpu.memory_space<hbm>>) dst(%dma_wait3A_212 : memref<80x128xbf16, #tpu.memory_space<vmem>>)
        %mul3A_217 = arith.constant 80 : i32
        %mul3A_218 = arith.muli %add3A_191, %mul3A_217 : i32
        %dma_start3A_219 = arith.constant 2 : i32
        %dma_start3A_220 = arith.constant 0 : i32
        %dma_start3A_221 = arith.constant 0 : i32
        %dma_start3A_222 = tpu.memref_slice %arg14[%dma_start3A_219, %dma_start3A_220, %dma_start3A_221] : memref<5x80x128xbf16, #tpu.memory_space<vmem>> -> memref<1x80x128xbf16, #tpu.memory_space<vmem>>
        %dma_start3A_223 = tpu.memref_squeeze %dma_start3A_222 : memref<1x80x128xbf16, #tpu.memory_space<vmem>> -> memref<80x128xbf16, #tpu.memory_space<vmem>>
        %dma_start3A_224 = tpu.memref_slice %arg13[%mul3A_218] : memref<20000xi32, #tpu.memory_space<vmem>> -> memref<80xi32, #tpu.memory_space<vmem>>
        %dma_start3A_225 = arith.constant 0 : i32
        %dma_start3A_226 = arith.constant 0 : i32
        %dma_start3A_227 = tpu.memref_slice %arg10[%dma_start3A_225, %dma_start3A_226] : memref<10000x128xbf16, #tpu.memory_space<vmem_shared>> -> memref<10000x128xbf16, #tpu.memory_space<vmem_shared>>
        tpu.enqueue_indirect_dma source(%dma_start3A_223 : memref<80x128xbf16, #tpu.memory_space<vmem>>) target(%dma_start3A_227 : memref<10000x128xbf16, #tpu.memory_space<vmem_shared>>) offsets(%dma_start3A_224 : memref<80xi32, #tpu.memory_space<vmem>>) semaphore(%arg23 : memref<!tpu.dma_semaphore, #tpu.memory_space<semaphore_mem>>) {add = true}
        %mul3A_228 = arith.constant 80 : i32
        %mul3A_229 = arith.muli %add3A_191, %mul3A_228 : i32
        %dma_start3A_230 = tpu.memref_slice %arg13[%mul3A_229] : memref<20000xi32, #tpu.memory_space<vmem>> -> memref<80xi32, #tpu.memory_space<vmem>>
        %dma_start3A_231 = arith.constant 0 : i32
        %dma_start3A_232 = arith.constant 0 : i32
        %dma_start3A_233 = tpu.memref_slice %arg11[%dma_start3A_231, %dma_start3A_232] : memref<10000x32xbf16, #tpu.memory_space<vmem_shared>> -> memref<10000x32xbf16, #tpu.memory_space<vmem_shared>>
        tpu.enqueue_indirect_dma source(%arg15 : memref<80x32xbf16, #tpu.memory_space<vmem>>) target(%dma_start3A_233 : memref<10000x32xbf16, #tpu.memory_space<vmem_shared>>) offsets(%dma_start3A_230 : memref<80xi32, #tpu.memory_space<vmem>>) semaphore(%arg28 : memref<!tpu.dma_semaphore, #tpu.memory_space<semaphore_mem>>) {add = true}
        %add3A_234 = arith.constant 3 : i32
        %add3A_235 = arith.addi %mul3A_103, %add3A_234 : i32
        %ge3A_236 = arith.constant 1 : i32
        %ge3A_237 = arith.cmpi sge, %add3A_235, %ge3A_236 : i32
        %convert_element_type3A_238 = arith.extui %ge3A_237 : i1 to i32
        %cond3A_239 = arith.constant 0 : i32
        %cond3A_240 = arith.cmpi ne, %convert_element_type3A_238, %cond3A_239 : i32
        scf.if %cond3A_240 {
          %dma_wait3A_322 = arith.constant 2 : i32
          %dma_wait3A_323 = arith.constant 0 : i32
          %dma_wait3A_324 = arith.constant 0 : i32
          %dma_wait3A_325 = tpu.memref_slice %arg14[%dma_wait3A_322, %dma_wait3A_323, %dma_wait3A_324] : memref<5x80x128xbf16, #tpu.memory_space<vmem>> -> memref<1x80x128xbf16, #tpu.memory_space<vmem>>
          %dma_wait3A_326 = tpu.memref_squeeze %dma_wait3A_325 : memref<1x80x128xbf16, #tpu.memory_space<vmem>> -> memref<80x128xbf16, #tpu.memory_space<vmem>>
          %dma_wait3A_327 = arith.constant 0 : i32
          %dma_wait3A_328 = tpu.memref_slice %arg13[%dma_wait3A_327] : memref<20000xi32, #tpu.memory_space<vmem>> -> memref<80xi32, #tpu.memory_space<vmem>>
          %dma_wait3A_329 = arith.constant 0 : i32
          %dma_wait3A_330 = arith.constant 0 : i32
          %dma_wait3A_331 = tpu.memref_slice %arg10[%dma_wait3A_329, %dma_wait3A_330] : memref<10000x128xbf16, #tpu.memory_space<vmem_shared>> -> memref<10000x128xbf16, #tpu.memory_space<vmem_shared>>
          tpu.wait_indirect_dma semaphore(%arg23 : memref<!tpu.dma_semaphore, #tpu.memory_space<semaphore_mem>>) src(%dma_wait3A_326 : memref<80x128xbf16, #tpu.memory_space<vmem>>) dst(%dma_wait3A_331 : memref<10000x128xbf16, #tpu.memory_space<vmem_shared>>)
          %dma_wait3A_332 = arith.constant 0 : i32
          %dma_wait3A_333 = tpu.memref_slice %arg13[%dma_wait3A_332] : memref<20000xi32, #tpu.memory_space<vmem>> -> memref<80xi32, #tpu.memory_space<vmem>>
          %dma_wait3A_334 = arith.constant 0 : i32
          %dma_wait3A_335 = arith.constant 0 : i32
          %dma_wait3A_336 = tpu.memref_slice %arg11[%dma_wait3A_334, %dma_wait3A_335] : memref<10000x32xbf16, #tpu.memory_space<vmem_shared>> -> memref<10000x32xbf16, #tpu.memory_space<vmem_shared>>
          tpu.wait_indirect_dma semaphore(%arg28 : memref<!tpu.dma_semaphore, #tpu.memory_space<semaphore_mem>>) src(%arg15 : memref<80x32xbf16, #tpu.memory_space<vmem>>) dst(%dma_wait3A_336 : memref<10000x32xbf16, #tpu.memory_space<vmem_shared>>)
        } else {
        }
        %add3A_241 = arith.constant 5 : i32
        %add3A_242 = arith.addi %add3A_235, %add3A_241 : i32
        %sub3A_243 = arith.constant 1 : i32
        %sub3A_244 = arith.subi %add3A_242, %sub3A_243 : i32
        %lt3A_245 = arith.constant 250 : i32
        %lt3A_246 = arith.cmpi slt, %sub3A_244, %lt3A_245 : i32
        %convert_element_type3A_247 = arith.extui %lt3A_246 : i1 to i32
        %cond3A_248 = arith.constant 0 : i32
        %cond3A_249 = arith.cmpi ne, %convert_element_type3A_247, %cond3A_248 : i32
        scf.if %cond3A_249 {
          %add3A_322 = arith.constant 5 : i32
          %add3A_323 = arith.addi %add3A_235, %add3A_322 : i32
          %sub3A_324 = arith.constant 1 : i32
          %sub3A_325 = arith.subi %add3A_323, %sub3A_324 : i32
          %mul3A_326 = arith.constant 80 : i32
          %mul3A_327 = arith.muli %sub3A_325, %mul3A_326 : i32
          %dma_start3A_328 = arith.constant 2 : i32
          %dma_start3A_329 = arith.constant 0 : i32
          %dma_start3A_330 = arith.constant 0 : i32
          %dma_start3A_331 = tpu.memref_slice %arg14[%dma_start3A_328, %dma_start3A_329, %dma_start3A_330] : memref<5x80x128xbf16, #tpu.memory_space<vmem>> -> memref<1x80x128xbf16, #tpu.memory_space<vmem>>
          %dma_start3A_332 = tpu.memref_squeeze %dma_start3A_331 : memref<1x80x128xbf16, #tpu.memory_space<vmem>> -> memref<80x128xbf16, #tpu.memory_space<vmem>>
          %dma_start3A_333 = tpu.memref_slice %arg12[%mul3A_327] : memref<20000xi32, #tpu.memory_space<vmem>> -> memref<80xi32, #tpu.memory_space<vmem>>
          %dma_start3A_334 = arith.constant 0 : i32
          %dma_start3A_335 = arith.constant 0 : i32
          %dma_start3A_336 = tpu.memref_slice %arg2[%dma_start3A_334, %dma_start3A_335] : memref<10000x128xbf16, #tpu.memory_space<hbm>> -> memref<10000x128xbf16, #tpu.memory_space<hbm>>
          tpu.enqueue_indirect_dma source(%dma_start3A_336 : memref<10000x128xbf16, #tpu.memory_space<hbm>>) target(%dma_start3A_332 : memref<80x128xbf16, #tpu.memory_space<vmem>>) offsets(%dma_start3A_333 : memref<80xi32, #tpu.memory_space<vmem>>) semaphore(%arg18 : memref<!tpu.dma_semaphore, #tpu.memory_space<semaphore_mem>>)
        } else {
        }
        %mul3A_250 = arith.constant 80 : i32
        %mul3A_251 = arith.muli %add3A_235, %mul3A_250 : i32
        %dma_wait3A_252 = arith.constant 3 : i32
        %dma_wait3A_253 = arith.constant 0 : i32
        %dma_wait3A_254 = arith.constant 0 : i32
        %dma_wait3A_255 = tpu.memref_slice %arg14[%dma_wait3A_252, %dma_wait3A_253, %dma_wait3A_254] : memref<5x80x128xbf16, #tpu.memory_space<vmem>> -> memref<1x80x128xbf16, #tpu.memory_space<vmem>>
        %dma_wait3A_256 = tpu.memref_squeeze %dma_wait3A_255 : memref<1x80x128xbf16, #tpu.memory_space<vmem>> -> memref<80x128xbf16, #tpu.memory_space<vmem>>
        %dma_wait3A_257 = tpu.memref_slice %arg12[%mul3A_251] : memref<20000xi32, #tpu.memory_space<vmem>> -> memref<80xi32, #tpu.memory_space<vmem>>
        %dma_wait3A_258 = arith.constant 0 : i32
        %dma_wait3A_259 = arith.constant 0 : i32
        %dma_wait3A_260 = tpu.memref_slice %arg2[%dma_wait3A_258, %dma_wait3A_259] : memref<10000x128xbf16, #tpu.memory_space<hbm>> -> memref<10000x128xbf16, #tpu.memory_space<hbm>>
        tpu.wait_indirect_dma semaphore(%arg19 : memref<!tpu.dma_semaphore, #tpu.memory_space<semaphore_mem>>) src(%dma_wait3A_260 : memref<10000x128xbf16, #tpu.memory_space<hbm>>) dst(%dma_wait3A_256 : memref<80x128xbf16, #tpu.memory_space<vmem>>)
        %mul3A_261 = arith.constant 80 : i32
        %mul3A_262 = arith.muli %add3A_235, %mul3A_261 : i32
        %dma_start3A_263 = arith.constant 3 : i32
        %dma_start3A_264 = arith.constant 0 : i32
        %dma_start3A_265 = arith.constant 0 : i32
        %dma_start3A_266 = tpu.memref_slice %arg14[%dma_start3A_263, %dma_start3A_264, %dma_start3A_265] : memref<5x80x128xbf16, #tpu.memory_space<vmem>> -> memref<1x80x128xbf16, #tpu.memory_space<vmem>>
        %dma_start3A_267 = tpu.memref_squeeze %dma_start3A_266 : memref<1x80x128xbf16, #tpu.memory_space<vmem>> -> memref<80x128xbf16, #tpu.memory_space<vmem>>
        %dma_start3A_268 = tpu.memref_slice %arg13[%mul3A_262] : memref<20000xi32, #tpu.memory_space<vmem>> -> memref<80xi32, #tpu.memory_space<vmem>>
        %dma_start3A_269 = arith.constant 0 : i32
        %dma_start3A_270 = arith.constant 0 : i32
        %dma_start3A_271 = tpu.memref_slice %arg10[%dma_start3A_269, %dma_start3A_270] : memref<10000x128xbf16, #tpu.memory_space<vmem_shared>> -> memref<10000x128xbf16, #tpu.memory_space<vmem_shared>>
        tpu.enqueue_indirect_dma source(%dma_start3A_267 : memref<80x128xbf16, #tpu.memory_space<vmem>>) target(%dma_start3A_271 : memref<10000x128xbf16, #tpu.memory_space<vmem_shared>>) offsets(%dma_start3A_268 : memref<80xi32, #tpu.memory_space<vmem>>) semaphore(%arg24 : memref<!tpu.dma_semaphore, #tpu.memory_space<semaphore_mem>>) {add = true}
        %mul3A_272 = arith.constant 80 : i32
        %mul3A_273 = arith.muli %add3A_235, %mul3A_272 : i32
        %dma_start3A_274 = tpu.memref_slice %arg13[%mul3A_273] : memref<20000xi32, #tpu.memory_space<vmem>> -> memref<80xi32, #tpu.memory_space<vmem>>
        %dma_start3A_275 = arith.constant 0 : i32
        %dma_start3A_276 = arith.constant 0 : i32
        %dma_start3A_277 = tpu.memref_slice %arg11[%dma_start3A_275, %dma_start3A_276] : memref<10000x32xbf16, #tpu.memory_space<vmem_shared>> -> memref<10000x32xbf16, #tpu.memory_space<vmem_shared>>
        tpu.enqueue_indirect_dma source(%arg15 : memref<80x32xbf16, #tpu.memory_space<vmem>>) target(%dma_start3A_277 : memref<10000x32xbf16, #tpu.memory_space<vmem_shared>>) offsets(%dma_start3A_274 : memref<80xi32, #tpu.memory_space<vmem>>) semaphore(%arg29 : memref<!tpu.dma_semaphore, #tpu.memory_space<semaphore_mem>>) {add = true}
        %add3A_278 = arith.constant 4 : i32
        %add3A_279 = arith.addi %mul3A_103, %add3A_278 : i32
        %ge3A_280 = arith.constant 1 : i32
        %ge3A_281 = arith.cmpi sge, %add3A_279, %ge3A_280 : i32
        %convert_element_type3A_282 = arith.extui %ge3A_281 : i1 to i32
        %cond3A_283 = arith.constant 0 : i32
        %cond3A_284 = arith.cmpi ne, %convert_element_type3A_282, %cond3A_283 : i32
        scf.if %cond3A_284 {
          %dma_wait3A_322 = arith.constant 3 : i32
          %dma_wait3A_323 = arith.constant 0 : i32
          %dma_wait3A_324 = arith.constant 0 : i32
          %dma_wait3A_325 = tpu.memref_slice %arg14[%dma_wait3A_322, %dma_wait3A_323, %dma_wait3A_324] : memref<5x80x128xbf16, #tpu.memory_space<vmem>> -> memref<1x80x128xbf16, #tpu.memory_space<vmem>>
          %dma_wait3A_326 = tpu.memref_squeeze %dma_wait3A_325 : memref<1x80x128xbf16, #tpu.memory_space<vmem>> -> memref<80x128xbf16, #tpu.memory_space<vmem>>
          %dma_wait3A_327 = arith.constant 0 : i32
          %dma_wait3A_328 = tpu.memref_slice %arg13[%dma_wait3A_327] : memref<20000xi32, #tpu.memory_space<vmem>> -> memref<80xi32, #tpu.memory_space<vmem>>
          %dma_wait3A_329 = arith.constant 0 : i32
          %dma_wait3A_330 = arith.constant 0 : i32
          %dma_wait3A_331 = tpu.memref_slice %arg10[%dma_wait3A_329, %dma_wait3A_330] : memref<10000x128xbf16, #tpu.memory_space<vmem_shared>> -> memref<10000x128xbf16, #tpu.memory_space<vmem_shared>>
          tpu.wait_indirect_dma semaphore(%arg24 : memref<!tpu.dma_semaphore, #tpu.memory_space<semaphore_mem>>) src(%dma_wait3A_326 : memref<80x128xbf16, #tpu.memory_space<vmem>>) dst(%dma_wait3A_331 : memref<10000x128xbf16, #tpu.memory_space<vmem_shared>>)
          %dma_wait3A_332 = arith.constant 0 : i32
          %dma_wait3A_333 = tpu.memref_slice %arg13[%dma_wait3A_332] : memref<20000xi32, #tpu.memory_space<vmem>> -> memref<80xi32, #tpu.memory_space<vmem>>
          %dma_wait3A_334 = arith.constant 0 : i32
          %dma_wait3A_335 = arith.constant 0 : i32
          %dma_wait3A_336 = tpu.memref_slice %arg11[%dma_wait3A_334, %dma_wait3A_335] : memref<10000x32xbf16, #tpu.memory_space<vmem_shared>> -> memref<10000x32xbf16, #tpu.memory_space<vmem_shared>>
          tpu.wait_indirect_dma semaphore(%arg29 : memref<!tpu.dma_semaphore, #tpu.memory_space<semaphore_mem>>) src(%arg15 : memref<80x32xbf16, #tpu.memory_space<vmem>>) dst(%dma_wait3A_336 : memref<10000x32xbf16, #tpu.memory_space<vmem_shared>>)
        } else {
        }
        %add3A_285 = arith.constant 5 : i32
        %add3A_286 = arith.addi %add3A_279, %add3A_285 : i32
        %sub3A_287 = arith.constant 1 : i32
        %sub3A_288 = arith.subi %add3A_286, %sub3A_287 : i32
        %lt3A_289 = arith.constant 250 : i32
        %lt3A_290 = arith.cmpi slt, %sub3A_288, %lt3A_289 : i32
        %convert_element_type3A_291 = arith.extui %lt3A_290 : i1 to i32
        %cond3A_292 = arith.constant 0 : i32
        %cond3A_293 = arith.cmpi ne, %convert_element_type3A_291, %cond3A_292 : i32
        scf.if %cond3A_293 {
          %add3A_322 = arith.constant 5 : i32
          %add3A_323 = arith.addi %add3A_279, %add3A_322 : i32
          %sub3A_324 = arith.constant 1 : i32
          %sub3A_325 = arith.subi %add3A_323, %sub3A_324 : i32
          %mul3A_326 = arith.constant 80 : i32
          %mul3A_327 = arith.muli %sub3A_325, %mul3A_326 : i32
          %dma_start3A_328 = arith.constant 3 : i32
          %dma_start3A_329 = arith.constant 0 : i32
          %dma_start3A_330 = arith.constant 0 : i32
          %dma_start3A_331 = tpu.memref_slice %arg14[%dma_start3A_328, %dma_start3A_329, %dma_start3A_330] : memref<5x80x128xbf16, #tpu.memory_space<vmem>> -> memref<1x80x128xbf16, #tpu.memory_space<vmem>>
          %dma_start3A_332 = tpu.memref_squeeze %dma_start3A_331 : memref<1x80x128xbf16, #tpu.memory_space<vmem>> -> memref<80x128xbf16, #tpu.memory_space<vmem>>
          %dma_start3A_333 = tpu.memref_slice %arg12[%mul3A_327] : memref<20000xi32, #tpu.memory_space<vmem>> -> memref<80xi32, #tpu.memory_space<vmem>>
          %dma_start3A_334 = arith.constant 0 : i32
          %dma_start3A_335 = arith.constant 0 : i32
          %dma_start3A_336 = tpu.memref_slice %arg2[%dma_start3A_334, %dma_start3A_335] : memref<10000x128xbf16, #tpu.memory_space<hbm>> -> memref<10000x128xbf16, #tpu.memory_space<hbm>>
          tpu.enqueue_indirect_dma source(%dma_start3A_336 : memref<10000x128xbf16, #tpu.memory_space<hbm>>) target(%dma_start3A_332 : memref<80x128xbf16, #tpu.memory_space<vmem>>) offsets(%dma_start3A_333 : memref<80xi32, #tpu.memory_space<vmem>>) semaphore(%arg19 : memref<!tpu.dma_semaphore, #tpu.memory_space<semaphore_mem>>)
        } else {
        }
        %mul3A_294 = arith.constant 80 : i32
        %mul3A_295 = arith.muli %add3A_279, %mul3A_294 : i32
        %dma_wait3A_296 = arith.constant 4 : i32
        %dma_wait3A_297 = arith.constant 0 : i32
        %dma_wait3A_298 = arith.constant 0 : i32
        %dma_wait3A_299 = tpu.memref_slice %arg14[%dma_wait3A_296, %dma_wait3A_297, %dma_wait3A_298] : memref<5x80x128xbf16, #tpu.memory_space<vmem>> -> memref<1x80x128xbf16, #tpu.memory_space<vmem>>
        %dma_wait3A_300 = tpu.memref_squeeze %dma_wait3A_299 : memref<1x80x128xbf16, #tpu.memory_space<vmem>> -> memref<80x128xbf16, #tpu.memory_space<vmem>>
        %dma_wait3A_301 = tpu.memref_slice %arg12[%mul3A_295] : memref<20000xi32, #tpu.memory_space<vmem>> -> memref<80xi32, #tpu.memory_space<vmem>>
        %dma_wait3A_302 = arith.constant 0 : i32
        %dma_wait3A_303 = arith.constant 0 : i32
        %dma_wait3A_304 = tpu.memref_slice %arg2[%dma_wait3A_302, %dma_wait3A_303] : memref<10000x128xbf16, #tpu.memory_space<hbm>> -> memref<10000x128xbf16, #tpu.memory_space<hbm>>
        tpu.wait_indirect_dma semaphore(%arg20 : memref<!tpu.dma_semaphore, #tpu.memory_space<semaphore_mem>>) src(%dma_wait3A_304 : memref<10000x128xbf16, #tpu.memory_space<hbm>>) dst(%dma_wait3A_300 : memref<80x128xbf16, #tpu.memory_space<vmem>>)
        %mul3A_305 = arith.constant 80 : i32
        %mul3A_306 = arith.muli %add3A_279, %mul3A_305 : i32
        %dma_start3A_307 = arith.constant 4 : i32
        %dma_start3A_308 = arith.constant 0 : i32
        %dma_start3A_309 = arith.constant 0 : i32
        %dma_start3A_310 = tpu.memref_slice %arg14[%dma_start3A_307, %dma_start3A_308, %dma_start3A_309] : memref<5x80x128xbf16, #tpu.memory_space<vmem>> -> memref<1x80x128xbf16, #tpu.memory_space<vmem>>
        %dma_start3A_311 = tpu.memref_squeeze %dma_start3A_310 : memref<1x80x128xbf16, #tpu.memory_space<vmem>> -> memref<80x128xbf16, #tpu.memory_space<vmem>>
        %dma_start3A_312 = tpu.memref_slice %arg13[%mul3A_306] : memref<20000xi32, #tpu.memory_space<vmem>> -> memref<80xi32, #tpu.memory_space<vmem>>
        %dma_start3A_313 = arith.constant 0 : i32
        %dma_start3A_314 = arith.constant 0 : i32
        %dma_start3A_315 = tpu.memref_slice %arg10[%dma_start3A_313, %dma_start3A_314] : memref<10000x128xbf16, #tpu.memory_space<vmem_shared>> -> memref<10000x128xbf16, #tpu.memory_space<vmem_shared>>
        tpu.enqueue_indirect_dma source(%dma_start3A_311 : memref<80x128xbf16, #tpu.memory_space<vmem>>) target(%dma_start3A_315 : memref<10000x128xbf16, #tpu.memory_space<vmem_shared>>) offsets(%dma_start3A_312 : memref<80xi32, #tpu.memory_space<vmem>>) semaphore(%arg25 : memref<!tpu.dma_semaphore, #tpu.memory_space<semaphore_mem>>) {add = true}
        %mul3A_316 = arith.constant 80 : i32
        %mul3A_317 = arith.muli %add3A_279, %mul3A_316 : i32
        %dma_start3A_318 = tpu.memref_slice %arg13[%mul3A_317] : memref<20000xi32, #tpu.memory_space<vmem>> -> memref<80xi32, #tpu.memory_space<vmem>>
        %dma_start3A_319 = arith.constant 0 : i32
        %dma_start3A_320 = arith.constant 0 : i32
        %dma_start3A_321 = tpu.memref_slice %arg11[%dma_start3A_319, %dma_start3A_320] : memref<10000x32xbf16, #tpu.memory_space<vmem_shared>> -> memref<10000x32xbf16, #tpu.memory_space<vmem_shared>>
        tpu.enqueue_indirect_dma source(%arg15 : memref<80x32xbf16, #tpu.memory_space<vmem>>) target(%dma_start3A_321 : memref<10000x32xbf16, #tpu.memory_space<vmem_shared>>) offsets(%dma_start3A_318 : memref<80xi32, #tpu.memory_space<vmem>>) semaphore(%arg30 : memref<!tpu.dma_semaphore, #tpu.memory_space<semaphore_mem>>) {add = true}
      }
      %scan3A_83 = arith.constant 50 : i32
      %dma_wait3A = arith.constant 4 : i32
      %dma_wait3A_84 = arith.constant 0 : i32
      %dma_wait3A_85 = arith.constant 0 : i32
      %dma_wait3A_86 = tpu.memref_slice %arg14[%dma_wait3A, %dma_wait3A_84, %dma_wait3A_85] : memref<5x80x128xbf16, #tpu.memory_space<vmem>> -> memref<1x80x128xbf16, #tpu.memory_space<vmem>>
      %dma_wait3A_87 = tpu.memref_squeeze %dma_wait3A_86 : memref<1x80x128xbf16, #tpu.memory_space<vmem>> -> memref<80x128xbf16, #tpu.memory_space<vmem>>
      %dma_wait3A_88 = arith.constant 0 : i32
      %dma_wait3A_89 = tpu.memref_slice %arg13[%dma_wait3A_88] : memref<20000xi32, #tpu.memory_space<vmem>> -> memref<80xi32, #tpu.memory_space<vmem>>
      %dma_wait3A_90 = arith.constant 0 : i32
      %dma_wait3A_91 = arith.constant 0 : i32
      %dma_wait3A_92 = tpu.memref_slice %arg10[%dma_wait3A_90, %dma_wait3A_91] : memref<10000x128xbf16, #tpu.memory_space<vmem_shared>> -> memref<10000x128xbf16, #tpu.memory_space<vmem_shared>>
      tpu.wait_indirect_dma semaphore(%arg25 : memref<!tpu.dma_semaphore, #tpu.memory_space<semaphore_mem>>) src(%dma_wait3A_87 : memref<80x128xbf16, #tpu.memory_space<vmem>>) dst(%dma_wait3A_92 : memref<10000x128xbf16, #tpu.memory_space<vmem_shared>>)
      %dma_wait3A_93 = arith.constant 0 : i32
      %dma_wait3A_94 = tpu.memref_slice %arg13[%dma_wait3A_93] : memref<20000xi32, #tpu.memory_space<vmem>> -> memref<80xi32, #tpu.memory_space<vmem>>
      %dma_wait3A_95 = arith.constant 0 : i32
      %dma_wait3A_96 = arith.constant 0 : i32
      %dma_wait3A_97 = tpu.memref_slice %arg11[%dma_wait3A_95, %dma_wait3A_96] : memref<10000x32xbf16, #tpu.memory_space<vmem_shared>> -> memref<10000x32xbf16, #tpu.memory_space<vmem_shared>>
      tpu.wait_indirect_dma semaphore(%arg30 : memref<!tpu.dma_semaphore, #tpu.memory_space<semaphore_mem>>) src(%arg15 : memref<80x32xbf16, #tpu.memory_space<vmem>>) dst(%dma_wait3A_97 : memref<10000x32xbf16, #tpu.memory_space<vmem_shared>>)
    } else {
    }
    %eq3A_20 = arith.constant 1 : i32
    %eq3A_21 = arith.cmpi eq, %arg0, %eq3A_20 : i32
    %convert_element_type3A_22 = arith.extui %eq3A_21 : i1 to i32
    %cond3A_23 = arith.constant 0 : i32
    %cond3A_24 = arith.cmpi ne, %convert_element_type3A_22, %cond3A_23 : i32
    scf.if %cond3A_24 {
      %mul3A = arith.constant 20000 : i32
      %mul3A_36 = arith.muli %arg1, %mul3A : i32
      %run_scoped3A = arith.constant 0 : i32
      "tpu.region"() ({
        %run_scoped3A_98 = tpu.sem_alloc : memref<!tpu.dma_semaphore, #tpu.memory_space<semaphore_mem>>
        %dma_start3A_99 = tpu.memref_slice %arg5[%run_scoped3A, %mul3A_36] : memref<2x320000xi32, #tpu.memory_space<hbm>> -> memref<1x20000xi32, #tpu.memory_space<hbm>>
        %dma_start3A_100 = tpu.memref_squeeze %dma_start3A_99 : memref<1x20000xi32, #tpu.memory_space<hbm>> -> memref<20000xi32, #tpu.memory_space<hbm>>
        %dma_start3A_101 = tpu.memref_slice %arg5[%run_scoped3A, %mul3A_36] : memref<2x320000xi32, #tpu.memory_space<hbm>> -> memref<1x20000xi32, #tpu.memory_space<hbm>>
        %dma_start3A_102 = tpu.memref_squeeze %dma_start3A_101 : memref<1x20000xi32, #tpu.memory_space<hbm>> -> memref<20000xi32, #tpu.memory_space<hbm>>
        tpu.enqueue_dma source(%dma_start3A_102 : memref<20000xi32, #tpu.memory_space<hbm>>) target(%arg12 : memref<20000xi32, #tpu.memory_space<vmem>>) target_semaphore(%run_scoped3A_98 : memref<!tpu.dma_semaphore, #tpu.memory_space<semaphore_mem>>)
        %dma_wait3A_103 = tpu.memref_slice %arg5[%run_scoped3A, %mul3A_36] : memref<2x320000xi32, #tpu.memory_space<hbm>> -> memref<1x20000xi32, #tpu.memory_space<hbm>>
        %dma_wait3A_104 = tpu.memref_squeeze %dma_wait3A_103 : memref<1x20000xi32, #tpu.memory_space<hbm>> -> memref<20000xi32, #tpu.memory_space<hbm>>
        %dma_wait3A_105 = tpu.memref_slice %arg5[%run_scoped3A, %mul3A_36] : memref<2x320000xi32, #tpu.memory_space<hbm>> -> memref<1x20000xi32, #tpu.memory_space<hbm>>
        %dma_wait3A_106 = tpu.memref_squeeze %dma_wait3A_105 : memref<1x20000xi32, #tpu.memory_space<hbm>> -> memref<20000xi32, #tpu.memory_space<hbm>>
        tpu.wait_dma2 semaphore(%run_scoped3A_98 : memref<!tpu.dma_semaphore, #tpu.memory_space<semaphore_mem>>) src(%dma_wait3A_106 : memref<20000xi32, #tpu.memory_space<hbm>>) dst(%arg12 : memref<20000xi32, #tpu.memory_space<vmem>>)
        tpu.yield
      }) : () -> ()
      %mul3A_37 = arith.constant 20000 : i32
      %mul3A_38 = arith.muli %arg1, %mul3A_37 : i32
      %run_scoped3A_39 = arith.constant 1 : i32
      "tpu.region"() ({
        %run_scoped3A_98 = tpu.sem_alloc : memref<!tpu.dma_semaphore, #tpu.memory_space<semaphore_mem>>
        %dma_start3A_99 = tpu.memref_slice %arg5[%run_scoped3A_39, %mul3A_38] : memref<2x320000xi32, #tpu.memory_space<hbm>> -> memref<1x20000xi32, #tpu.memory_space<hbm>>
        %dma_start3A_100 = tpu.memref_squeeze %dma_start3A_99 : memref<1x20000xi32, #tpu.memory_space<hbm>> -> memref<20000xi32, #tpu.memory_space<hbm>>
        %dma_start3A_101 = tpu.memref_slice %arg5[%run_scoped3A_39, %mul3A_38] : memref<2x320000xi32, #tpu.memory_space<hbm>> -> memref<1x20000xi32, #tpu.memory_space<hbm>>
        %dma_start3A_102 = tpu.memref_squeeze %dma_start3A_101 : memref<1x20000xi32, #tpu.memory_space<hbm>> -> memref<20000xi32, #tpu.memory_space<hbm>>
        tpu.enqueue_dma source(%dma_start3A_102 : memref<20000xi32, #tpu.memory_space<hbm>>) target(%arg13 : memref<20000xi32, #tpu.memory_space<vmem>>) target_semaphore(%run_scoped3A_98 : memref<!tpu.dma_semaphore, #tpu.memory_space<semaphore_mem>>)
        %dma_wait3A_103 = tpu.memref_slice %arg5[%run_scoped3A_39, %mul3A_38] : memref<2x320000xi32, #tpu.memory_space<hbm>> -> memref<1x20000xi32, #tpu.memory_space<hbm>>
        %dma_wait3A_104 = tpu.memref_squeeze %dma_wait3A_103 : memref<1x20000xi32, #tpu.memory_space<hbm>> -> memref<20000xi32, #tpu.memory_space<hbm>>
        %dma_wait3A_105 = tpu.memref_slice %arg5[%run_scoped3A_39, %mul3A_38] : memref<2x320000xi32, #tpu.memory_space<hbm>> -> memref<1x20000xi32, #tpu.memory_space<hbm>>
        %dma_wait3A_106 = tpu.memref_squeeze %dma_wait3A_105 : memref<1x20000xi32, #tpu.memory_space<hbm>> -> memref<20000xi32, #tpu.memory_space<hbm>>
        tpu.wait_dma2 semaphore(%run_scoped3A_98 : memref<!tpu.dma_semaphore, #tpu.memory_space<semaphore_mem>>) src(%dma_wait3A_106 : memref<20000xi32, #tpu.memory_space<hbm>>) dst(%arg13 : memref<20000xi32, #tpu.memory_space<vmem>>)
        tpu.yield
      }) : () -> ()
      %dma_start3A = arith.constant 0 : i32
      %dma_start3A_40 = arith.constant 0 : i32
      %dma_start3A_41 = arith.constant 0 : i32
      %dma_start3A_42 = tpu.memref_slice %arg14[%dma_start3A, %dma_start3A_40, %dma_start3A_41] : memref<5x80x128xbf16, #tpu.memory_space<vmem>> -> memref<1x80x128xbf16, #tpu.memory_space<vmem>>
      %dma_start3A_43 = tpu.memref_squeeze %dma_start3A_42 : memref<1x80x128xbf16, #tpu.memory_space<vmem>> -> memref<80x128xbf16, #tpu.memory_space<vmem>>
      %dma_start3A_44 = arith.constant 0 : i32
      %dma_start3A_45 = tpu.memref_slice %arg12[%dma_start3A_44] : memref<20000xi32, #tpu.memory_space<vmem>> -> memref<80xi32, #tpu.memory_space<vmem>>
      %dma_start3A_46 = arith.constant 0 : i32
      %dma_start3A_47 = arith.constant 0 : i32
      %dma_start3A_48 = tpu.memref_slice %arg3[%dma_start3A_46, %dma_start3A_47] : memref<10000x128xbf16, #tpu.memory_space<hbm>> -> memref<10000x128xbf16, #tpu.memory_space<hbm>>
      tpu.enqueue_indirect_dma source(%dma_start3A_48 : memref<10000x128xbf16, #tpu.memory_space<hbm>>) target(%dma_start3A_43 : memref<80x128xbf16, #tpu.memory_space<vmem>>) offsets(%dma_start3A_45 : memref<80xi32, #tpu.memory_space<vmem>>) semaphore(%arg16 : memref<!tpu.dma_semaphore, #tpu.memory_space<semaphore_mem>>)
      %dma_start3A_49 = arith.constant 1 : i32
      %dma_start3A_50 = arith.constant 0 : i32
      %dma_start3A_51 = arith.constant 0 : i32
      %dma_start3A_52 = tpu.memref_slice %arg14[%dma_start3A_49, %dma_start3A_50, %dma_start3A_51] : memref<5x80x128xbf16, #tpu.memory_space<vmem>> -> memref<1x80x128xbf16, #tpu.memory_space<vmem>>
      %dma_start3A_53 = tpu.memref_squeeze %dma_start3A_52 : memref<1x80x128xbf16, #tpu.memory_space<vmem>> -> memref<80x128xbf16, #tpu.memory_space<vmem>>
      %dma_start3A_54 = arith.constant 80 : i32
      %dma_start3A_55 = tpu.memref_slice %arg12[%dma_start3A_54] : memref<20000xi32, #tpu.memory_space<vmem>> -> memref<80xi32, #tpu.memory_space<vmem>>
      %dma_start3A_56 = arith.constant 0 : i32
      %dma_start3A_57 = arith.constant 0 : i32
      %dma_start3A_58 = tpu.memref_slice %arg3[%dma_start3A_56, %dma_start3A_57] : memref<10000x128xbf16, #tpu.memory_space<hbm>> -> memref<10000x128xbf16, #tpu.memory_space<hbm>>
      tpu.enqueue_indirect_dma source(%dma_start3A_58 : memref<10000x128xbf16, #tpu.memory_space<hbm>>) target(%dma_start3A_53 : memref<80x128xbf16, #tpu.memory_space<vmem>>) offsets(%dma_start3A_55 : memref<80xi32, #tpu.memory_space<vmem>>) semaphore(%arg17 : memref<!tpu.dma_semaphore, #tpu.memory_space<semaphore_mem>>)
      %dma_start3A_59 = arith.constant 2 : i32
      %dma_start3A_60 = arith.constant 0 : i32
      %dma_start3A_61 = arith.constant 0 : i32
      %dma_start3A_62 = tpu.memref_slice %arg14[%dma_start3A_59, %dma_start3A_60, %dma_start3A_61] : memref<5x80x128xbf16, #tpu.memory_space<vmem>> -> memref<1x80x128xbf16, #tpu.memory_space<vmem>>
      %dma_start3A_63 = tpu.memref_squeeze %dma_start3A_62 : memref<1x80x128xbf16, #tpu.memory_space<vmem>> -> memref<80x128xbf16, #tpu.memory_space<vmem>>
      %dma_start3A_64 = arith.constant 160 : i32
      %dma_start3A_65 = tpu.memref_slice %arg12[%dma_start3A_64] : memref<20000xi32, #tpu.memory_space<vmem>> -> memref<80xi32, #tpu.memory_space<vmem>>
      %dma_start3A_66 = arith.constant 0 : i32
      %dma_start3A_67 = arith.constant 0 : i32
      %dma_start3A_68 = tpu.memref_slice %arg3[%dma_start3A_66, %dma_start3A_67] : memref<10000x128xbf16, #tpu.memory_space<hbm>> -> memref<10000x128xbf16, #tpu.memory_space<hbm>>
      tpu.enqueue_indirect_dma source(%dma_start3A_68 : memref<10000x128xbf16, #tpu.memory_space<hbm>>) target(%dma_start3A_63 : memref<80x128xbf16, #tpu.memory_space<vmem>>) offsets(%dma_start3A_65 : memref<80xi32, #tpu.memory_space<vmem>>) semaphore(%arg18 : memref<!tpu.dma_semaphore, #tpu.memory_space<semaphore_mem>>)
      %dma_start3A_69 = arith.constant 3 : i32
      %dma_start3A_70 = arith.constant 0 : i32
      %dma_start3A_71 = arith.constant 0 : i32
      %dma_start3A_72 = tpu.memref_slice %arg14[%dma_start3A_69, %dma_start3A_70, %dma_start3A_71] : memref<5x80x128xbf16, #tpu.memory_space<vmem>> -> memref<1x80x128xbf16, #tpu.memory_space<vmem>>
      %dma_start3A_73 = tpu.memref_squeeze %dma_start3A_72 : memref<1x80x128xbf16, #tpu.memory_space<vmem>> -> memref<80x128xbf16, #tpu.memory_space<vmem>>
      %dma_start3A_74 = arith.constant 240 : i32
      %dma_start3A_75 = tpu.memref_slice %arg12[%dma_start3A_74] : memref<20000xi32, #tpu.memory_space<vmem>> -> memref<80xi32, #tpu.memory_space<vmem>>
      %dma_start3A_76 = arith.constant 0 : i32
      %dma_start3A_77 = arith.constant 0 : i32
      %dma_start3A_78 = tpu.memref_slice %arg3[%dma_start3A_76, %dma_start3A_77] : memref<10000x128xbf16, #tpu.memory_space<hbm>> -> memref<10000x128xbf16, #tpu.memory_space<hbm>>
      tpu.enqueue_indirect_dma source(%dma_start3A_78 : memref<10000x128xbf16, #tpu.memory_space<hbm>>) target(%dma_start3A_73 : memref<80x128xbf16, #tpu.memory_space<vmem>>) offsets(%dma_start3A_75 : memref<80xi32, #tpu.memory_space<vmem>>) semaphore(%arg19 : memref<!tpu.dma_semaphore, #tpu.memory_space<semaphore_mem>>)
      %scan3A_79 = arith.constant 0 : i32
      %scan3A_80 = arith.constant 50 : i32
      %scan3A_81 = arith.addi %scan3A_79, %scan3A_80 : i32
      %scan3A_82 = arith.constant 1 : i32
      scf.for %scan3A_98 = %scan3A_79 to %scan3A_81 step %scan3A_82  : i32 {
        %mul3A_99 = arith.constant 1 : i32
        %mul3A_100 = arith.muli %scan3A_98, %mul3A_99 : i32
        %add3A = arith.constant 0 : i32
        %add3A_101 = arith.addi %add3A, %mul3A_100 : i32
        %mul3A_102 = arith.constant 5 : i32
        %mul3A_103 = arith.muli %mul3A_102, %add3A_101 : i32
        %add3A_104 = arith.constant 0 : i32
        %add3A_105 = arith.addi %mul3A_103, %add3A_104 : i32
        %ge3A = arith.constant 1 : i32
        %ge3A_106 = arith.cmpi sge, %add3A_105, %ge3A : i32
        %convert_element_type3A_107 = arith.extui %ge3A_106 : i1 to i32
        %cond3A_108 = arith.constant 0 : i32
        %cond3A_109 = arith.cmpi ne, %convert_element_type3A_107, %cond3A_108 : i32
        scf.if %cond3A_109 {
          %dma_wait3A_322 = arith.constant 4 : i32
          %dma_wait3A_323 = arith.constant 0 : i32
          %dma_wait3A_324 = arith.constant 0 : i32
          %dma_wait3A_325 = tpu.memref_slice %arg14[%dma_wait3A_322, %dma_wait3A_323, %dma_wait3A_324] : memref<5x80x128xbf16, #tpu.memory_space<vmem>> -> memref<1x80x128xbf16, #tpu.memory_space<vmem>>
          %dma_wait3A_326 = tpu.memref_squeeze %dma_wait3A_325 : memref<1x80x128xbf16, #tpu.memory_space<vmem>> -> memref<80x128xbf16, #tpu.memory_space<vmem>>
          %dma_wait3A_327 = arith.constant 0 : i32
          %dma_wait3A_328 = tpu.memref_slice %arg13[%dma_wait3A_327] : memref<20000xi32, #tpu.memory_space<vmem>> -> memref<80xi32, #tpu.memory_space<vmem>>
          %dma_wait3A_329 = arith.constant 0 : i32
          %dma_wait3A_330 = arith.constant 0 : i32
          %dma_wait3A_331 = tpu.memref_slice %arg10[%dma_wait3A_329, %dma_wait3A_330] : memref<10000x128xbf16, #tpu.memory_space<vmem_shared>> -> memref<10000x128xbf16, #tpu.memory_space<vmem_shared>>
          tpu.wait_indirect_dma semaphore(%arg25 : memref<!tpu.dma_semaphore, #tpu.memory_space<semaphore_mem>>) src(%dma_wait3A_326 : memref<80x128xbf16, #tpu.memory_space<vmem>>) dst(%dma_wait3A_331 : memref<10000x128xbf16, #tpu.memory_space<vmem_shared>>)
          %dma_wait3A_332 = arith.constant 0 : i32
          %dma_wait3A_333 = tpu.memref_slice %arg13[%dma_wait3A_332] : memref<20000xi32, #tpu.memory_space<vmem>> -> memref<80xi32, #tpu.memory_space<vmem>>
          %dma_wait3A_334 = arith.constant 0 : i32
          %dma_wait3A_335 = arith.constant 0 : i32
          %dma_wait3A_336 = tpu.memref_slice %arg11[%dma_wait3A_334, %dma_wait3A_335] : memref<10000x32xbf16, #tpu.memory_space<vmem_shared>> -> memref<10000x32xbf16, #tpu.memory_space<vmem_shared>>
          tpu.wait_indirect_dma semaphore(%arg30 : memref<!tpu.dma_semaphore, #tpu.memory_space<semaphore_mem>>) src(%arg15 : memref<80x32xbf16, #tpu.memory_space<vmem>>) dst(%dma_wait3A_336 : memref<10000x32xbf16, #tpu.memory_space<vmem_shared>>)
        } else {
        }
        %add3A_110 = arith.constant 5 : i32
        %add3A_111 = arith.addi %add3A_105, %add3A_110 : i32
        %sub3A = arith.constant 1 : i32
        %sub3A_112 = arith.subi %add3A_111, %sub3A : i32
        %lt3A_113 = arith.constant 250 : i32
        %lt3A_114 = arith.cmpi slt, %sub3A_112, %lt3A_113 : i32
        %convert_element_type3A_115 = arith.extui %lt3A_114 : i1 to i32
        %cond3A_116 = arith.constant 0 : i32
        %cond3A_117 = arith.cmpi ne, %convert_element_type3A_115, %cond3A_116 : i32
        scf.if %cond3A_117 {
          %add3A_322 = arith.constant 5 : i32
          %add3A_323 = arith.addi %add3A_105, %add3A_322 : i32
          %sub3A_324 = arith.constant 1 : i32
          %sub3A_325 = arith.subi %add3A_323, %sub3A_324 : i32
          %mul3A_326 = arith.constant 80 : i32
          %mul3A_327 = arith.muli %sub3A_325, %mul3A_326 : i32
          %dma_start3A_328 = arith.constant 4 : i32
          %dma_start3A_329 = arith.constant 0 : i32
          %dma_start3A_330 = arith.constant 0 : i32
          %dma_start3A_331 = tpu.memref_slice %arg14[%dma_start3A_328, %dma_start3A_329, %dma_start3A_330] : memref<5x80x128xbf16, #tpu.memory_space<vmem>> -> memref<1x80x128xbf16, #tpu.memory_space<vmem>>
          %dma_start3A_332 = tpu.memref_squeeze %dma_start3A_331 : memref<1x80x128xbf16, #tpu.memory_space<vmem>> -> memref<80x128xbf16, #tpu.memory_space<vmem>>
          %dma_start3A_333 = tpu.memref_slice %arg12[%mul3A_327] : memref<20000xi32, #tpu.memory_space<vmem>> -> memref<80xi32, #tpu.memory_space<vmem>>
          %dma_start3A_334 = arith.constant 0 : i32
          %dma_start3A_335 = arith.constant 0 : i32
          %dma_start3A_336 = tpu.memref_slice %arg3[%dma_start3A_334, %dma_start3A_335] : memref<10000x128xbf16, #tpu.memory_space<hbm>> -> memref<10000x128xbf16, #tpu.memory_space<hbm>>
          tpu.enqueue_indirect_dma source(%dma_start3A_336 : memref<10000x128xbf16, #tpu.memory_space<hbm>>) target(%dma_start3A_332 : memref<80x128xbf16, #tpu.memory_space<vmem>>) offsets(%dma_start3A_333 : memref<80xi32, #tpu.memory_space<vmem>>) semaphore(%arg20 : memref<!tpu.dma_semaphore, #tpu.memory_space<semaphore_mem>>)
        } else {
        }
        %mul3A_118 = arith.constant 80 : i32
        %mul3A_119 = arith.muli %add3A_105, %mul3A_118 : i32
        %dma_wait3A_120 = arith.constant 0 : i32
        %dma_wait3A_121 = arith.constant 0 : i32
        %dma_wait3A_122 = arith.constant 0 : i32
        %dma_wait3A_123 = tpu.memref_slice %arg14[%dma_wait3A_120, %dma_wait3A_121, %dma_wait3A_122] : memref<5x80x128xbf16, #tpu.memory_space<vmem>> -> memref<1x80x128xbf16, #tpu.memory_space<vmem>>
        %dma_wait3A_124 = tpu.memref_squeeze %dma_wait3A_123 : memref<1x80x128xbf16, #tpu.memory_space<vmem>> -> memref<80x128xbf16, #tpu.memory_space<vmem>>
        %dma_wait3A_125 = tpu.memref_slice %arg12[%mul3A_119] : memref<20000xi32, #tpu.memory_space<vmem>> -> memref<80xi32, #tpu.memory_space<vmem>>
        %dma_wait3A_126 = arith.constant 0 : i32
        %dma_wait3A_127 = arith.constant 0 : i32
        %dma_wait3A_128 = tpu.memref_slice %arg3[%dma_wait3A_126, %dma_wait3A_127] : memref<10000x128xbf16, #tpu.memory_space<hbm>> -> memref<10000x128xbf16, #tpu.memory_space<hbm>>
        tpu.wait_indirect_dma semaphore(%arg16 : memref<!tpu.dma_semaphore, #tpu.memory_space<semaphore_mem>>) src(%dma_wait3A_128 : memref<10000x128xbf16, #tpu.memory_space<hbm>>) dst(%dma_wait3A_124 : memref<80x128xbf16, #tpu.memory_space<vmem>>)
        %mul3A_129 = arith.constant 80 : i32
        %mul3A_130 = arith.muli %add3A_105, %mul3A_129 : i32
        %dma_start3A_131 = arith.constant 0 : i32
        %dma_start3A_132 = arith.constant 0 : i32
        %dma_start3A_133 = arith.constant 0 : i32
        %dma_start3A_134 = tpu.memref_slice %arg14[%dma_start3A_131, %dma_start3A_132, %dma_start3A_133] : memref<5x80x128xbf16, #tpu.memory_space<vmem>> -> memref<1x80x128xbf16, #tpu.memory_space<vmem>>
        %dma_start3A_135 = tpu.memref_squeeze %dma_start3A_134 : memref<1x80x128xbf16, #tpu.memory_space<vmem>> -> memref<80x128xbf16, #tpu.memory_space<vmem>>
        %dma_start3A_136 = tpu.memref_slice %arg13[%mul3A_130] : memref<20000xi32, #tpu.memory_space<vmem>> -> memref<80xi32, #tpu.memory_space<vmem>>
        %dma_start3A_137 = arith.constant 0 : i32
        %dma_start3A_138 = arith.constant 0 : i32
        %dma_start3A_139 = tpu.memref_slice %arg10[%dma_start3A_137, %dma_start3A_138] : memref<10000x128xbf16, #tpu.memory_space<vmem_shared>> -> memref<10000x128xbf16, #tpu.memory_space<vmem_shared>>
        tpu.enqueue_indirect_dma source(%dma_start3A_135 : memref<80x128xbf16, #tpu.memory_space<vmem>>) target(%dma_start3A_139 : memref<10000x128xbf16, #tpu.memory_space<vmem_shared>>) offsets(%dma_start3A_136 : memref<80xi32, #tpu.memory_space<vmem>>) semaphore(%arg21 : memref<!tpu.dma_semaphore, #tpu.memory_space<semaphore_mem>>) {add = true}
        %mul3A_140 = arith.constant 80 : i32
        %mul3A_141 = arith.muli %add3A_105, %mul3A_140 : i32
        %dma_start3A_142 = tpu.memref_slice %arg13[%mul3A_141] : memref<20000xi32, #tpu.memory_space<vmem>> -> memref<80xi32, #tpu.memory_space<vmem>>
        %dma_start3A_143 = arith.constant 0 : i32
        %dma_start3A_144 = arith.constant 0 : i32
        %dma_start3A_145 = tpu.memref_slice %arg11[%dma_start3A_143, %dma_start3A_144] : memref<10000x32xbf16, #tpu.memory_space<vmem_shared>> -> memref<10000x32xbf16, #tpu.memory_space<vmem_shared>>
        tpu.enqueue_indirect_dma source(%arg15 : memref<80x32xbf16, #tpu.memory_space<vmem>>) target(%dma_start3A_145 : memref<10000x32xbf16, #tpu.memory_space<vmem_shared>>) offsets(%dma_start3A_142 : memref<80xi32, #tpu.memory_space<vmem>>) semaphore(%arg26 : memref<!tpu.dma_semaphore, #tpu.memory_space<semaphore_mem>>) {add = true}
        %add3A_146 = arith.constant 1 : i32
        %add3A_147 = arith.addi %mul3A_103, %add3A_146 : i32
        %ge3A_148 = arith.constant 1 : i32
        %ge3A_149 = arith.cmpi sge, %add3A_147, %ge3A_148 : i32
        %convert_element_type3A_150 = arith.extui %ge3A_149 : i1 to i32
        %cond3A_151 = arith.constant 0 : i32
        %cond3A_152 = arith.cmpi ne, %convert_element_type3A_150, %cond3A_151 : i32
        scf.if %cond3A_152 {
          %dma_wait3A_322 = arith.constant 0 : i32
          %dma_wait3A_323 = arith.constant 0 : i32
          %dma_wait3A_324 = arith.constant 0 : i32
          %dma_wait3A_325 = tpu.memref_slice %arg14[%dma_wait3A_322, %dma_wait3A_323, %dma_wait3A_324] : memref<5x80x128xbf16, #tpu.memory_space<vmem>> -> memref<1x80x128xbf16, #tpu.memory_space<vmem>>
          %dma_wait3A_326 = tpu.memref_squeeze %dma_wait3A_325 : memref<1x80x128xbf16, #tpu.memory_space<vmem>> -> memref<80x128xbf16, #tpu.memory_space<vmem>>
          %dma_wait3A_327 = arith.constant 0 : i32
          %dma_wait3A_328 = tpu.memref_slice %arg13[%dma_wait3A_327] : memref<20000xi32, #tpu.memory_space<vmem>> -> memref<80xi32, #tpu.memory_space<vmem>>
          %dma_wait3A_329 = arith.constant 0 : i32
          %dma_wait3A_330 = arith.constant 0 : i32
          %dma_wait3A_331 = tpu.memref_slice %arg10[%dma_wait3A_329, %dma_wait3A_330] : memref<10000x128xbf16, #tpu.memory_space<vmem_shared>> -> memref<10000x128xbf16, #tpu.memory_space<vmem_shared>>
          tpu.wait_indirect_dma semaphore(%arg21 : memref<!tpu.dma_semaphore, #tpu.memory_space<semaphore_mem>>) src(%dma_wait3A_326 : memref<80x128xbf16, #tpu.memory_space<vmem>>) dst(%dma_wait3A_331 : memref<10000x128xbf16, #tpu.memory_space<vmem_shared>>)
          %dma_wait3A_332 = arith.constant 0 : i32
          %dma_wait3A_333 = tpu.memref_slice %arg13[%dma_wait3A_332] : memref<20000xi32, #tpu.memory_space<vmem>> -> memref<80xi32, #tpu.memory_space<vmem>>
          %dma_wait3A_334 = arith.constant 0 : i32
          %dma_wait3A_335 = arith.constant 0 : i32
          %dma_wait3A_336 = tpu.memref_slice %arg11[%dma_wait3A_334, %dma_wait3A_335] : memref<10000x32xbf16, #tpu.memory_space<vmem_shared>> -> memref<10000x32xbf16, #tpu.memory_space<vmem_shared>>
          tpu.wait_indirect_dma semaphore(%arg26 : memref<!tpu.dma_semaphore, #tpu.memory_space<semaphore_mem>>) src(%arg15 : memref<80x32xbf16, #tpu.memory_space<vmem>>) dst(%dma_wait3A_336 : memref<10000x32xbf16, #tpu.memory_space<vmem_shared>>)
        } else {
        }
        %add3A_153 = arith.constant 5 : i32
        %add3A_154 = arith.addi %add3A_147, %add3A_153 : i32
        %sub3A_155 = arith.constant 1 : i32
        %sub3A_156 = arith.subi %add3A_154, %sub3A_155 : i32
        %lt3A_157 = arith.constant 250 : i32
        %lt3A_158 = arith.cmpi slt, %sub3A_156, %lt3A_157 : i32
        %convert_element_type3A_159 = arith.extui %lt3A_158 : i1 to i32
        %cond3A_160 = arith.constant 0 : i32
        %cond3A_161 = arith.cmpi ne, %convert_element_type3A_159, %cond3A_160 : i32
        scf.if %cond3A_161 {
          %add3A_322 = arith.constant 5 : i32
          %add3A_323 = arith.addi %add3A_147, %add3A_322 : i32
          %sub3A_324 = arith.constant 1 : i32
          %sub3A_325 = arith.subi %add3A_323, %sub3A_324 : i32
          %mul3A_326 = arith.constant 80 : i32
          %mul3A_327 = arith.muli %sub3A_325, %mul3A_326 : i32
          %dma_start3A_328 = arith.constant 0 : i32
          %dma_start3A_329 = arith.constant 0 : i32
          %dma_start3A_330 = arith.constant 0 : i32
          %dma_start3A_331 = tpu.memref_slice %arg14[%dma_start3A_328, %dma_start3A_329, %dma_start3A_330] : memref<5x80x128xbf16, #tpu.memory_space<vmem>> -> memref<1x80x128xbf16, #tpu.memory_space<vmem>>
          %dma_start3A_332 = tpu.memref_squeeze %dma_start3A_331 : memref<1x80x128xbf16, #tpu.memory_space<vmem>> -> memref<80x128xbf16, #tpu.memory_space<vmem>>
          %dma_start3A_333 = tpu.memref_slice %arg12[%mul3A_327] : memref<20000xi32, #tpu.memory_space<vmem>> -> memref<80xi32, #tpu.memory_space<vmem>>
          %dma_start3A_334 = arith.constant 0 : i32
          %dma_start3A_335 = arith.constant 0 : i32
          %dma_start3A_336 = tpu.memref_slice %arg3[%dma_start3A_334, %dma_start3A_335] : memref<10000x128xbf16, #tpu.memory_space<hbm>> -> memref<10000x128xbf16, #tpu.memory_space<hbm>>
          tpu.enqueue_indirect_dma source(%dma_start3A_336 : memref<10000x128xbf16, #tpu.memory_space<hbm>>) target(%dma_start3A_332 : memref<80x128xbf16, #tpu.memory_space<vmem>>) offsets(%dma_start3A_333 : memref<80xi32, #tpu.memory_space<vmem>>) semaphore(%arg16 : memref<!tpu.dma_semaphore, #tpu.memory_space<semaphore_mem>>)
        } else {
        }
        %mul3A_162 = arith.constant 80 : i32
        %mul3A_163 = arith.muli %add3A_147, %mul3A_162 : i32
        %dma_wait3A_164 = arith.constant 1 : i32
        %dma_wait3A_165 = arith.constant 0 : i32
        %dma_wait3A_166 = arith.constant 0 : i32
        %dma_wait3A_167 = tpu.memref_slice %arg14[%dma_wait3A_164, %dma_wait3A_165, %dma_wait3A_166] : memref<5x80x128xbf16, #tpu.memory_space<vmem>> -> memref<1x80x128xbf16, #tpu.memory_space<vmem>>
        %dma_wait3A_168 = tpu.memref_squeeze %dma_wait3A_167 : memref<1x80x128xbf16, #tpu.memory_space<vmem>> -> memref<80x128xbf16, #tpu.memory_space<vmem>>
        %dma_wait3A_169 = tpu.memref_slice %arg12[%mul3A_163] : memref<20000xi32, #tpu.memory_space<vmem>> -> memref<80xi32, #tpu.memory_space<vmem>>
        %dma_wait3A_170 = arith.constant 0 : i32
        %dma_wait3A_171 = arith.constant 0 : i32
        %dma_wait3A_172 = tpu.memref_slice %arg3[%dma_wait3A_170, %dma_wait3A_171] : memref<10000x128xbf16, #tpu.memory_space<hbm>> -> memref<10000x128xbf16, #tpu.memory_space<hbm>>
        tpu.wait_indirect_dma semaphore(%arg17 : memref<!tpu.dma_semaphore, #tpu.memory_space<semaphore_mem>>) src(%dma_wait3A_172 : memref<10000x128xbf16, #tpu.memory_space<hbm>>) dst(%dma_wait3A_168 : memref<80x128xbf16, #tpu.memory_space<vmem>>)
        %mul3A_173 = arith.constant 80 : i32
        %mul3A_174 = arith.muli %add3A_147, %mul3A_173 : i32
        %dma_start3A_175 = arith.constant 1 : i32
        %dma_start3A_176 = arith.constant 0 : i32
        %dma_start3A_177 = arith.constant 0 : i32
        %dma_start3A_178 = tpu.memref_slice %arg14[%dma_start3A_175, %dma_start3A_176, %dma_start3A_177] : memref<5x80x128xbf16, #tpu.memory_space<vmem>> -> memref<1x80x128xbf16, #tpu.memory_space<vmem>>
        %dma_start3A_179 = tpu.memref_squeeze %dma_start3A_178 : memref<1x80x128xbf16, #tpu.memory_space<vmem>> -> memref<80x128xbf16, #tpu.memory_space<vmem>>
        %dma_start3A_180 = tpu.memref_slice %arg13[%mul3A_174] : memref<20000xi32, #tpu.memory_space<vmem>> -> memref<80xi32, #tpu.memory_space<vmem>>
        %dma_start3A_181 = arith.constant 0 : i32
        %dma_start3A_182 = arith.constant 0 : i32
        %dma_start3A_183 = tpu.memref_slice %arg10[%dma_start3A_181, %dma_start3A_182] : memref<10000x128xbf16, #tpu.memory_space<vmem_shared>> -> memref<10000x128xbf16, #tpu.memory_space<vmem_shared>>
        tpu.enqueue_indirect_dma source(%dma_start3A_179 : memref<80x128xbf16, #tpu.memory_space<vmem>>) target(%dma_start3A_183 : memref<10000x128xbf16, #tpu.memory_space<vmem_shared>>) offsets(%dma_start3A_180 : memref<80xi32, #tpu.memory_space<vmem>>) semaphore(%arg22 : memref<!tpu.dma_semaphore, #tpu.memory_space<semaphore_mem>>) {add = true}
        %mul3A_184 = arith.constant 80 : i32
        %mul3A_185 = arith.muli %add3A_147, %mul3A_184 : i32
        %dma_start3A_186 = tpu.memref_slice %arg13[%mul3A_185] : memref<20000xi32, #tpu.memory_space<vmem>> -> memref<80xi32, #tpu.memory_space<vmem>>
        %dma_start3A_187 = arith.constant 0 : i32
        %dma_start3A_188 = arith.constant 0 : i32
        %dma_start3A_189 = tpu.memref_slice %arg11[%dma_start3A_187, %dma_start3A_188] : memref<10000x32xbf16, #tpu.memory_space<vmem_shared>> -> memref<10000x32xbf16, #tpu.memory_space<vmem_shared>>
        tpu.enqueue_indirect_dma source(%arg15 : memref<80x32xbf16, #tpu.memory_space<vmem>>) target(%dma_start3A_189 : memref<10000x32xbf16, #tpu.memory_space<vmem_shared>>) offsets(%dma_start3A_186 : memref<80xi32, #tpu.memory_space<vmem>>) semaphore(%arg27 : memref<!tpu.dma_semaphore, #tpu.memory_space<semaphore_mem>>) {add = true}
        %add3A_190 = arith.constant 2 : i32
        %add3A_191 = arith.addi %mul3A_103, %add3A_190 : i32
        %ge3A_192 = arith.constant 1 : i32
        %ge3A_193 = arith.cmpi sge, %add3A_191, %ge3A_192 : i32
        %convert_element_type3A_194 = arith.extui %ge3A_193 : i1 to i32
        %cond3A_195 = arith.constant 0 : i32
        %cond3A_196 = arith.cmpi ne, %convert_element_type3A_194, %cond3A_195 : i32
        scf.if %cond3A_196 {
          %dma_wait3A_322 = arith.constant 1 : i32
          %dma_wait3A_323 = arith.constant 0 : i32
          %dma_wait3A_324 = arith.constant 0 : i32
          %dma_wait3A_325 = tpu.memref_slice %arg14[%dma_wait3A_322, %dma_wait3A_323, %dma_wait3A_324] : memref<5x80x128xbf16, #tpu.memory_space<vmem>> -> memref<1x80x128xbf16, #tpu.memory_space<vmem>>
          %dma_wait3A_326 = tpu.memref_squeeze %dma_wait3A_325 : memref<1x80x128xbf16, #tpu.memory_space<vmem>> -> memref<80x128xbf16, #tpu.memory_space<vmem>>
          %dma_wait3A_327 = arith.constant 0 : i32
          %dma_wait3A_328 = tpu.memref_slice %arg13[%dma_wait3A_327] : memref<20000xi32, #tpu.memory_space<vmem>> -> memref<80xi32, #tpu.memory_space<vmem>>
          %dma_wait3A_329 = arith.constant 0 : i32
          %dma_wait3A_330 = arith.constant 0 : i32
          %dma_wait3A_331 = tpu.memref_slice %arg10[%dma_wait3A_329, %dma_wait3A_330] : memref<10000x128xbf16, #tpu.memory_space<vmem_shared>> -> memref<10000x128xbf16, #tpu.memory_space<vmem_shared>>
          tpu.wait_indirect_dma semaphore(%arg22 : memref<!tpu.dma_semaphore, #tpu.memory_space<semaphore_mem>>) src(%dma_wait3A_326 : memref<80x128xbf16, #tpu.memory_space<vmem>>) dst(%dma_wait3A_331 : memref<10000x128xbf16, #tpu.memory_space<vmem_shared>>)
          %dma_wait3A_332 = arith.constant 0 : i32
          %dma_wait3A_333 = tpu.memref_slice %arg13[%dma_wait3A_332] : memref<20000xi32, #tpu.memory_space<vmem>> -> memref<80xi32, #tpu.memory_space<vmem>>
          %dma_wait3A_334 = arith.constant 0 : i32
          %dma_wait3A_335 = arith.constant 0 : i32
          %dma_wait3A_336 = tpu.memref_slice %arg11[%dma_wait3A_334, %dma_wait3A_335] : memref<10000x32xbf16, #tpu.memory_space<vmem_shared>> -> memref<10000x32xbf16, #tpu.memory_space<vmem_shared>>
          tpu.wait_indirect_dma semaphore(%arg27 : memref<!tpu.dma_semaphore, #tpu.memory_space<semaphore_mem>>) src(%arg15 : memref<80x32xbf16, #tpu.memory_space<vmem>>) dst(%dma_wait3A_336 : memref<10000x32xbf16, #tpu.memory_space<vmem_shared>>)
        } else {
        }
        %add3A_197 = arith.constant 5 : i32
        %add3A_198 = arith.addi %add3A_191, %add3A_197 : i32
        %sub3A_199 = arith.constant 1 : i32
        %sub3A_200 = arith.subi %add3A_198, %sub3A_199 : i32
        %lt3A_201 = arith.constant 250 : i32
        %lt3A_202 = arith.cmpi slt, %sub3A_200, %lt3A_201 : i32
        %convert_element_type3A_203 = arith.extui %lt3A_202 : i1 to i32
        %cond3A_204 = arith.constant 0 : i32
        %cond3A_205 = arith.cmpi ne, %convert_element_type3A_203, %cond3A_204 : i32
        scf.if %cond3A_205 {
          %add3A_322 = arith.constant 5 : i32
          %add3A_323 = arith.addi %add3A_191, %add3A_322 : i32
          %sub3A_324 = arith.constant 1 : i32
          %sub3A_325 = arith.subi %add3A_323, %sub3A_324 : i32
          %mul3A_326 = arith.constant 80 : i32
          %mul3A_327 = arith.muli %sub3A_325, %mul3A_326 : i32
          %dma_start3A_328 = arith.constant 1 : i32
          %dma_start3A_329 = arith.constant 0 : i32
          %dma_start3A_330 = arith.constant 0 : i32
          %dma_start3A_331 = tpu.memref_slice %arg14[%dma_start3A_328, %dma_start3A_329, %dma_start3A_330] : memref<5x80x128xbf16, #tpu.memory_space<vmem>> -> memref<1x80x128xbf16, #tpu.memory_space<vmem>>
          %dma_start3A_332 = tpu.memref_squeeze %dma_start3A_331 : memref<1x80x128xbf16, #tpu.memory_space<vmem>> -> memref<80x128xbf16, #tpu.memory_space<vmem>>
          %dma_start3A_333 = tpu.memref_slice %arg12[%mul3A_327] : memref<20000xi32, #tpu.memory_space<vmem>> -> memref<80xi32, #tpu.memory_space<vmem>>
          %dma_start3A_334 = arith.constant 0 : i32
          %dma_start3A_335 = arith.constant 0 : i32
          %dma_start3A_336 = tpu.memref_slice %arg3[%dma_start3A_334, %dma_start3A_335] : memref<10000x128xbf16, #tpu.memory_space<hbm>> -> memref<10000x128xbf16, #tpu.memory_space<hbm>>
          tpu.enqueue_indirect_dma source(%dma_start3A_336 : memref<10000x128xbf16, #tpu.memory_space<hbm>>) target(%dma_start3A_332 : memref<80x128xbf16, #tpu.memory_space<vmem>>) offsets(%dma_start3A_333 : memref<80xi32, #tpu.memory_space<vmem>>) semaphore(%arg17 : memref<!tpu.dma_semaphore, #tpu.memory_space<semaphore_mem>>)
        } else {
        }
        %mul3A_206 = arith.constant 80 : i32
        %mul3A_207 = arith.muli %add3A_191, %mul3A_206 : i32
        %dma_wait3A_208 = arith.constant 2 : i32
        %dma_wait3A_209 = arith.constant 0 : i32
        %dma_wait3A_210 = arith.constant 0 : i32
        %dma_wait3A_211 = tpu.memref_slice %arg14[%dma_wait3A_208, %dma_wait3A_209, %dma_wait3A_210] : memref<5x80x128xbf16, #tpu.memory_space<vmem>> -> memref<1x80x128xbf16, #tpu.memory_space<vmem>>
        %dma_wait3A_212 = tpu.memref_squeeze %dma_wait3A_211 : memref<1x80x128xbf16, #tpu.memory_space<vmem>> -> memref<80x128xbf16, #tpu.memory_space<vmem>>
        %dma_wait3A_213 = tpu.memref_slice %arg12[%mul3A_207] : memref<20000xi32, #tpu.memory_space<vmem>> -> memref<80xi32, #tpu.memory_space<vmem>>
        %dma_wait3A_214 = arith.constant 0 : i32
        %dma_wait3A_215 = arith.constant 0 : i32
        %dma_wait3A_216 = tpu.memref_slice %arg3[%dma_wait3A_214, %dma_wait3A_215] : memref<10000x128xbf16, #tpu.memory_space<hbm>> -> memref<10000x128xbf16, #tpu.memory_space<hbm>>
        tpu.wait_indirect_dma semaphore(%arg18 : memref<!tpu.dma_semaphore, #tpu.memory_space<semaphore_mem>>) src(%dma_wait3A_216 : memref<10000x128xbf16, #tpu.memory_space<hbm>>) dst(%dma_wait3A_212 : memref<80x128xbf16, #tpu.memory_space<vmem>>)
        %mul3A_217 = arith.constant 80 : i32
        %mul3A_218 = arith.muli %add3A_191, %mul3A_217 : i32
        %dma_start3A_219 = arith.constant 2 : i32
        %dma_start3A_220 = arith.constant 0 : i32
        %dma_start3A_221 = arith.constant 0 : i32
        %dma_start3A_222 = tpu.memref_slice %arg14[%dma_start3A_219, %dma_start3A_220, %dma_start3A_221] : memref<5x80x128xbf16, #tpu.memory_space<vmem>> -> memref<1x80x128xbf16, #tpu.memory_space<vmem>>
        %dma_start3A_223 = tpu.memref_squeeze %dma_start3A_222 : memref<1x80x128xbf16, #tpu.memory_space<vmem>> -> memref<80x128xbf16, #tpu.memory_space<vmem>>
        %dma_start3A_224 = tpu.memref_slice %arg13[%mul3A_218] : memref<20000xi32, #tpu.memory_space<vmem>> -> memref<80xi32, #tpu.memory_space<vmem>>
        %dma_start3A_225 = arith.constant 0 : i32
        %dma_start3A_226 = arith.constant 0 : i32
        %dma_start3A_227 = tpu.memref_slice %arg10[%dma_start3A_225, %dma_start3A_226] : memref<10000x128xbf16, #tpu.memory_space<vmem_shared>> -> memref<10000x128xbf16, #tpu.memory_space<vmem_shared>>
        tpu.enqueue_indirect_dma source(%dma_start3A_223 : memref<80x128xbf16, #tpu.memory_space<vmem>>) target(%dma_start3A_227 : memref<10000x128xbf16, #tpu.memory_space<vmem_shared>>) offsets(%dma_start3A_224 : memref<80xi32, #tpu.memory_space<vmem>>) semaphore(%arg23 : memref<!tpu.dma_semaphore, #tpu.memory_space<semaphore_mem>>) {add = true}
        %mul3A_228 = arith.constant 80 : i32
        %mul3A_229 = arith.muli %add3A_191, %mul3A_228 : i32
        %dma_start3A_230 = tpu.memref_slice %arg13[%mul3A_229] : memref<20000xi32, #tpu.memory_space<vmem>> -> memref<80xi32, #tpu.memory_space<vmem>>
        %dma_start3A_231 = arith.constant 0 : i32
        %dma_start3A_232 = arith.constant 0 : i32
        %dma_start3A_233 = tpu.memref_slice %arg11[%dma_start3A_231, %dma_start3A_232] : memref<10000x32xbf16, #tpu.memory_space<vmem_shared>> -> memref<10000x32xbf16, #tpu.memory_space<vmem_shared>>
        tpu.enqueue_indirect_dma source(%arg15 : memref<80x32xbf16, #tpu.memory_space<vmem>>) target(%dma_start3A_233 : memref<10000x32xbf16, #tpu.memory_space<vmem_shared>>) offsets(%dma_start3A_230 : memref<80xi32, #tpu.memory_space<vmem>>) semaphore(%arg28 : memref<!tpu.dma_semaphore, #tpu.memory_space<semaphore_mem>>) {add = true}
        %add3A_234 = arith.constant 3 : i32
        %add3A_235 = arith.addi %mul3A_103, %add3A_234 : i32
        %ge3A_236 = arith.constant 1 : i32
        %ge3A_237 = arith.cmpi sge, %add3A_235, %ge3A_236 : i32
        %convert_element_type3A_238 = arith.extui %ge3A_237 : i1 to i32
        %cond3A_239 = arith.constant 0 : i32
        %cond3A_240 = arith.cmpi ne, %convert_element_type3A_238, %cond3A_239 : i32
        scf.if %cond3A_240 {
          %dma_wait3A_322 = arith.constant 2 : i32
          %dma_wait3A_323 = arith.constant 0 : i32
          %dma_wait3A_324 = arith.constant 0 : i32
          %dma_wait3A_325 = tpu.memref_slice %arg14[%dma_wait3A_322, %dma_wait3A_323, %dma_wait3A_324] : memref<5x80x128xbf16, #tpu.memory_space<vmem>> -> memref<1x80x128xbf16, #tpu.memory_space<vmem>>
          %dma_wait3A_326 = tpu.memref_squeeze %dma_wait3A_325 : memref<1x80x128xbf16, #tpu.memory_space<vmem>> -> memref<80x128xbf16, #tpu.memory_space<vmem>>
          %dma_wait3A_327 = arith.constant 0 : i32
          %dma_wait3A_328 = tpu.memref_slice %arg13[%dma_wait3A_327] : memref<20000xi32, #tpu.memory_space<vmem>> -> memref<80xi32, #tpu.memory_space<vmem>>
          %dma_wait3A_329 = arith.constant 0 : i32
          %dma_wait3A_330 = arith.constant 0 : i32
          %dma_wait3A_331 = tpu.memref_slice %arg10[%dma_wait3A_329, %dma_wait3A_330] : memref<10000x128xbf16, #tpu.memory_space<vmem_shared>> -> memref<10000x128xbf16, #tpu.memory_space<vmem_shared>>
          tpu.wait_indirect_dma semaphore(%arg23 : memref<!tpu.dma_semaphore, #tpu.memory_space<semaphore_mem>>) src(%dma_wait3A_326 : memref<80x128xbf16, #tpu.memory_space<vmem>>) dst(%dma_wait3A_331 : memref<10000x128xbf16, #tpu.memory_space<vmem_shared>>)
          %dma_wait3A_332 = arith.constant 0 : i32
          %dma_wait3A_333 = tpu.memref_slice %arg13[%dma_wait3A_332] : memref<20000xi32, #tpu.memory_space<vmem>> -> memref<80xi32, #tpu.memory_space<vmem>>
          %dma_wait3A_334 = arith.constant 0 : i32
          %dma_wait3A_335 = arith.constant 0 : i32
          %dma_wait3A_336 = tpu.memref_slice %arg11[%dma_wait3A_334, %dma_wait3A_335] : memref<10000x32xbf16, #tpu.memory_space<vmem_shared>> -> memref<10000x32xbf16, #tpu.memory_space<vmem_shared>>
          tpu.wait_indirect_dma semaphore(%arg28 : memref<!tpu.dma_semaphore, #tpu.memory_space<semaphore_mem>>) src(%arg15 : memref<80x32xbf16, #tpu.memory_space<vmem>>) dst(%dma_wait3A_336 : memref<10000x32xbf16, #tpu.memory_space<vmem_shared>>)
        } else {
        }
        %add3A_241 = arith.constant 5 : i32
        %add3A_242 = arith.addi %add3A_235, %add3A_241 : i32
        %sub3A_243 = arith.constant 1 : i32
        %sub3A_244 = arith.subi %add3A_242, %sub3A_243 : i32
        %lt3A_245 = arith.constant 250 : i32
        %lt3A_246 = arith.cmpi slt, %sub3A_244, %lt3A_245 : i32
        %convert_element_type3A_247 = arith.extui %lt3A_246 : i1 to i32
        %cond3A_248 = arith.constant 0 : i32
        %cond3A_249 = arith.cmpi ne, %convert_element_type3A_247, %cond3A_248 : i32
        scf.if %cond3A_249 {
          %add3A_322 = arith.constant 5 : i32
          %add3A_323 = arith.addi %add3A_235, %add3A_322 : i32
          %sub3A_324 = arith.constant 1 : i32
          %sub3A_325 = arith.subi %add3A_323, %sub3A_324 : i32
          %mul3A_326 = arith.constant 80 : i32
          %mul3A_327 = arith.muli %sub3A_325, %mul3A_326 : i32
          %dma_start3A_328 = arith.constant 2 : i32
          %dma_start3A_329 = arith.constant 0 : i32
          %dma_start3A_330 = arith.constant 0 : i32
          %dma_start3A_331 = tpu.memref_slice %arg14[%dma_start3A_328, %dma_start3A_329, %dma_start3A_330] : memref<5x80x128xbf16, #tpu.memory_space<vmem>> -> memref<1x80x128xbf16, #tpu.memory_space<vmem>>
          %dma_start3A_332 = tpu.memref_squeeze %dma_start3A_331 : memref<1x80x128xbf16, #tpu.memory_space<vmem>> -> memref<80x128xbf16, #tpu.memory_space<vmem>>
          %dma_start3A_333 = tpu.memref_slice %arg12[%mul3A_327] : memref<20000xi32, #tpu.memory_space<vmem>> -> memref<80xi32, #tpu.memory_space<vmem>>
          %dma_start3A_334 = arith.constant 0 : i32
          %dma_start3A_335 = arith.constant 0 : i32
          %dma_start3A_336 = tpu.memref_slice %arg3[%dma_start3A_334, %dma_start3A_335] : memref<10000x128xbf16, #tpu.memory_space<hbm>> -> memref<10000x128xbf16, #tpu.memory_space<hbm>>
          tpu.enqueue_indirect_dma source(%dma_start3A_336 : memref<10000x128xbf16, #tpu.memory_space<hbm>>) target(%dma_start3A_332 : memref<80x128xbf16, #tpu.memory_space<vmem>>) offsets(%dma_start3A_333 : memref<80xi32, #tpu.memory_space<vmem>>) semaphore(%arg18 : memref<!tpu.dma_semaphore, #tpu.memory_space<semaphore_mem>>)
        } else {
        }
        %mul3A_250 = arith.constant 80 : i32
        %mul3A_251 = arith.muli %add3A_235, %mul3A_250 : i32
        %dma_wait3A_252 = arith.constant 3 : i32
        %dma_wait3A_253 = arith.constant 0 : i32
        %dma_wait3A_254 = arith.constant 0 : i32
        %dma_wait3A_255 = tpu.memref_slice %arg14[%dma_wait3A_252, %dma_wait3A_253, %dma_wait3A_254] : memref<5x80x128xbf16, #tpu.memory_space<vmem>> -> memref<1x80x128xbf16, #tpu.memory_space<vmem>>
        %dma_wait3A_256 = tpu.memref_squeeze %dma_wait3A_255 : memref<1x80x128xbf16, #tpu.memory_space<vmem>> -> memref<80x128xbf16, #tpu.memory_space<vmem>>
        %dma_wait3A_257 = tpu.memref_slice %arg12[%mul3A_251] : memref<20000xi32, #tpu.memory_space<vmem>> -> memref<80xi32, #tpu.memory_space<vmem>>
        %dma_wait3A_258 = arith.constant 0 : i32
        %dma_wait3A_259 = arith.constant 0 : i32
        %dma_wait3A_260 = tpu.memref_slice %arg3[%dma_wait3A_258, %dma_wait3A_259] : memref<10000x128xbf16, #tpu.memory_space<hbm>> -> memref<10000x128xbf16, #tpu.memory_space<hbm>>
        tpu.wait_indirect_dma semaphore(%arg19 : memref<!tpu.dma_semaphore, #tpu.memory_space<semaphore_mem>>) src(%dma_wait3A_260 : memref<10000x128xbf16, #tpu.memory_space<hbm>>) dst(%dma_wait3A_256 : memref<80x128xbf16, #tpu.memory_space<vmem>>)
        %mul3A_261 = arith.constant 80 : i32
        %mul3A_262 = arith.muli %add3A_235, %mul3A_261 : i32
        %dma_start3A_263 = arith.constant 3 : i32
        %dma_start3A_264 = arith.constant 0 : i32
        %dma_start3A_265 = arith.constant 0 : i32
        %dma_start3A_266 = tpu.memref_slice %arg14[%dma_start3A_263, %dma_start3A_264, %dma_start3A_265] : memref<5x80x128xbf16, #tpu.memory_space<vmem>> -> memref<1x80x128xbf16, #tpu.memory_space<vmem>>
        %dma_start3A_267 = tpu.memref_squeeze %dma_start3A_266 : memref<1x80x128xbf16, #tpu.memory_space<vmem>> -> memref<80x128xbf16, #tpu.memory_space<vmem>>
        %dma_start3A_268 = tpu.memref_slice %arg13[%mul3A_262] : memref<20000xi32, #tpu.memory_space<vmem>> -> memref<80xi32, #tpu.memory_space<vmem>>
        %dma_start3A_269 = arith.constant 0 : i32
        %dma_start3A_270 = arith.constant 0 : i32
        %dma_start3A_271 = tpu.memref_slice %arg10[%dma_start3A_269, %dma_start3A_270] : memref<10000x128xbf16, #tpu.memory_space<vmem_shared>> -> memref<10000x128xbf16, #tpu.memory_space<vmem_shared>>
        tpu.enqueue_indirect_dma source(%dma_start3A_267 : memref<80x128xbf16, #tpu.memory_space<vmem>>) target(%dma_start3A_271 : memref<10000x128xbf16, #tpu.memory_space<vmem_shared>>) offsets(%dma_start3A_268 : memref<80xi32, #tpu.memory_space<vmem>>) semaphore(%arg24 : memref<!tpu.dma_semaphore, #tpu.memory_space<semaphore_mem>>) {add = true}
        %mul3A_272 = arith.constant 80 : i32
        %mul3A_273 = arith.muli %add3A_235, %mul3A_272 : i32
        %dma_start3A_274 = tpu.memref_slice %arg13[%mul3A_273] : memref<20000xi32, #tpu.memory_space<vmem>> -> memref<80xi32, #tpu.memory_space<vmem>>
        %dma_start3A_275 = arith.constant 0 : i32
        %dma_start3A_276 = arith.constant 0 : i32
        %dma_start3A_277 = tpu.memref_slice %arg11[%dma_start3A_275, %dma_start3A_276] : memref<10000x32xbf16, #tpu.memory_space<vmem_shared>> -> memref<10000x32xbf16, #tpu.memory_space<vmem_shared>>
        tpu.enqueue_indirect_dma source(%arg15 : memref<80x32xbf16, #tpu.memory_space<vmem>>) target(%dma_start3A_277 : memref<10000x32xbf16, #tpu.memory_space<vmem_shared>>) offsets(%dma_start3A_274 : memref<80xi32, #tpu.memory_space<vmem>>) semaphore(%arg29 : memref<!tpu.dma_semaphore, #tpu.memory_space<semaphore_mem>>) {add = true}
        %add3A_278 = arith.constant 4 : i32
        %add3A_279 = arith.addi %mul3A_103, %add3A_278 : i32
        %ge3A_280 = arith.constant 1 : i32
        %ge3A_281 = arith.cmpi sge, %add3A_279, %ge3A_280 : i32
        %convert_element_type3A_282 = arith.extui %ge3A_281 : i1 to i32
        %cond3A_283 = arith.constant 0 : i32
        %cond3A_284 = arith.cmpi ne, %convert_element_type3A_282, %cond3A_283 : i32
        scf.if %cond3A_284 {
          %dma_wait3A_322 = arith.constant 3 : i32
          %dma_wait3A_323 = arith.constant 0 : i32
          %dma_wait3A_324 = arith.constant 0 : i32
          %dma_wait3A_325 = tpu.memref_slice %arg14[%dma_wait3A_322, %dma_wait3A_323, %dma_wait3A_324] : memref<5x80x128xbf16, #tpu.memory_space<vmem>> -> memref<1x80x128xbf16, #tpu.memory_space<vmem>>
          %dma_wait3A_326 = tpu.memref_squeeze %dma_wait3A_325 : memref<1x80x128xbf16, #tpu.memory_space<vmem>> -> memref<80x128xbf16, #tpu.memory_space<vmem>>
          %dma_wait3A_327 = arith.constant 0 : i32
          %dma_wait3A_328 = tpu.memref_slice %arg13[%dma_wait3A_327] : memref<20000xi32, #tpu.memory_space<vmem>> -> memref<80xi32, #tpu.memory_space<vmem>>
          %dma_wait3A_329 = arith.constant 0 : i32
          %dma_wait3A_330 = arith.constant 0 : i32
          %dma_wait3A_331 = tpu.memref_slice %arg10[%dma_wait3A_329, %dma_wait3A_330] : memref<10000x128xbf16, #tpu.memory_space<vmem_shared>> -> memref<10000x128xbf16, #tpu.memory_space<vmem_shared>>
          tpu.wait_indirect_dma semaphore(%arg24 : memref<!tpu.dma_semaphore, #tpu.memory_space<semaphore_mem>>) src(%dma_wait3A_326 : memref<80x128xbf16, #tpu.memory_space<vmem>>) dst(%dma_wait3A_331 : memref<10000x128xbf16, #tpu.memory_space<vmem_shared>>)
          %dma_wait3A_332 = arith.constant 0 : i32
          %dma_wait3A_333 = tpu.memref_slice %arg13[%dma_wait3A_332] : memref<20000xi32, #tpu.memory_space<vmem>> -> memref<80xi32, #tpu.memory_space<vmem>>
          %dma_wait3A_334 = arith.constant 0 : i32
          %dma_wait3A_335 = arith.constant 0 : i32
          %dma_wait3A_336 = tpu.memref_slice %arg11[%dma_wait3A_334, %dma_wait3A_335] : memref<10000x32xbf16, #tpu.memory_space<vmem_shared>> -> memref<10000x32xbf16, #tpu.memory_space<vmem_shared>>
          tpu.wait_indirect_dma semaphore(%arg29 : memref<!tpu.dma_semaphore, #tpu.memory_space<semaphore_mem>>) src(%arg15 : memref<80x32xbf16, #tpu.memory_space<vmem>>) dst(%dma_wait3A_336 : memref<10000x32xbf16, #tpu.memory_space<vmem_shared>>)
        } else {
        }
        %add3A_285 = arith.constant 5 : i32
        %add3A_286 = arith.addi %add3A_279, %add3A_285 : i32
        %sub3A_287 = arith.constant 1 : i32
        %sub3A_288 = arith.subi %add3A_286, %sub3A_287 : i32
        %lt3A_289 = arith.constant 250 : i32
        %lt3A_290 = arith.cmpi slt, %sub3A_288, %lt3A_289 : i32
        %convert_element_type3A_291 = arith.extui %lt3A_290 : i1 to i32
        %cond3A_292 = arith.constant 0 : i32
        %cond3A_293 = arith.cmpi ne, %convert_element_type3A_291, %cond3A_292 : i32
        scf.if %cond3A_293 {
          %add3A_322 = arith.constant 5 : i32
          %add3A_323 = arith.addi %add3A_279, %add3A_322 : i32
          %sub3A_324 = arith.constant 1 : i32
          %sub3A_325 = arith.subi %add3A_323, %sub3A_324 : i32
          %mul3A_326 = arith.constant 80 : i32
          %mul3A_327 = arith.muli %sub3A_325, %mul3A_326 : i32
          %dma_start3A_328 = arith.constant 3 : i32
          %dma_start3A_329 = arith.constant 0 : i32
          %dma_start3A_330 = arith.constant 0 : i32
          %dma_start3A_331 = tpu.memref_slice %arg14[%dma_start3A_328, %dma_start3A_329, %dma_start3A_330] : memref<5x80x128xbf16, #tpu.memory_space<vmem>> -> memref<1x80x128xbf16, #tpu.memory_space<vmem>>
          %dma_start3A_332 = tpu.memref_squeeze %dma_start3A_331 : memref<1x80x128xbf16, #tpu.memory_space<vmem>> -> memref<80x128xbf16, #tpu.memory_space<vmem>>
          %dma_start3A_333 = tpu.memref_slice %arg12[%mul3A_327] : memref<20000xi32, #tpu.memory_space<vmem>> -> memref<80xi32, #tpu.memory_space<vmem>>
          %dma_start3A_334 = arith.constant 0 : i32
          %dma_start3A_335 = arith.constant 0 : i32
          %dma_start3A_336 = tpu.memref_slice %arg3[%dma_start3A_334, %dma_start3A_335] : memref<10000x128xbf16, #tpu.memory_space<hbm>> -> memref<10000x128xbf16, #tpu.memory_space<hbm>>
          tpu.enqueue_indirect_dma source(%dma_start3A_336 : memref<10000x128xbf16, #tpu.memory_space<hbm>>) target(%dma_start3A_332 : memref<80x128xbf16, #tpu.memory_space<vmem>>) offsets(%dma_start3A_333 : memref<80xi32, #tpu.memory_space<vmem>>) semaphore(%arg19 : memref<!tpu.dma_semaphore, #tpu.memory_space<semaphore_mem>>)
        } else {
        }
        %mul3A_294 = arith.constant 80 : i32
        %mul3A_295 = arith.muli %add3A_279, %mul3A_294 : i32
        %dma_wait3A_296 = arith.constant 4 : i32
        %dma_wait3A_297 = arith.constant 0 : i32
        %dma_wait3A_298 = arith.constant 0 : i32
        %dma_wait3A_299 = tpu.memref_slice %arg14[%dma_wait3A_296, %dma_wait3A_297, %dma_wait3A_298] : memref<5x80x128xbf16, #tpu.memory_space<vmem>> -> memref<1x80x128xbf16, #tpu.memory_space<vmem>>
        %dma_wait3A_300 = tpu.memref_squeeze %dma_wait3A_299 : memref<1x80x128xbf16, #tpu.memory_space<vmem>> -> memref<80x128xbf16, #tpu.memory_space<vmem>>
        %dma_wait3A_301 = tpu.memref_slice %arg12[%mul3A_295] : memref<20000xi32, #tpu.memory_space<vmem>> -> memref<80xi32, #tpu.memory_space<vmem>>
        %dma_wait3A_302 = arith.constant 0 : i32
        %dma_wait3A_303 = arith.constant 0 : i32
        %dma_wait3A_304 = tpu.memref_slice %arg3[%dma_wait3A_302, %dma_wait3A_303] : memref<10000x128xbf16, #tpu.memory_space<hbm>> -> memref<10000x128xbf16, #tpu.memory_space<hbm>>
        tpu.wait_indirect_dma semaphore(%arg20 : memref<!tpu.dma_semaphore, #tpu.memory_space<semaphore_mem>>) src(%dma_wait3A_304 : memref<10000x128xbf16, #tpu.memory_space<hbm>>) dst(%dma_wait3A_300 : memref<80x128xbf16, #tpu.memory_space<vmem>>)
        %mul3A_305 = arith.constant 80 : i32
        %mul3A_306 = arith.muli %add3A_279, %mul3A_305 : i32
        %dma_start3A_307 = arith.constant 4 : i32
        %dma_start3A_308 = arith.constant 0 : i32
        %dma_start3A_309 = arith.constant 0 : i32
        %dma_start3A_310 = tpu.memref_slice %arg14[%dma_start3A_307, %dma_start3A_308, %dma_start3A_309] : memref<5x80x128xbf16, #tpu.memory_space<vmem>> -> memref<1x80x128xbf16, #tpu.memory_space<vmem>>
        %dma_start3A_311 = tpu.memref_squeeze %dma_start3A_310 : memref<1x80x128xbf16, #tpu.memory_space<vmem>> -> memref<80x128xbf16, #tpu.memory_space<vmem>>
        %dma_start3A_312 = tpu.memref_slice %arg13[%mul3A_306] : memref<20000xi32, #tpu.memory_space<vmem>> -> memref<80xi32, #tpu.memory_space<vmem>>
        %dma_start3A_313 = arith.constant 0 : i32
        %dma_start3A_314 = arith.constant 0 : i32
        %dma_start3A_315 = tpu.memref_slice %arg10[%dma_start3A_313, %dma_start3A_314] : memref<10000x128xbf16, #tpu.memory_space<vmem_shared>> -> memref<10000x128xbf16, #tpu.memory_space<vmem_shared>>
        tpu.enqueue_indirect_dma source(%dma_start3A_311 : memref<80x128xbf16, #tpu.memory_space<vmem>>) target(%dma_start3A_315 : memref<10000x128xbf16, #tpu.memory_space<vmem_shared>>) offsets(%dma_start3A_312 : memref<80xi32, #tpu.memory_space<vmem>>) semaphore(%arg25 : memref<!tpu.dma_semaphore, #tpu.memory_space<semaphore_mem>>) {add = true}
        %mul3A_316 = arith.constant 80 : i32
        %mul3A_317 = arith.muli %add3A_279, %mul3A_316 : i32
        %dma_start3A_318 = tpu.memref_slice %arg13[%mul3A_317] : memref<20000xi32, #tpu.memory_space<vmem>> -> memref<80xi32, #tpu.memory_space<vmem>>
        %dma_start3A_319 = arith.constant 0 : i32
        %dma_start3A_320 = arith.constant 0 : i32
        %dma_start3A_321 = tpu.memref_slice %arg11[%dma_start3A_319, %dma_start3A_320] : memref<10000x32xbf16, #tpu.memory_space<vmem_shared>> -> memref<10000x32xbf16, #tpu.memory_space<vmem_shared>>
        tpu.enqueue_indirect_dma source(%arg15 : memref<80x32xbf16, #tpu.memory_space<vmem>>) target(%dma_start3A_321 : memref<10000x32xbf16, #tpu.memory_space<vmem_shared>>) offsets(%dma_start3A_318 : memref<80xi32, #tpu.memory_space<vmem>>) semaphore(%arg30 : memref<!tpu.dma_semaphore, #tpu.memory_space<semaphore_mem>>) {add = true}
      }
      %scan3A_83 = arith.constant 50 : i32
      %dma_wait3A = arith.constant 4 : i32
      %dma_wait3A_84 = arith.constant 0 : i32
      %dma_wait3A_85 = arith.constant 0 : i32
      %dma_wait3A_86 = tpu.memref_slice %arg14[%dma_wait3A, %dma_wait3A_84, %dma_wait3A_85] : memref<5x80x128xbf16, #tpu.memory_space<vmem>> -> memref<1x80x128xbf16, #tpu.memory_space<vmem>>
      %dma_wait3A_87 = tpu.memref_squeeze %dma_wait3A_86 : memref<1x80x128xbf16, #tpu.memory_space<vmem>> -> memref<80x128xbf16, #tpu.memory_space<vmem>>
      %dma_wait3A_88 = arith.constant 0 : i32
      %dma_wait3A_89 = tpu.memref_slice %arg13[%dma_wait3A_88] : memref<20000xi32, #tpu.memory_space<vmem>> -> memref<80xi32, #tpu.memory_space<vmem>>
      %dma_wait3A_90 = arith.constant 0 : i32
      %dma_wait3A_91 = arith.constant 0 : i32
      %dma_wait3A_92 = tpu.memref_slice %arg10[%dma_wait3A_90, %dma_wait3A_91] : memref<10000x128xbf16, #tpu.memory_space<vmem_shared>> -> memref<10000x128xbf16, #tpu.memory_space<vmem_shared>>
      tpu.wait_indirect_dma semaphore(%arg25 : memref<!tpu.dma_semaphore, #tpu.memory_space<semaphore_mem>>) src(%dma_wait3A_87 : memref<80x128xbf16, #tpu.memory_space<vmem>>) dst(%dma_wait3A_92 : memref<10000x128xbf16, #tpu.memory_space<vmem_shared>>)
      %dma_wait3A_93 = arith.constant 0 : i32
      %dma_wait3A_94 = tpu.memref_slice %arg13[%dma_wait3A_93] : memref<20000xi32, #tpu.memory_space<vmem>> -> memref<80xi32, #tpu.memory_space<vmem>>
      %dma_wait3A_95 = arith.constant 0 : i32
      %dma_wait3A_96 = arith.constant 0 : i32
      %dma_wait3A_97 = tpu.memref_slice %arg11[%dma_wait3A_95, %dma_wait3A_96] : memref<10000x32xbf16, #tpu.memory_space<vmem_shared>> -> memref<10000x32xbf16, #tpu.memory_space<vmem_shared>>
      tpu.wait_indirect_dma semaphore(%arg30 : memref<!tpu.dma_semaphore, #tpu.memory_space<semaphore_mem>>) src(%arg15 : memref<80x32xbf16, #tpu.memory_space<vmem>>) dst(%dma_wait3A_97 : memref<10000x32xbf16, #tpu.memory_space<vmem_shared>>)
    } else {
    }
    %barrier3A_25 = arith.constant 0 : index
    tpu.barrier barrier_id(%barrier3A_25)
    %eq3A_26 = arith.constant 0 : i32
    %eq3A_27 = arith.cmpi eq, %arg0, %eq3A_26 : i32
    %convert_element_type3A_28 = arith.extui %eq3A_27 : i1 to i32
    %cond3A_29 = arith.constant 0 : i32
    %cond3A_30 = arith.cmpi ne, %convert_element_type3A_28, %cond3A_29 : i32
    scf.if %cond3A_30 {
      %lt3A_36 = arith.constant 15 : i32
      %lt3A_37 = arith.cmpi slt, %arg1, %lt3A_36 : i32
      %convert_element_type3A_38 = arith.extui %lt3A_37 : i1 to i32
      %cond3A_39 = arith.constant 0 : i32
      %cond3A_40 = arith.cmpi ne, %convert_element_type3A_38, %cond3A_39 : i32
      scf.if %cond3A_40 {
        %mul3A = arith.constant 640 : i32
        %mul3A_46 = arith.muli %arg1, %mul3A : i32
        %mul3A_47 = arith.constant 640 : i32
        %mul3A_48 = arith.muli %arg1, %mul3A_47 : i32
        "tpu.region"() ({
          %run_scoped3A = tpu.sem_alloc : memref<!tpu.dma_semaphore, #tpu.memory_space<semaphore_mem>>
          %dma_start3A = arith.constant 0 : i32
          %dma_start3A_53 = tpu.memref_slice %arg6[%mul3A_48, %dma_start3A] : memref<10000x128xbf16, #tpu.memory_space<hbm>> -> memref<640x128xbf16, #tpu.memory_space<hbm>>
          %dma_start3A_54 = arith.constant 0 : i32
          %dma_start3A_55 = tpu.memref_slice %arg10[%mul3A_46, %dma_start3A_54] : memref<10000x128xbf16, #tpu.memory_space<vmem_shared>> -> memref<640x128xbf16, #tpu.memory_space<vmem_shared>>
          tpu.enqueue_dma source(%dma_start3A_55 : memref<640x128xbf16, #tpu.memory_space<vmem_shared>>) target(%dma_start3A_53 : memref<640x128xbf16, #tpu.memory_space<hbm>>) target_semaphore(%run_scoped3A : memref<!tpu.dma_semaphore, #tpu.memory_space<semaphore_mem>>)
          %dma_wait3A = arith.constant 0 : i32
          %dma_wait3A_56 = tpu.memref_slice %arg6[%mul3A_48, %dma_wait3A] : memref<10000x128xbf16, #tpu.memory_space<hbm>> -> memref<640x128xbf16, #tpu.memory_space<hbm>>
          %dma_wait3A_57 = arith.constant 0 : i32
          %dma_wait3A_58 = tpu.memref_slice %arg10[%mul3A_46, %dma_wait3A_57] : memref<10000x128xbf16, #tpu.memory_space<vmem_shared>> -> memref<640x128xbf16, #tpu.memory_space<vmem_shared>>
          tpu.wait_dma2 semaphore(%run_scoped3A : memref<!tpu.dma_semaphore, #tpu.memory_space<semaphore_mem>>) src(%dma_wait3A_58 : memref<640x128xbf16, #tpu.memory_space<vmem_shared>>) dst(%dma_wait3A_56 : memref<640x128xbf16, #tpu.memory_space<hbm>>)
          tpu.yield
        }) : () -> ()
        %mul3A_49 = arith.constant 640 : i32
        %mul3A_50 = arith.muli %arg1, %mul3A_49 : i32
        %mul3A_51 = arith.constant 640 : i32
        %mul3A_52 = arith.muli %arg1, %mul3A_51 : i32
        "tpu.region"() ({
          %run_scoped3A = tpu.sem_alloc : memref<!tpu.dma_semaphore, #tpu.memory_space<semaphore_mem>>
          %dma_start3A = arith.constant 0 : i32
          %dma_start3A_53 = tpu.memref_slice %arg7[%mul3A_52, %dma_start3A] : memref<10000x32xbf16, #tpu.memory_space<hbm>> -> memref<640x32xbf16, #tpu.memory_space<hbm>>
          %dma_start3A_54 = arith.constant 0 : i32
          %dma_start3A_55 = tpu.memref_slice %arg11[%mul3A_50, %dma_start3A_54] : memref<10000x32xbf16, #tpu.memory_space<vmem_shared>> -> memref<640x32xbf16, #tpu.memory_space<vmem_shared>>
          tpu.enqueue_dma source(%dma_start3A_55 : memref<640x32xbf16, #tpu.memory_space<vmem_shared>>) target(%dma_start3A_53 : memref<640x32xbf16, #tpu.memory_space<hbm>>) target_semaphore(%run_scoped3A : memref<!tpu.dma_semaphore, #tpu.memory_space<semaphore_mem>>)
          %dma_wait3A = arith.constant 0 : i32
          %dma_wait3A_56 = tpu.memref_slice %arg7[%mul3A_52, %dma_wait3A] : memref<10000x32xbf16, #tpu.memory_space<hbm>> -> memref<640x32xbf16, #tpu.memory_space<hbm>>
          %dma_wait3A_57 = arith.constant 0 : i32
          %dma_wait3A_58 = tpu.memref_slice %arg11[%mul3A_50, %dma_wait3A_57] : memref<10000x32xbf16, #tpu.memory_space<vmem_shared>> -> memref<640x32xbf16, #tpu.memory_space<vmem_shared>>
          tpu.wait_dma2 semaphore(%run_scoped3A : memref<!tpu.dma_semaphore, #tpu.memory_space<semaphore_mem>>) src(%dma_wait3A_58 : memref<640x32xbf16, #tpu.memory_space<vmem_shared>>) dst(%dma_wait3A_56 : memref<640x32xbf16, #tpu.memory_space<hbm>>)
          tpu.yield
        }) : () -> ()
      } else {
      }
      %eq3A_41 = arith.constant 15 : i32
      %eq3A_42 = arith.cmpi eq, %arg1, %eq3A_41 : i32
      %convert_element_type3A_43 = arith.extui %eq3A_42 : i1 to i32
      %cond3A_44 = arith.constant 0 : i32
      %cond3A_45 = arith.cmpi ne, %convert_element_type3A_43, %cond3A_44 : i32
      scf.if %cond3A_45 {
        "tpu.region"() ({
          %run_scoped3A = tpu.sem_alloc : memref<!tpu.dma_semaphore, #tpu.memory_space<semaphore_mem>>
          %dma_start3A = arith.constant 9600 : i32
          %dma_start3A_46 = arith.constant 0 : i32
          %dma_start3A_47 = tpu.memref_slice %arg6[%dma_start3A, %dma_start3A_46] : memref<10000x128xbf16, #tpu.memory_space<hbm>> -> memref<400x128xbf16, #tpu.memory_space<hbm>>
          %dma_start3A_48 = arith.constant 9600 : i32
          %dma_start3A_49 = arith.constant 0 : i32
          %dma_start3A_50 = tpu.memref_slice %arg10[%dma_start3A_48, %dma_start3A_49] : memref<10000x128xbf16, #tpu.memory_space<vmem_shared>> -> memref<400x128xbf16, #tpu.memory_space<vmem_shared>>
          tpu.enqueue_dma source(%dma_start3A_50 : memref<400x128xbf16, #tpu.memory_space<vmem_shared>>) target(%dma_start3A_47 : memref<400x128xbf16, #tpu.memory_space<hbm>>) target_semaphore(%run_scoped3A : memref<!tpu.dma_semaphore, #tpu.memory_space<semaphore_mem>>)
          %dma_wait3A = arith.constant 9600 : i32
          %dma_wait3A_51 = arith.constant 0 : i32
          %dma_wait3A_52 = tpu.memref_slice %arg6[%dma_wait3A, %dma_wait3A_51] : memref<10000x128xbf16, #tpu.memory_space<hbm>> -> memref<400x128xbf16, #tpu.memory_space<hbm>>
          %dma_wait3A_53 = arith.constant 9600 : i32
          %dma_wait3A_54 = arith.constant 0 : i32
          %dma_wait3A_55 = tpu.memref_slice %arg10[%dma_wait3A_53, %dma_wait3A_54] : memref<10000x128xbf16, #tpu.memory_space<vmem_shared>> -> memref<400x128xbf16, #tpu.memory_space<vmem_shared>>
          tpu.wait_dma2 semaphore(%run_scoped3A : memref<!tpu.dma_semaphore, #tpu.memory_space<semaphore_mem>>) src(%dma_wait3A_55 : memref<400x128xbf16, #tpu.memory_space<vmem_shared>>) dst(%dma_wait3A_52 : memref<400x128xbf16, #tpu.memory_space<hbm>>)
          tpu.yield
        }) : () -> ()
        "tpu.region"() ({
          %run_scoped3A = tpu.sem_alloc : memref<!tpu.dma_semaphore, #tpu.memory_space<semaphore_mem>>
          %dma_start3A = arith.constant 9600 : i32
          %dma_start3A_46 = arith.constant 0 : i32
          %dma_start3A_47 = tpu.memref_slice %arg7[%dma_start3A, %dma_start3A_46] : memref<10000x32xbf16, #tpu.memory_space<hbm>> -> memref<400x32xbf16, #tpu.memory_space<hbm>>
          %dma_start3A_48 = arith.constant 9600 : i32
          %dma_start3A_49 = arith.constant 0 : i32
          %dma_start3A_50 = tpu.memref_slice %arg11[%dma_start3A_48, %dma_start3A_49] : memref<10000x32xbf16, #tpu.memory_space<vmem_shared>> -> memref<400x32xbf16, #tpu.memory_space<vmem_shared>>
          tpu.enqueue_dma source(%dma_start3A_50 : memref<400x32xbf16, #tpu.memory_space<vmem_shared>>) target(%dma_start3A_47 : memref<400x32xbf16, #tpu.memory_space<hbm>>) target_semaphore(%run_scoped3A : memref<!tpu.dma_semaphore, #tpu.memory_space<semaphore_mem>>)
          %dma_wait3A = arith.constant 9600 : i32
          %dma_wait3A_51 = arith.constant 0 : i32
          %dma_wait3A_52 = tpu.memref_slice %arg7[%dma_wait3A, %dma_wait3A_51] : memref<10000x32xbf16, #tpu.memory_space<hbm>> -> memref<400x32xbf16, #tpu.memory_space<hbm>>
          %dma_wait3A_53 = arith.constant 9600 : i32
          %dma_wait3A_54 = arith.constant 0 : i32
          %dma_wait3A_55 = tpu.memref_slice %arg11[%dma_wait3A_53, %dma_wait3A_54] : memref<10000x32xbf16, #tpu.memory_space<vmem_shared>> -> memref<400x32xbf16, #tpu.memory_space<vmem_shared>>
          tpu.wait_dma2 semaphore(%run_scoped3A : memref<!tpu.dma_semaphore, #tpu.memory_space<semaphore_mem>>) src(%dma_wait3A_55 : memref<400x32xbf16, #tpu.memory_space<vmem_shared>>) dst(%dma_wait3A_52 : memref<400x32xbf16, #tpu.memory_space<hbm>>)
          tpu.yield
        }) : () -> ()
      } else {
      }
    } else {
    }
    %eq3A_31 = arith.constant 1 : i32
    %eq3A_32 = arith.cmpi eq, %arg0, %eq3A_31 : i32
    %convert_element_type3A_33 = arith.extui %eq3A_32 : i1 to i32
    %cond3A_34 = arith.constant 0 : i32
    %cond3A_35 = arith.cmpi ne, %convert_element_type3A_33, %cond3A_34 : i32
    scf.if %cond3A_35 {
      %lt3A_36 = arith.constant 15 : i32
      %lt3A_37 = arith.cmpi slt, %arg1, %lt3A_36 : i32
      %convert_element_type3A_38 = arith.extui %lt3A_37 : i1 to i32
      %cond3A_39 = arith.constant 0 : i32
      %cond3A_40 = arith.cmpi ne, %convert_element_type3A_38, %cond3A_39 : i32
      scf.if %cond3A_40 {
        %mul3A = arith.constant 640 : i32
        %mul3A_46 = arith.muli %arg1, %mul3A : i32
        %mul3A_47 = arith.constant 640 : i32
        %mul3A_48 = arith.muli %arg1, %mul3A_47 : i32
        "tpu.region"() ({
          %run_scoped3A = tpu.sem_alloc : memref<!tpu.dma_semaphore, #tpu.memory_space<semaphore_mem>>
          %dma_start3A = arith.constant 0 : i32
          %dma_start3A_53 = tpu.memref_slice %arg8[%mul3A_48, %dma_start3A] : memref<10000x128xbf16, #tpu.memory_space<hbm>> -> memref<640x128xbf16, #tpu.memory_space<hbm>>
          %dma_start3A_54 = arith.constant 0 : i32
          %dma_start3A_55 = tpu.memref_slice %arg10[%mul3A_46, %dma_start3A_54] : memref<10000x128xbf16, #tpu.memory_space<vmem_shared>> -> memref<640x128xbf16, #tpu.memory_space<vmem_shared>>
          tpu.enqueue_dma source(%dma_start3A_55 : memref<640x128xbf16, #tpu.memory_space<vmem_shared>>) target(%dma_start3A_53 : memref<640x128xbf16, #tpu.memory_space<hbm>>) target_semaphore(%run_scoped3A : memref<!tpu.dma_semaphore, #tpu.memory_space<semaphore_mem>>)
          %dma_wait3A = arith.constant 0 : i32
          %dma_wait3A_56 = tpu.memref_slice %arg8[%mul3A_48, %dma_wait3A] : memref<10000x128xbf16, #tpu.memory_space<hbm>> -> memref<640x128xbf16, #tpu.memory_space<hbm>>
          %dma_wait3A_57 = arith.constant 0 : i32
          %dma_wait3A_58 = tpu.memref_slice %arg10[%mul3A_46, %dma_wait3A_57] : memref<10000x128xbf16, #tpu.memory_space<vmem_shared>> -> memref<640x128xbf16, #tpu.memory_space<vmem_shared>>
          tpu.wait_dma2 semaphore(%run_scoped3A : memref<!tpu.dma_semaphore, #tpu.memory_space<semaphore_mem>>) src(%dma_wait3A_58 : memref<640x128xbf16, #tpu.memory_space<vmem_shared>>) dst(%dma_wait3A_56 : memref<640x128xbf16, #tpu.memory_space<hbm>>)
          tpu.yield
        }) : () -> ()
        %mul3A_49 = arith.constant 640 : i32
        %mul3A_50 = arith.muli %arg1, %mul3A_49 : i32
        %mul3A_51 = arith.constant 640 : i32
        %mul3A_52 = arith.muli %arg1, %mul3A_51 : i32
        "tpu.region"() ({
          %run_scoped3A = tpu.sem_alloc : memref<!tpu.dma_semaphore, #tpu.memory_space<semaphore_mem>>
          %dma_start3A = arith.constant 0 : i32
          %dma_start3A_53 = tpu.memref_slice %arg9[%mul3A_52, %dma_start3A] : memref<10000x32xbf16, #tpu.memory_space<hbm>> -> memref<640x32xbf16, #tpu.memory_space<hbm>>
          %dma_start3A_54 = arith.constant 0 : i32
          %dma_start3A_55 = tpu.memref_slice %arg11[%mul3A_50, %dma_start3A_54] : memref<10000x32xbf16, #tpu.memory_space<vmem_shared>> -> memref<640x32xbf16, #tpu.memory_space<vmem_shared>>
          tpu.enqueue_dma source(%dma_start3A_55 : memref<640x32xbf16, #tpu.memory_space<vmem_shared>>) target(%dma_start3A_53 : memref<640x32xbf16, #tpu.memory_space<hbm>>) target_semaphore(%run_scoped3A : memref<!tpu.dma_semaphore, #tpu.memory_space<semaphore_mem>>)
          %dma_wait3A = arith.constant 0 : i32
          %dma_wait3A_56 = tpu.memref_slice %arg9[%mul3A_52, %dma_wait3A] : memref<10000x32xbf16, #tpu.memory_space<hbm>> -> memref<640x32xbf16, #tpu.memory_space<hbm>>
          %dma_wait3A_57 = arith.constant 0 : i32
          %dma_wait3A_58 = tpu.memref_slice %arg11[%mul3A_50, %dma_wait3A_57] : memref<10000x32xbf16, #tpu.memory_space<vmem_shared>> -> memref<640x32xbf16, #tpu.memory_space<vmem_shared>>
          tpu.wait_dma2 semaphore(%run_scoped3A : memref<!tpu.dma_semaphore, #tpu.memory_space<semaphore_mem>>) src(%dma_wait3A_58 : memref<640x32xbf16, #tpu.memory_space<vmem_shared>>) dst(%dma_wait3A_56 : memref<640x32xbf16, #tpu.memory_space<hbm>>)
          tpu.yield
        }) : () -> ()
      } else {
      }
      %eq3A_41 = arith.constant 15 : i32
      %eq3A_42 = arith.cmpi eq, %arg1, %eq3A_41 : i32
      %convert_element_type3A_43 = arith.extui %eq3A_42 : i1 to i32
      %cond3A_44 = arith.constant 0 : i32
      %cond3A_45 = arith.cmpi ne, %convert_element_type3A_43, %cond3A_44 : i32
      scf.if %cond3A_45 {
        "tpu.region"() ({
          %run_scoped3A = tpu.sem_alloc : memref<!tpu.dma_semaphore, #tpu.memory_space<semaphore_mem>>
          %dma_start3A = arith.constant 9600 : i32
          %dma_start3A_46 = arith.constant 0 : i32
          %dma_start3A_47 = tpu.memref_slice %arg8[%dma_start3A, %dma_start3A_46] : memref<10000x128xbf16, #tpu.memory_space<hbm>> -> memref<400x128xbf16, #tpu.memory_space<hbm>>
          %dma_start3A_48 = arith.constant 9600 : i32
          %dma_start3A_49 = arith.constant 0 : i32
          %dma_start3A_50 = tpu.memref_slice %arg10[%dma_start3A_48, %dma_start3A_49] : memref<10000x128xbf16, #tpu.memory_space<vmem_shared>> -> memref<400x128xbf16, #tpu.memory_space<vmem_shared>>
          tpu.enqueue_dma source(%dma_start3A_50 : memref<400x128xbf16, #tpu.memory_space<vmem_shared>>) target(%dma_start3A_47 : memref<400x128xbf16, #tpu.memory_space<hbm>>) target_semaphore(%run_scoped3A : memref<!tpu.dma_semaphore, #tpu.memory_space<semaphore_mem>>)
          %dma_wait3A = arith.constant 9600 : i32
          %dma_wait3A_51 = arith.constant 0 : i32
          %dma_wait3A_52 = tpu.memref_slice %arg8[%dma_wait3A, %dma_wait3A_51] : memref<10000x128xbf16, #tpu.memory_space<hbm>> -> memref<400x128xbf16, #tpu.memory_space<hbm>>
          %dma_wait3A_53 = arith.constant 9600 : i32
          %dma_wait3A_54 = arith.constant 0 : i32
          %dma_wait3A_55 = tpu.memref_slice %arg10[%dma_wait3A_53, %dma_wait3A_54] : memref<10000x128xbf16, #tpu.memory_space<vmem_shared>> -> memref<400x128xbf16, #tpu.memory_space<vmem_shared>>
          tpu.wait_dma2 semaphore(%run_scoped3A : memref<!tpu.dma_semaphore, #tpu.memory_space<semaphore_mem>>) src(%dma_wait3A_55 : memref<400x128xbf16, #tpu.memory_space<vmem_shared>>) dst(%dma_wait3A_52 : memref<400x128xbf16, #tpu.memory_space<hbm>>)
          tpu.yield
        }) : () -> ()
        "tpu.region"() ({
          %run_scoped3A = tpu.sem_alloc : memref<!tpu.dma_semaphore, #tpu.memory_space<semaphore_mem>>
          %dma_start3A = arith.constant 9600 : i32
          %dma_start3A_46 = arith.constant 0 : i32
          %dma_start3A_47 = tpu.memref_slice %arg9[%dma_start3A, %dma_start3A_46] : memref<10000x32xbf16, #tpu.memory_space<hbm>> -> memref<400x32xbf16, #tpu.memory_space<hbm>>
          %dma_start3A_48 = arith.constant 9600 : i32
          %dma_start3A_49 = arith.constant 0 : i32
          %dma_start3A_50 = tpu.memref_slice %arg11[%dma_start3A_48, %dma_start3A_49] : memref<10000x32xbf16, #tpu.memory_space<vmem_shared>> -> memref<400x32xbf16, #tpu.memory_space<vmem_shared>>
          tpu.enqueue_dma source(%dma_start3A_50 : memref<400x32xbf16, #tpu.memory_space<vmem_shared>>) target(%dma_start3A_47 : memref<400x32xbf16, #tpu.memory_space<hbm>>) target_semaphore(%run_scoped3A : memref<!tpu.dma_semaphore, #tpu.memory_space<semaphore_mem>>)
          %dma_wait3A = arith.constant 9600 : i32
          %dma_wait3A_51 = arith.constant 0 : i32
          %dma_wait3A_52 = tpu.memref_slice %arg9[%dma_wait3A, %dma_wait3A_51] : memref<10000x32xbf16, #tpu.memory_space<hbm>> -> memref<400x32xbf16, #tpu.memory_space<hbm>>
          %dma_wait3A_53 = arith.constant 9600 : i32
          %dma_wait3A_54 = arith.constant 0 : i32
          %dma_wait3A_55 = tpu.memref_slice %arg11[%dma_wait3A_53, %dma_wait3A_54] : memref<10000x32xbf16, #tpu.memory_space<vmem_shared>> -> memref<400x32xbf16, #tpu.memory_space<vmem_shared>>
          tpu.wait_dma2 semaphore(%run_scoped3A : memref<!tpu.dma_semaphore, #tpu.memory_space<semaphore_mem>>) src(%dma_wait3A_55 : memref<400x32xbf16, #tpu.memory_space<vmem_shared>>) dst(%dma_wait3A_52 : memref<400x32xbf16, #tpu.memory_space<hbm>>)
          tpu.yield
        }) : () -> ()
      } else {
      }
    } else {
    }
    return
  }
}

module attributes {stable_mosaic.version = 14 : i64} {
  func.func @_tc_pre_body(%arg0: i32, %arg1: memref<2000x128xf32, #tpu.memory_space<vmem>>, %arg2: memref<128x128xf32, #tpu.memory_space<vmem>>, %arg3: memref<128xf32, #tpu.memory_space<vmem>>, %arg4: memref<2000x128xf32, #tpu.memory_space<vmem>>, %arg5: memref<128x128xf32, #tpu.memory_space<vmem>>, %arg6: memref<128xf32, #tpu.memory_space<vmem>>, %arg7: memref<2000x128xf32, #tpu.memory_space<vmem>>, %arg8: memref<2000x128xf32, #tpu.memory_space<vmem>>) attributes {dimension_semantics = [#tpu.dimension_semantics<arbitrary>], iteration_bounds = array<i64: 5>, scalar_prefetch = 0 : i64, scratch_operands = 0 : i64, tpu.core_type = #tpu.core_type<tc>, window_params = [{transform_indices = @transform_0, window_bounds = array<i64: 2000, 128>}, {pipeline_mode = #tpu.pipeline_mode<synchronous>, transform_indices = @transform_1, window_bounds = array<i64: 128, 128>}, {pipeline_mode = #tpu.pipeline_mode<synchronous>, transform_indices = @transform_2, window_bounds = array<i64: 128>}, {transform_indices = @transform_3, window_bounds = array<i64: 2000, 128>}, {pipeline_mode = #tpu.pipeline_mode<synchronous>, transform_indices = @transform_4, window_bounds = array<i64: 128, 128>}, {pipeline_mode = #tpu.pipeline_mode<synchronous>, transform_indices = @transform_5, window_bounds = array<i64: 128>}, {transform_indices = @transform_6, window_bounds = array<i64: 2000, 128>}, {transform_indices = @transform_7, window_bounds = array<i64: 2000, 128>}]} {
    %get3A = arith.constant 0 : index
    %get3A_0 = arith.constant 0 : index
    %get3A_1 = vector.load %arg1[%get3A, %get3A_0] : memref<2000x128xf32, #tpu.memory_space<vmem>>, vector<2000x128xf32>
    %get3A_2 = arith.constant 0 : index
    %get3A_3 = arith.constant 0 : index
    %get3A_4 = vector.load %arg2[%get3A_2, %get3A_3] : memref<128x128xf32, #tpu.memory_space<vmem>>, vector<128x128xf32>
    %dot_general3A = arith.constant dense<0.000000e+00> : vector<2000x128xf32>
    %dot_general3A_5 = tpu.matmul %get3A_1, %get3A_4, %dot_general3A {dimension_numbers = #tpu.dot_dimension_numbers<[1], [1], [0], [0], [0, 0, 1, 0], [], []>, precision = #tpu.contract_precision<fp32>, transpose_lhs_hint = false} : vector<2000x128xf32>, vector<128x128xf32>, vector<2000x128xf32> -> vector<2000x128xf32>
    %get3A_6 = arith.constant 0 : index
    %get3A_7 = vector.load %arg3[%get3A_6] : memref<128xf32, #tpu.memory_space<vmem>>, vector<128xf32>
    %broadcast_in_dim3A = vector.shape_cast %get3A_7 : vector<128xf32> to vector<1x128xf32>
    %add3A = vector.broadcast %broadcast_in_dim3A : vector<1x128xf32> to vector<2000x128xf32>
    %add3A_8 = arith.addf %dot_general3A_5, %add3A : vector<2000x128xf32>
    %swap3A = arith.constant 0 : index
    %swap3A_9 = arith.constant 0 : index
    %swap3A_10 = vector.load %arg7[%swap3A, %swap3A_9] : memref<2000x128xf32, #tpu.memory_space<vmem>>, vector<2000x128xf32>
    tpu.vector_store %arg7[%swap3A, %swap3A_9], %add3A_8 {strides = array<i32>} : memref<2000x128xf32, #tpu.memory_space<vmem>>, vector<2000x128xf32>,
    %get3A_11 = arith.constant 0 : index
    %get3A_12 = arith.constant 0 : index
    %get3A_13 = vector.load %arg4[%get3A_11, %get3A_12] : memref<2000x128xf32, #tpu.memory_space<vmem>>, vector<2000x128xf32>
    %get3A_14 = arith.constant 0 : index
    %get3A_15 = arith.constant 0 : index
    %get3A_16 = vector.load %arg5[%get3A_14, %get3A_15] : memref<128x128xf32, #tpu.memory_space<vmem>>, vector<128x128xf32>
    %dot_general3A_17 = arith.constant dense<0.000000e+00> : vector<2000x128xf32>
    %dot_general3A_18 = tpu.matmul %get3A_13, %get3A_16, %dot_general3A_17 {dimension_numbers = #tpu.dot_dimension_numbers<[1], [1], [0], [0], [0, 0, 1, 0], [], []>, precision = #tpu.contract_precision<fp32>, transpose_lhs_hint = false} : vector<2000x128xf32>, vector<128x128xf32>, vector<2000x128xf32> -> vector<2000x128xf32>
    %get3A_19 = arith.constant 0 : index
    %get3A_20 = vector.load %arg6[%get3A_19] : memref<128xf32, #tpu.memory_space<vmem>>, vector<128xf32>
    %broadcast_in_dim3A_21 = vector.shape_cast %get3A_20 : vector<128xf32> to vector<1x128xf32>
    %add3A_22 = vector.broadcast %broadcast_in_dim3A_21 : vector<1x128xf32> to vector<2000x128xf32>
    %add3A_23 = arith.addf %dot_general3A_18, %add3A_22 : vector<2000x128xf32>
    %swap3A_24 = arith.constant 0 : index
    %swap3A_25 = arith.constant 0 : index
    %swap3A_26 = vector.load %arg8[%swap3A_24, %swap3A_25] : memref<2000x128xf32, #tpu.memory_space<vmem>>, vector<2000x128xf32>
    tpu.vector_store %arg8[%swap3A_24, %swap3A_25], %add3A_23 {strides = array<i32>} : memref<2000x128xf32, #tpu.memory_space<vmem>>, vector<2000x128xf32>,
    return
  }
  func.func @transform_0(%arg0: i32) -> (i32, i32) {
    %c0_i32 = arith.constant 0 : i32
    %c0_i32_0 = arith.constant 0 : i32
    return %arg0, %c0_i32 : i32, i32
  }
  func.func @transform_1(%arg0: i32) -> (i32, i32) {
    %c0_i32 = arith.constant 0 : i32
    %c0_i32_0 = arith.constant 0 : i32
    %c0_i32_1 = arith.constant 0 : i32
    return %c0_i32, %c0_i32_0 : i32, i32
  }
  func.func @transform_2(%arg0: i32) -> i32 {
    %c0_i32 = arith.constant 0 : i32
    %c0_i32_0 = arith.constant 0 : i32
    return %c0_i32 : i32
  }
  func.func @transform_3(%arg0: i32) -> (i32, i32) {
    %c0_i32 = arith.constant 0 : i32
    %c0_i32_0 = arith.constant 0 : i32
    return %arg0, %c0_i32 : i32, i32
  }
  func.func @transform_4(%arg0: i32) -> (i32, i32) {
    %c0_i32 = arith.constant 0 : i32
    %c0_i32_0 = arith.constant 0 : i32
    %c0_i32_1 = arith.constant 0 : i32
    return %c0_i32, %c0_i32_0 : i32, i32
  }
  func.func @transform_5(%arg0: i32) -> i32 {
    %c0_i32 = arith.constant 0 : i32
    %c0_i32_0 = arith.constant 0 : i32
    return %c0_i32 : i32
  }
  func.func @transform_6(%arg0: i32) -> (i32, i32) {
    %c0_i32 = arith.constant 0 : i32
    %c0_i32_0 = arith.constant 0 : i32
    return %arg0, %c0_i32 : i32, i32
  }
  func.func @transform_7(%arg0: i32) -> (i32, i32) {
    %c0_i32 = arith.constant 0 : i32
    %c0_i32_0 = arith.constant 0 : i32
    return %arg0, %c0_i32 : i32, i32
  }
}

module attributes {stable_mosaic.version = 14 : i64} {
  func.func @_tc_body(%arg0: i32, %arg1: memref<2000x128xbf16, #tpu.memory_space<vmem>>, %arg2: memref<2000x32xbf16, #tpu.memory_space<vmem>>, %arg3: memref<2000x128xf32, #tpu.memory_space<vmem>>, %arg4: memref<128x128xf32, #tpu.memory_space<vmem>>, %arg5: memref<128xf32, #tpu.memory_space<vmem>>, %arg6: memref<128xf32, #tpu.memory_space<vmem>>, %arg7: memref<2000x128xbf16, #tpu.memory_space<vmem>>, %arg8: memref<2000x32xbf16, #tpu.memory_space<vmem>>, %arg9: memref<2000x128xf32, #tpu.memory_space<vmem>>, %arg10: memref<128x128xf32, #tpu.memory_space<vmem>>, %arg11: memref<128xf32, #tpu.memory_space<vmem>>, %arg12: memref<128xf32, #tpu.memory_space<vmem>>, %arg13: memref<2000x128xf32, #tpu.memory_space<vmem>>, %arg14: memref<2000x128xf32, #tpu.memory_space<vmem>>) attributes {dimension_semantics = [#tpu.dimension_semantics<arbitrary>], iteration_bounds = array<i64: 5>, scalar_prefetch = 0 : i64, scratch_operands = 0 : i64, tpu.core_type = #tpu.core_type<tc>, window_params = [{transform_indices = @transform_0, window_bounds = array<i64: 2000, 128>}, {transform_indices = @transform_1, window_bounds = array<i64: 2000, 32>}, {transform_indices = @transform_2, window_bounds = array<i64: 2000, 128>}, {pipeline_mode = #tpu.pipeline_mode<synchronous>, transform_indices = @transform_3, window_bounds = array<i64: 128, 128>}, {pipeline_mode = #tpu.pipeline_mode<synchronous>, transform_indices = @transform_4, window_bounds = array<i64: 128>}, {pipeline_mode = #tpu.pipeline_mode<synchronous>, transform_indices = @transform_5, window_bounds = array<i64: 128>}, {transform_indices = @transform_6, window_bounds = array<i64: 2000, 128>}, {transform_indices = @transform_7, window_bounds = array<i64: 2000, 32>}, {transform_indices = @transform_8, window_bounds = array<i64: 2000, 128>}, {pipeline_mode = #tpu.pipeline_mode<synchronous>, transform_indices = @transform_9, window_bounds = array<i64: 128, 128>}, {pipeline_mode = #tpu.pipeline_mode<synchronous>, transform_indices = @transform_10, window_bounds = array<i64: 128>}, {pipeline_mode = #tpu.pipeline_mode<synchronous>, transform_indices = @transform_11, window_bounds = array<i64: 128>}, {transform_indices = @transform_12, window_bounds = array<i64: 2000, 128>}, {transform_indices = @transform_13, window_bounds = array<i64: 2000, 128>}]} {
    %get3A = arith.constant 0 : index
    %get3A_0 = arith.constant 0 : index
    %get3A_1 = vector.load %arg1[%get3A, %get3A_0] : memref<2000x128xbf16, #tpu.memory_space<vmem>>, vector<2000x128xbf16>
    %get3A_2 = arith.constant 0 : index
    %get3A_3 = arith.constant 0 : index
    %get3A_4 = vector.load %arg2[%get3A_2, %get3A_3] : memref<2000x32xbf16, #tpu.memory_space<vmem>>, vector<2000x32xbf16>
    %get3A_5 = arith.constant 0 : index
    %get3A_6 = arith.constant 0 : index
    %get3A_7 = vector.load %arg3[%get3A_5, %get3A_6] : memref<2000x128xf32, #tpu.memory_space<vmem>>, vector<2000x128xf32>
    %get3A_8 = arith.constant 0 : index
    %get3A_9 = arith.constant 0 : index
    %get3A_10 = vector.load %arg4[%get3A_8, %get3A_9] : memref<128x128xf32, #tpu.memory_space<vmem>>, vector<128x128xf32>
    %get3A_11 = arith.constant 0 : index
    %get3A_12 = vector.load %arg5[%get3A_11] : memref<128xf32, #tpu.memory_space<vmem>>, vector<128xf32>
    %get3A_13 = arith.constant 0 : index
    %get3A_14 = vector.load %arg6[%get3A_13] : memref<128xf32, #tpu.memory_space<vmem>>, vector<128xf32>
    %convert_element_type3A = arith.extf %get3A_1 : vector<2000x128xbf16> to vector<2000x128xf32>
    %slice3A = vector.extract_strided_slice %get3A_4 {offsets = [0, 0], sizes = [2000, 1], strides = [1, 1]} : vector<2000x32xbf16> to vector<2000x1xbf16>
    %convert_element_type3A_15 = arith.extf %slice3A : vector<2000x1xbf16> to vector<2000x1xf32>
    %max3A = arith.constant 1.000000e+00 : f32
    %max3A_16 = vector.broadcast %max3A : f32 to vector<2000x1xf32>
    %max3A_17 = arith.maximumf %convert_element_type3A_15, %max3A_16 : vector<2000x1xf32>
    %div3A = vector.broadcast %max3A_17 : vector<2000x1xf32> to vector<2000x128xf32>
    %div3A_18 = arith.divf %convert_element_type3A, %div3A : vector<2000x128xf32>
    %dot_general3A = arith.constant dense<0.000000e+00> : vector<2000x128xf32>
    %dot_general3A_19 = tpu.matmul %div3A_18, %get3A_10, %dot_general3A {dimension_numbers = #tpu.dot_dimension_numbers<[1], [1], [0], [0], [0, 0, 1, 0], [], []>, precision = #tpu.contract_precision<fp32>, transpose_lhs_hint = false} : vector<2000x128xf32>, vector<128x128xf32>, vector<2000x128xf32> -> vector<2000x128xf32>
    %add3A = arith.addf %dot_general3A_19, %get3A_7 : vector<2000x128xf32>
    %reduce_sum3A = arith.constant dense<0.000000e+00> : vector<2000xf32>
    %reduce_sum3A_20 = vector.multi_reduction <add>, %add3A, %reduce_sum3A [1] : vector<2000x128xf32> to vector<2000xf32>
    %broadcast_in_dim3A = vector.shape_cast %reduce_sum3A_20 : vector<2000xf32> to vector<2000x1xf32>
    %div3A_21 = arith.constant 1.280000e+02 : f32
    %div3A_22 = vector.broadcast %div3A_21 : f32 to vector<2000x1xf32>
    %div3A_23 = arith.divf %broadcast_in_dim3A, %div3A_22 : vector<2000x1xf32>
    %sub3A = vector.broadcast %div3A_23 : vector<2000x1xf32> to vector<2000x128xf32>
    %sub3A_24 = arith.subf %add3A, %sub3A : vector<2000x128xf32>
    %integer_pow3A = arith.mulf %sub3A_24, %sub3A_24 : vector<2000x128xf32>
    %reduce_sum3A_25 = arith.constant dense<0.000000e+00> : vector<2000xf32>
    %reduce_sum3A_26 = vector.multi_reduction <add>, %integer_pow3A, %reduce_sum3A_25 [1] : vector<2000x128xf32> to vector<2000xf32>
    %broadcast_in_dim3A_27 = vector.shape_cast %reduce_sum3A_26 : vector<2000xf32> to vector<2000x1xf32>
    %div3A_28 = arith.constant 1.280000e+02 : f32
    %div3A_29 = vector.broadcast %div3A_28 : f32 to vector<2000x1xf32>
    %div3A_30 = arith.divf %broadcast_in_dim3A_27, %div3A_29 : vector<2000x1xf32>
    %sub3A_31 = vector.broadcast %div3A_23 : vector<2000x1xf32> to vector<2000x128xf32>
    %sub3A_32 = arith.subf %add3A, %sub3A_31 : vector<2000x128xf32>
    %add3A_33 = arith.constant 9.99999974E-6 : f32
    %add3A_34 = vector.broadcast %add3A_33 : f32 to vector<2000x1xf32>
    %add3A_35 = arith.addf %div3A_30, %add3A_34 : vector<2000x1xf32>
    %rsqrt3A = math.rsqrt %add3A_35 : vector<2000x1xf32>
    %mul3A = vector.broadcast %rsqrt3A : vector<2000x1xf32> to vector<2000x128xf32>
    %mul3A_36 = arith.mulf %sub3A_32, %mul3A : vector<2000x128xf32>
    %broadcast_in_dim3A_37 = vector.shape_cast %get3A_12 : vector<128xf32> to vector<1x128xf32>
    %mul3A_38 = vector.broadcast %broadcast_in_dim3A_37 : vector<1x128xf32> to vector<2000x128xf32>
    %mul3A_39 = arith.mulf %mul3A_36, %mul3A_38 : vector<2000x128xf32>
    %broadcast_in_dim3A_40 = vector.shape_cast %get3A_14 : vector<128xf32> to vector<1x128xf32>
    %add3A_41 = vector.broadcast %broadcast_in_dim3A_40 : vector<1x128xf32> to vector<2000x128xf32>
    %add3A_42 = arith.addf %mul3A_39, %add3A_41 : vector<2000x128xf32>
    %mul3A_43 = arith.constant 5.000000e-01 : f32
    %mul3A_44 = vector.broadcast %mul3A_43 : f32 to vector<2000x128xf32>
    %mul3A_45 = arith.mulf %add3A_42, %mul3A_44 : vector<2000x128xf32>
    %mul3A_46 = arith.constant 0.707106769 : f32
    %mul3A_47 = vector.broadcast %mul3A_46 : f32 to vector<2000x128xf32>
    %mul3A_48 = arith.mulf %add3A_42, %mul3A_47 : vector<2000x128xf32>
    %erf3A = math.erf %mul3A_48 : vector<2000x128xf32>
    %add3A_49 = arith.constant 1.000000e+00 : f32
    %add3A_50 = vector.broadcast %add3A_49 : f32 to vector<2000x128xf32>
    %add3A_51 = arith.addf %add3A_50, %erf3A : vector<2000x128xf32>
    %mul3A_52 = arith.mulf %mul3A_45, %add3A_51 : vector<2000x128xf32>
    %swap3A = arith.constant 0 : index
    %swap3A_53 = arith.constant 0 : index
    %swap3A_54 = vector.load %arg13[%swap3A, %swap3A_53] : memref<2000x128xf32, #tpu.memory_space<vmem>>, vector<2000x128xf32>
    tpu.vector_store %arg13[%swap3A, %swap3A_53], %mul3A_52 {strides = array<i32>} : memref<2000x128xf32, #tpu.memory_space<vmem>>, vector<2000x128xf32>,
    %get3A_55 = arith.constant 0 : index
    %get3A_56 = arith.constant 0 : index
    %get3A_57 = vector.load %arg7[%get3A_55, %get3A_56] : memref<2000x128xbf16, #tpu.memory_space<vmem>>, vector<2000x128xbf16>
    %get3A_58 = arith.constant 0 : index
    %get3A_59 = arith.constant 0 : index
    %get3A_60 = vector.load %arg8[%get3A_58, %get3A_59] : memref<2000x32xbf16, #tpu.memory_space<vmem>>, vector<2000x32xbf16>
    %get3A_61 = arith.constant 0 : index
    %get3A_62 = arith.constant 0 : index
    %get3A_63 = vector.load %arg9[%get3A_61, %get3A_62] : memref<2000x128xf32, #tpu.memory_space<vmem>>, vector<2000x128xf32>
    %get3A_64 = arith.constant 0 : index
    %get3A_65 = arith.constant 0 : index
    %get3A_66 = vector.load %arg10[%get3A_64, %get3A_65] : memref<128x128xf32, #tpu.memory_space<vmem>>, vector<128x128xf32>
    %get3A_67 = arith.constant 0 : index
    %get3A_68 = vector.load %arg11[%get3A_67] : memref<128xf32, #tpu.memory_space<vmem>>, vector<128xf32>
    %get3A_69 = arith.constant 0 : index
    %get3A_70 = vector.load %arg12[%get3A_69] : memref<128xf32, #tpu.memory_space<vmem>>, vector<128xf32>
    %convert_element_type3A_71 = arith.extf %get3A_57 : vector<2000x128xbf16> to vector<2000x128xf32>
    %slice3A_72 = vector.extract_strided_slice %get3A_60 {offsets = [0, 0], sizes = [2000, 1], strides = [1, 1]} : vector<2000x32xbf16> to vector<2000x1xbf16>
    %convert_element_type3A_73 = arith.extf %slice3A_72 : vector<2000x1xbf16> to vector<2000x1xf32>
    %max3A_74 = arith.constant 1.000000e+00 : f32
    %max3A_75 = vector.broadcast %max3A_74 : f32 to vector<2000x1xf32>
    %max3A_76 = arith.maximumf %convert_element_type3A_73, %max3A_75 : vector<2000x1xf32>
    %div3A_77 = vector.broadcast %max3A_76 : vector<2000x1xf32> to vector<2000x128xf32>
    %div3A_78 = arith.divf %convert_element_type3A_71, %div3A_77 : vector<2000x128xf32>
    %dot_general3A_79 = arith.constant dense<0.000000e+00> : vector<2000x128xf32>
    %dot_general3A_80 = tpu.matmul %div3A_78, %get3A_66, %dot_general3A_79 {dimension_numbers = #tpu.dot_dimension_numbers<[1], [1], [0], [0], [0, 0, 1, 0], [], []>, precision = #tpu.contract_precision<fp32>, transpose_lhs_hint = false} : vector<2000x128xf32>, vector<128x128xf32>, vector<2000x128xf32> -> vector<2000x128xf32>
    %add3A_81 = arith.addf %dot_general3A_80, %get3A_63 : vector<2000x128xf32>
    %reduce_sum3A_82 = arith.constant dense<0.000000e+00> : vector<2000xf32>
    %reduce_sum3A_83 = vector.multi_reduction <add>, %add3A_81, %reduce_sum3A_82 [1] : vector<2000x128xf32> to vector<2000xf32>
    %broadcast_in_dim3A_84 = vector.shape_cast %reduce_sum3A_83 : vector<2000xf32> to vector<2000x1xf32>
    %div3A_85 = arith.constant 1.280000e+02 : f32
    %div3A_86 = vector.broadcast %div3A_85 : f32 to vector<2000x1xf32>
    %div3A_87 = arith.divf %broadcast_in_dim3A_84, %div3A_86 : vector<2000x1xf32>
    %sub3A_88 = vector.broadcast %div3A_87 : vector<2000x1xf32> to vector<2000x128xf32>
    %sub3A_89 = arith.subf %add3A_81, %sub3A_88 : vector<2000x128xf32>
    %integer_pow3A_90 = arith.mulf %sub3A_89, %sub3A_89 : vector<2000x128xf32>
    %reduce_sum3A_91 = arith.constant dense<0.000000e+00> : vector<2000xf32>
    %reduce_sum3A_92 = vector.multi_reduction <add>, %integer_pow3A_90, %reduce_sum3A_91 [1] : vector<2000x128xf32> to vector<2000xf32>
    %broadcast_in_dim3A_93 = vector.shape_cast %reduce_sum3A_92 : vector<2000xf32> to vector<2000x1xf32>
    %div3A_94 = arith.constant 1.280000e+02 : f32
    %div3A_95 = vector.broadcast %div3A_94 : f32 to vector<2000x1xf32>
    %div3A_96 = arith.divf %broadcast_in_dim3A_93, %div3A_95 : vector<2000x1xf32>
    %sub3A_97 = vector.broadcast %div3A_87 : vector<2000x1xf32> to vector<2000x128xf32>
    %sub3A_98 = arith.subf %add3A_81, %sub3A_97 : vector<2000x128xf32>
    %add3A_99 = arith.constant 9.99999974E-6 : f32
    %add3A_100 = vector.broadcast %add3A_99 : f32 to vector<2000x1xf32>
    %add3A_101 = arith.addf %div3A_96, %add3A_100 : vector<2000x1xf32>
    %rsqrt3A_102 = math.rsqrt %add3A_101 : vector<2000x1xf32>
    %mul3A_103 = vector.broadcast %rsqrt3A_102 : vector<2000x1xf32> to vector<2000x128xf32>
    %mul3A_104 = arith.mulf %sub3A_98, %mul3A_103 : vector<2000x128xf32>
    %broadcast_in_dim3A_105 = vector.shape_cast %get3A_68 : vector<128xf32> to vector<1x128xf32>
    %mul3A_106 = vector.broadcast %broadcast_in_dim3A_105 : vector<1x128xf32> to vector<2000x128xf32>
    %mul3A_107 = arith.mulf %mul3A_104, %mul3A_106 : vector<2000x128xf32>
    %broadcast_in_dim3A_108 = vector.shape_cast %get3A_70 : vector<128xf32> to vector<1x128xf32>
    %add3A_109 = vector.broadcast %broadcast_in_dim3A_108 : vector<1x128xf32> to vector<2000x128xf32>
    %add3A_110 = arith.addf %mul3A_107, %add3A_109 : vector<2000x128xf32>
    %mul3A_111 = arith.constant 5.000000e-01 : f32
    %mul3A_112 = vector.broadcast %mul3A_111 : f32 to vector<2000x128xf32>
    %mul3A_113 = arith.mulf %add3A_110, %mul3A_112 : vector<2000x128xf32>
    %mul3A_114 = arith.constant 0.707106769 : f32
    %mul3A_115 = vector.broadcast %mul3A_114 : f32 to vector<2000x128xf32>
    %mul3A_116 = arith.mulf %add3A_110, %mul3A_115 : vector<2000x128xf32>
    %erf3A_117 = math.erf %mul3A_116 : vector<2000x128xf32>
    %add3A_118 = arith.constant 1.000000e+00 : f32
    %add3A_119 = vector.broadcast %add3A_118 : f32 to vector<2000x128xf32>
    %add3A_120 = arith.addf %add3A_119, %erf3A_117 : vector<2000x128xf32>
    %mul3A_121 = arith.mulf %mul3A_113, %add3A_120 : vector<2000x128xf32>
    %swap3A_122 = arith.constant 0 : index
    %swap3A_123 = arith.constant 0 : index
    %swap3A_124 = vector.load %arg14[%swap3A_122, %swap3A_123] : memref<2000x128xf32, #tpu.memory_space<vmem>>, vector<2000x128xf32>
    tpu.vector_store %arg14[%swap3A_122, %swap3A_123], %mul3A_121 {strides = array<i32>} : memref<2000x128xf32, #tpu.memory_space<vmem>>, vector<2000x128xf32>,
    return
  }
  func.func @transform_0(%arg0: i32) -> (i32, i32) {
    %c0_i32 = arith.constant 0 : i32
    %c0_i32_0 = arith.constant 0 : i32
    return %arg0, %c0_i32 : i32, i32
  }
  func.func @transform_1(%arg0: i32) -> (i32, i32) {
    %c0_i32 = arith.constant 0 : i32
    %c0_i32_0 = arith.constant 0 : i32
    return %arg0, %c0_i32 : i32, i32
  }
  func.func @transform_2(%arg0: i32) -> (i32, i32) {
    %c0_i32 = arith.constant 0 : i32
    %c0_i32_0 = arith.constant 0 : i32
    return %arg0, %c0_i32 : i32, i32
  }
  func.func @transform_3(%arg0: i32) -> (i32, i32) {
    %c0_i32 = arith.constant 0 : i32
    %c0_i32_0 = arith.constant 0 : i32
    %c0_i32_1 = arith.constant 0 : i32
    return %c0_i32, %c0_i32_0 : i32, i32
  }
  func.func @transform_4(%arg0: i32) -> i32 {
    %c0_i32 = arith.constant 0 : i32
    %c0_i32_0 = arith.constant 0 : i32
    return %c0_i32 : i32
  }
  func.func @transform_5(%arg0: i32) -> i32 {
    %c0_i32 = arith.constant 0 : i32
    %c0_i32_0 = arith.constant 0 : i32
    return %c0_i32 : i32
  }
  func.func @transform_6(%arg0: i32) -> (i32, i32) {
    %c0_i32 = arith.constant 0 : i32
    %c0_i32_0 = arith.constant 0 : i32
    return %arg0, %c0_i32 : i32, i32
  }
  func.func @transform_7(%arg0: i32) -> (i32, i32) {
    %c0_i32 = arith.constant 0 : i32
    %c0_i32_0 = arith.constant 0 : i32
    return %arg0, %c0_i32 : i32, i32
  }
  func.func @transform_8(%arg0: i32) -> (i32, i32) {
    %c0_i32 = arith.constant 0 : i32
    %c0_i32_0 = arith.constant 0 : i32
    return %arg0, %c0_i32 : i32, i32
  }
  func.func @transform_9(%arg0: i32) -> (i32, i32) {
    %c0_i32 = arith.constant 0 : i32
    %c0_i32_0 = arith.constant 0 : i32
    %c0_i32_1 = arith.constant 0 : i32
    return %c0_i32, %c0_i32_0 : i32, i32
  }
  func.func @transform_10(%arg0: i32) -> i32 {
    %c0_i32 = arith.constant 0 : i32
    %c0_i32_0 = arith.constant 0 : i32
    return %c0_i32 : i32
  }
  func.func @transform_11(%arg0: i32) -> i32 {
    %c0_i32 = arith.constant 0 : i32
    %c0_i32_0 = arith.constant 0 : i32
    return %c0_i32 : i32
  }
  func.func @transform_12(%arg0: i32) -> (i32, i32) {
    %c0_i32 = arith.constant 0 : i32
    %c0_i32_0 = arith.constant 0 : i32
    return %arg0, %c0_i32 : i32, i32
  }
  func.func @transform_13(%arg0: i32) -> (i32, i32) {
    %c0_i32 = arith.constant 0 : i32
    %c0_i32_0 = arith.constant 0 : i32
    return %arg0, %c0_i32 : i32, i32
  }
}

</mosaic_0001>

<sc_bundles>
// kernel: kernel.5.cloned.1.call-start
scs
__scs_entry_jumppad:
0x0: {  	(pc) =	sbr.rel $0x88, $3  }
0x1: {  	(tag) =	ssettag $0x0;
	lr =	simm.s32 $0x1  }
0x2: {  	[smem:$0x3F93] =	sst lr;
	_ =	strace $0xD0000000  }
0x3: {  	_ = 	snop  }
0x4: {  	_ = 	snop  }
0x5: {  	_ = 	snop  }
0x6: {  	_ = 	snop  }
0x7: {  	_ = 	snop  }
__scs_overlays_trampoline_lowered:
0x8: {  	[smem:$0x3FA2] =	sst s0  }
0x9: {  	[smem:$0x3FA3] =	sst s1  }
0xa: {  	[smem:$0x3FA4] =	sst s2  }
0xb: {  	[smem:$0x3FA5] =	sst s3  }
0xc: {  	[smem:$0x3FA6] =	sst s4  }
0xd: {  	[smem:$0x3FA7] =	sst s5  }
0xe: {  	[smem:$0x3FA8] =	sst s6  }
0xf: {  	[smem:$0x3FA9] =	sst s7  }
0x10: {  	[smem:$0x3FAA] =	sst s8  }
0x11: {  	[smem:$0x3FAB] =	sst s9;
	s0 =	simm.s32 @!p0 $0x0  }
0x12: {  	s1 =	sld [smem:$0x3F91];
	s0 =	simm.s32 @p0 $0x1  }
0x13: {  	[smem:$0x3FAC] =	sst s0;
	s0 =	simm.s32 @!p1 $0x0  }
0x14: {  	s2 =	sld [smem:$0x3F90];
	s0 =	simm.s32 @p1 $0x1  }
0x15: {  	[smem:$0x3FAD] =	sst s0;
	s0 =	simm.s32 @!p2 $0x0  }
0x16: {  	s3 =	sld [smem:$0x3FDB];
	s0 =	simm.s32 @p2 $0x1  }
0x17: {  	s4 =	simm.s32 $0x1BF5;
	[smem:$0x3FAF] =	sst s0  }
0x18: {  	s0 =	sld [smem:$0x3F92];
	_ =	swait.ge [sflag:s4], $0x0  }
0x19: {  	s7 =	sld [smem:$0x3F93]  }
0x1a: {  	s8 =	sadd.s32 $0xFFFFE003, lr  }
0x1b: {  	s9 =	sadd.s32 $0xFFFFFEF7, lr;
	s5 =	simm.s32 $0xFFFFFFFF;
	p2 =	slt.u32 s8, $0xFFFFF086  }
0x1c: {  	p1 =	slt.u32 s9, $0xF7A;
	s5 =	simm.s32 @!p2 $0x0  }
0x1d: {  	s5 =	simm.s32 @p1 $0x1;
	p0 =	seq.s32 s7, s2  }
0x1e: {  	s7 =	smul.u32 @!p0 $0xF7A, s2;
	p2 =	seq.s32 @!p0 s5, $0x0  }
0x1f: {  	s9 =	smul.u32 $0xF7A, s1;
	s8 =	simm.s32 @!p0 $0x1BF5;
	p2 =	por !p2, p0  }
0x20: {  	[sflag:s8] =	ssyncset.s32 @!p0 $0xFFFFF086;
	s6 =	sadd.s32 @!p0 s3, s7;
	s7 =	simm.s32 @!p0 $0x108  }
0x21: {  	s3 =	sadd.s32 s3, s9;
	s6 =	sadd.s32 @!p0 $0x88, s6;
	s7 =	simm.s32 @p2 $0x1082  }
0x22: {  	[simem:s7], [sflag:s8] =	dma.local @!p0 [hbm:s6], $0xF7A  }
0x23: {  	s9 =	sor.u32 $0xD0000000, s2;
	s6 =	simm.s32 $0x108;
	_ =	swait.ge @!p0 [sflag:s8], $0x0  }
0x24: {  	s3 =	sadd.s32 $0x88, s3;
	s6 =	simm.s32 @!p1 $0x1082;
	[sflag:s4] =	ssyncset.s32 $0xFFFFF086  }
0x25: {  	[simem:s6], [sflag:s4] =	dma.local [hbm:s3], $0xF7A  }
0x26: {  	[smem:$0x3F93] =	sst s1;
	(tag) =	ssettag s2;
	_ =	strace s9  }
0x27: {  	s1 =	sld [smem:$0x3FA3]  }
0x28: {  	s2 =	sld [smem:$0x3FA4]  }
0x29: {  	s4 =	sld [smem:$0x3FA6]  }
0x2a: {  	p0 =	seq.s32 s5, $0x0;
	s5 =	sld [smem:$0x3FA7]  }
0x2b: {  	s6 =	sld [smem:$0x3FA8]  }
0x2c: {  	s7 =	sld [smem:$0x3FA9]  }
0x2d: {  	s3 =	simm.s32 $0x108;
	s8 =	sld [smem:$0x3FAA]  }
0x2e: {  	s3 =	simm.s32 @!p0 $0x1082;
	s9 =	sld [smem:$0x3FAB]  }
0x2f: {  	lr =	sadd.s32 s0, s3;
	s0 =	sld [smem:$0x3FA2]  }
0x30: {  	s3 =	sld [smem:$0x3FA5]  }
0x31: {  	[smem:$0x3FAE] =	sst s10  }
0x32: {  	s10 =	sld [smem:$0x3FAC];
	_ =	sdelay $0x3  }
0x33: {  	p0 =	seq.s32 s10, $0x1;
	s10 =	sld [smem:$0x3FAE];
	_ =	sdelay $0x3  }
0x34: {  	[smem:$0x3FAE] =	sst s10  }
0x35: {  	s10 =	sld [smem:$0x3FAD];
	_ =	sdelay $0x3  }
0x36: {  	p1 =	seq.s32 s10, $0x1;
	s10 =	sld [smem:$0x3FAE];
	_ =	sdelay $0x3  }
0x37: {  	[smem:$0x3FAE] =	sst s10  }
0x38: {  	s10 =	sld [smem:$0x3FAF]  }
0x39: {  	_ = 	snop;
	(pc) =	sbr.ind lr, $3  }
0x3a: {  	_ = 	snop  }
0x3b: {  	_ = 	snop  }
0x3c: {  	p2 =	seq.s32 s10, $0x1;
	s10 =	sld [smem:$0x3FAE]  }
0x3d: {  	_ =	shalt  }
0x3e: {  	_ =	shalt  }
0x3f: {  	_ =	shalt  }
0x40: {  	_ =	shalt  }
0x41: {  	_ =	shalt  }
0x42: {  	_ =	shalt  }
0x43: {  	_ =	shalt  }
0x44: {  	_ =	shalt  }
0x45: {  	_ =	shalt  }
0x46: {  	_ =	shalt  }
0x47: {  	_ =	shalt  }
0x48: {  	_ =	shalt  }
0x49: {  	_ =	shalt  }
0x4a: {  	_ =	shalt  }
0x4b: {  	_ =	shalt  }
0x4c: {  	_ =	shalt  }
0x4d: {  	_ =	shalt  }
0x4e: {  	_ =	shalt  }
0x4f: {  	_ =	shalt  }
0x50: {  	_ =	shalt  }
0x51: {  	_ =	shalt  }
0x52: {  	_ =	shalt  }
0x53: {  	_ =	shalt  }
0x54: {  	_ =	shalt  }
0x55: {  	_ =	shalt  }
0x56: {  	_ =	shalt  }
0x57: {  	_ =	shalt  }
0x58: {  	_ =	shalt  }
0x59: {  	_ =	shalt  }
0x5a: {  	_ =	shalt  }
0x5b: {  	_ =	shalt  }
0x5c: {  	_ =	shalt  }
0x5d: {  	_ =	shalt  }
0x5e: {  	_ =	shalt  }
0x5f: {  	_ =	shalt  }
0x60: {  	_ =	shalt  }
0x61: {  	_ =	shalt  }
0x62: {  	_ =	shalt  }
0x63: {  	_ =	shalt  }
0x64: {  	_ =	shalt  }
0x65: {  	_ =	shalt  }
0x66: {  	_ =	shalt  }
0x67: {  	_ =	shalt  }
0x68: {  	_ =	shalt  }
0x69: {  	_ =	shalt  }
0x6a: {  	_ =	shalt  }
0x6b: {  	_ =	shalt  }
0x6c: {  	_ =	shalt  }
0x6d: {  	_ =	shalt  }
0x6e: {  	_ =	shalt  }
0x6f: {  	_ =	shalt  }
0x70: {  	_ =	shalt  }
0x71: {  	_ =	shalt  }
0x72: {  	_ =	shalt  }
0x73: {  	_ =	shalt  }
0x74: {  	_ =	shalt  }
0x75: {  	_ =	shalt  }
0x76: {  	_ =	shalt  }
0x77: {  	_ =	shalt  }
0x78: {  	_ =	shalt  }
0x79: {  	_ =	shalt  }
0x7a: {  	_ =	shalt  }
0x7b: {  	_ =	shalt  }
0x7c: {  	_ =	shalt  }
0x7d: {  	_ =	shalt  }
0x7e: {  	_ =	shalt  }
0x7f: {  	_ =	shalt  }
0x80: {  	_ =	shalt  }
0x81: {  	_ =	shalt  }
0x82: {  	_ =	shalt  }
0x83: {  	_ =	shalt  }
0x84: {  	_ =	shalt  }
0x85: {  	_ =	shalt  }
0x86: {  	_ =	shalt  }
0x87: {  	_ =	shalt  }
.Lfunc_end0:
.L_simem_size_0:
called_computation_lowered:
.L_overlay_start_0:
0x88: {  	s2 =	sld [smem:$0x3FD9]  }
0x89: {  	s3 =	sld [smem:$0x3FFE];
	_ =	sdelay $0x1  }
0x8a: {  	s1 =	srdreg.scid  }
0x8b: {  	s0 =	sand.u32 $0x1, s1  }
0x8c: {  	s14 =	sshll.u32 s0, $0xA;
	s2 =	sadd.s32 s3, s2  }
0x8d: {  	s2 =	sadd.s32 s2, s14  }
0x8e: {  	[smem:$0x3FBA] =	sst s2  }
0x8f: {  	_ = 	snop  }
0x90: {  	s2 =	sld [smem:$0x3FD0];
	_ =	sdelay $0x2  }
0x91: {  	s15 =	simm.s32 $0xA;
	s4 =	simm.s32 $0x10  }
0x92: {  	[smem:s4], [sflag:s15] =	dma.local [hbm:s2], $0x1  }
0x93: {  	_ =	swait.eq [sflag:s15], $0x1  }
0x94: {  	[sflag:s15] =	ssyncset.done $0x0  }
0x95: {  	[sflag:s15] =	ssyncadd.s32 $0xFFFFFFFF  }
0x96: {  	s16 =	sld [smem:$0x10];
	(tm) =	ssettm $0x1  }
0x97: {  	s17 =	sld [smem:$0x3FFB];
	_ =	sdelay $0x3  }
0x98: {  	_ =	strace s17  }
0x99: {  	s3 =	sld [smem:$0x3FFC];
	_ =	sdelay $0x3  }
0x9a: {  	_ =	strace s3  }
0x9b: {  	s3 =	sld [smem:$0x3FFD];
	_ =	sdelay $0x3  }
0x9c: {  	_ =	strace s3  }
0x9d: {  	_ =	strace $0x8FFFFFFF  }
0x9e: {  	s18 =	sld [smem:$0x3FDB];
	_ =	sdelay $0x1  }
0x9f: {  	s19 =	simm.s32 $_scs_section_size  }
0xa0: {  	s5 =	simm.s32 $_size__tile_overlayer_lowered;
	s6 =	simm.s32 $_tile_overlayer_lowered  }
0xa1: {  	s22 =	simm.s32 $0x1BFF;
	s21 =	sshll.u32 s6, $0x1;
	s3 =	sadd.s32 s19, s18  }
0xa2: {  	s7 =	simm.s32 $0x0;
	s20 =	sshll.u32 s5, $0x1;
	s5 =	sadd.s32 s21, s3  }
0xa3: {  	[timem:s7], [sflag:s22] =	dma.local [hbm:s5], s20  }
0xa4: {  	_ =	swait.ge [sflag:s22], s20  }
0xa5: {  	s4 =	ssub.s32 $0x0, s20;
	[sflag:s22] =	ssyncset.done $0x0  }
0xa6: {  	[sflag:s22] =	ssyncadd.s32 s4;
	_ =	sdelay $0x1  }
0xa7: {  	s23 =	simm.s32 $0x1B8B  }
0xa8: {  	_ =	swait.ge [sflag:s23], $0x1  }
0xa9: {  	[sflag:s23] =	ssyncset.done $0x0  }
0xaa: {  	s25 =	simm.s32 $0x1B8E;
	s24 =	sld [smem:$0x3FFE];
	[sflag:s23] =	ssyncadd.s32 $0xFFFFFFFF  }
0xab: {  	s26 =	simm.s32 $execute0_lowered;
	[smem:$0x3FD2] =	sst s25  }
0xac: {  	s5 =	sshll.u32 s26, $0x1;
	_ =	strace $0x80000046;
	[dreg:$0x1] =	wrdreg $0xFFFFFFFF  }
0xad: {  	s28 =	simm.s32 $_size_execute0_lowered;
	s3 =	sadd.s32 s3, s5;
	[dreg:$0x0] =	wrdreg $0x0  }
0xae: {  	s5 =	sshll.u32 s28, $0x1;
	[dreg:$0x2] =	wrdreg s3  }
0xaf: {  	[dreg:$0x3] =	wrdreg s5  }
0xb0: {  	[dreg:$0x4] =	wrdreg $0xC0  }
0xb1: {  	_ =	task [dreg:s7], $0x5FFFF  }
0xb2: {  	[dreg:$0x1] =	wrdreg $0xFFFFFFFF  }
0xb3: {  	[dreg:$0x0] =	wrdreg $0x60  }
0xb4: {  	[dreg:$0x2] =	wrdreg s16  }
0xb5: {  	[dreg:$0x3] =	wrdreg s24  }
0xb6: {  	[dreg:$0x4] =	wrdreg $0x0  }
0xb7: {  	[dreg:$0x5] =	wrdreg $0x9C400  }
0xb8: {  	[dreg:$0x6] =	wrdreg $0x9  }
0xb9: {  	_ =	task.clear_ibuf [dreg:s7], $0x7FFFF;
	_ =	strace $0x90000046  }
0xba: {  	s29 =	simm.s32 $0x9;
	_ =	strace $0x80000048  }
0xbb: {  	_ =	swait.ge [sflag:s29], $0x1  }
0xbc: {  	[sflag:s29] =	ssyncadd.s32 $0xFFFFFFFF  }
0xbd: {  	_ =	strace $0x90000048  }
0xbe: {  	_ =	sfence  }
0xbf: {  	s30 =	sld [smem:$0x0];
	_ =	sdelay $0x2  }
0xc0: {  	s31 =	sshll.u32 s1, $0xD;
	s1 =	sshrl.u32 s1, $0x2  }
0xc1: {  	s3 =	sand.u32 $0x4000, s31;
	s1 =	sadd.s32 s1, s30  }
0xc2: {  	s0 =	sor.u32 s3, s0;
	s1 =	sshll.u32 s1, $0x11  }
0xc3: {  	s0 =	sor.u32 s1, s0  }
0xc4: {  	s0 =	sadd.s32 $0x8F2B, s0  }
0xc5: {  	[sflag:s0] =	ssyncadd.remote.s32 $0x1  }
0xc6: {  	_ =	sfence.sel $0xFFFF  }
0xc7: {  	[dreg:$0x0] =	wrdreg $0xFFFFFFFF;
	(pc) =	sbr.abs _section_cstart, $3  }
0xc8: {  	[dreg:$0x1] =	wrdreg $0xFFFFFFFF  }
0xc9: {  	_ =	task.clear_ibuf [dreg:s7], $0x2FFFF;
	_ =	strace $0x9FFFFFFF  }
0xca: {  	(tm) =	ssettm $0x7FFFFFFF  }
0xcb: {  	_ =	shalt  }
tec
execute0_lowered:
.L_overlay_start_1:
0x0: {  	(tag) =	ssettag $0x1  }
0x1: {  	s1 =	rddreg [dreg:$0x0]  }
0x2: {  	s0 =	rddreg [dreg:$0x1]  }
0x3: {  	s2 =	rddreg [dreg:$0x2]  }
0x4: {  	s3 =	rddreg [dreg:$0x3];
	s17 =	simm.s32 $0x0  }
0x5: {  	s5 =	stileid.u32;
	s4 =	srdreg.scid;
	s28 =	simm.s32 $0x1C390  }
0x6: {  	s30 =	simm.s32 $0x19B90;
	s31 =	simm.s32 $0x1;
	s7 =	smul.u32 $0x14000, s5  }
0x7: {  	s29 =	simm.s32 $0x4;
	[smem:$0x7FF] =	sst s17;
	s10 =	smul.u32 $0x4E20, s5  }
0x8: {  	s6 =	sadd.s32 $0x3A00, s0;
	s8 =	sadd.s32 $0x17400, s0;
	s12 =	smul.u32 $0x5000, s5  }
0x9: {  	s9 =	sand.u32 $0x1, s4;
	s4 =	smul.u32 $0x280, s5;
	p0 =	seq.s32 s5, $0xF  }
0xa: {  	_ =	strace $0x80000047;
	s13 =	ssub.s32 $0x2, s9;
	p1 =	sne.s32 s9, $0x0  }
0xb: {  	s9 =	sadd.s32 $0x51400, s0;
	s11 =	sshrl.u32 s7, $0x4;
	s14 =	sshrl.u32 s13, $0x1  }
0xc: {  	s10 =	sshrl.u32 s10, $0x3;
	s18 =	sadd.s32 $0x140, s4;
	s20 =	sadd.s32 $0x190, s4  }
0xd: {  	s23 =	sadd.s32 $0x1E0, s4;
	s7 =	sshrl.u32 s7, $0x1;
	[dreg:$0x18] =	wrdreg s9  }
0xe: {  	s9 =	simm.s32 $0xE;
	s13 =	ssub.s32 s13, s14;
	s26 =	sadd.s32 s8, s10  }
0xf: {  	s15 =	sadd.s32 $0x9C40, s10;
	s16 =	sadd.s32 s6, s10;
	s19 =	sshll.u32 s18, $0x6  }
0x10: {  	s21 =	sshll.u32 s18, $0x4;
	s22 =	sshll.u32 s20, $0x6;
	s24 =	sshll.u32 s20, $0x4  }
0x11: {  	s25 =	sshll.u32 s23, $0x6;
	s10 =	sadd.s32 $0x25D00, s3;
	[dreg:$0x6] =	wrdreg s26  }
0x12: {  	s7 =	sadd.s32 s7, s2;
	s8 =	sadd.s32 s8, s15;
	[dreg:$0x8] =	wrdreg s16  }
0x13: {  	s6 =	sadd.s32 s6, s15;
	s14 =	sadd.s32 s19, s2;
	s15 =	sadd.s32 s21, s3  }
0x14: {  	s16 =	sadd.s32 s22, s2;
	s18 =	sadd.s32 s24, s3;
	s19 =	sadd.s32 s25, s2  }
0x15: {  	s26 =	sadd.s32 $0x230, s4;
	s21 =	sadd.s32 s11, s0;
	s22 =	sshrl.u32 s12, $0x4  }
0x16: {  	[dreg:$0x13] =	wrdreg s7;
	s24 =	sshrl.u32 s12, $0x1;
	s11 =	smul.u32 $0xA000, s5  }
0x17: {  	s12 =	sadd.s32 $0x6EE00, s0;
	s13 =	smax.u32 s13, $0x1;
	[dreg:$0x7] =	wrdreg s8  }
0x18: {  	[dreg:$0x9] =	wrdreg s6;
	s6 =	sshll.u32 s23, $0x4;
	s8 =	sadd.s32 $0x97400, s2  }
0x19: {  	s15 =	smov.u32 @p0 s10;
	s10 =	sadd.s32 $0x26200, s3;
	s23 =	sadd.s32 $0x3E800, s21  }
0x1a: {  	s7 =	sadd.s32 s24, s3;
	s25 =	sadd.s32 $0x5C200, s21;
	[dreg:$0x1a] =	wrdreg s12  }
0x1b: {  	s24 =	sadd.s32 $0x2AE00, s0;
	[dreg:$0x1c] =	wrdreg s13;
	s21 =	sadd.s32 $0xA0, s4  }
0x1c: {  	s12 =	simm.s32 $0x2;
	s13 =	simm.s32 $0x3;
	[dreg:$0xb] =	wrdreg s15  }
0x1d: {  	s20 =	sadd.s32 s6, s3;
	s14 =	smov.u32 @p0 s8;
	[dreg:$0x12] =	wrdreg s23  }
0x1e: {  	s8 =	sadd.s32 $0x98800, s2;
	s18 =	smov.u32 @p0 s10;
	[dreg:$0x14] =	wrdreg s7  }
0x1f: {  	s10 =	sadd.s32 $0x99C00, s2;
	s6 =	sshll.u32 s26, $0x4;
	[dreg:$0x15] =	wrdreg s25  }
0x20: {  	s15 =	sshrl.u32 s11, $0x2;
	s23 =	sshll.u32 s21, $0x6;
	s25 =	sshll.u32 s21, $0x4  }
0x21: {  	s11 =	simm.s32 $0xB;
	s7 =	simm.s32 $0xC;
	[dreg:$0xa] =	wrdreg s14  }
0x22: {  	s16 =	smov.u32 @p0 s8;
	[dreg:$0xd] =	wrdreg s18;
	s19 =	smov.u32 @p0 s10  }
0x23: {  	s8 =	sadd.s32 $0x26700, s3;
	s10 =	sadd.s32 s6, s3;
	s6 =	sadd.s32 $0x26C00, s3  }
0x24: {  	s18 =	sadd.s32 s15, s3;
	s15 =	simm.s32 $0x9;
	[dreg:$0xc] =	wrdreg s16  }
0x25: {  	s16 =	sshll.u32 s26, $0x6;
	[dreg:$0xe] =	wrdreg s19;
	s20 =	smov.u32 @p0 s8  }
0x26: {  	s8 =	sadd.s32 $0x9B000, s2;
	s10 =	smov.u32 @p0 s6;
	[dreg:$0x1e] =	wrdreg s18  }
0x27: {  	s6 =	sadd.s32 s22, s0;
	s22 =	sadd.s32 $0xF0, s4;
	[dreg:$0xf] =	wrdreg s20  }
0x28: {  	s14 =	sadd.s32 s16, s2;
	[dreg:$0x11] =	wrdreg s10;
	s26 =	sadd.s32 $0x52200, s6  }
0x29: {  	s6 =	sadd.s32 $0x57200, s6;
	s10 =	sadd.s32 $0x56D00, s0;
	[dreg:$0x16] =	wrdreg s26  }
0x2a: {  	s0 =	sadd.s32 $0x5BD00, s0;
	s16 =	sor.u32 $0x50, s4;
	[dreg:$0x17] =	wrdreg s6  }
0x2b: {  	s4 =	sadd.s32 s23, s2;
	s14 =	smov.u32 @p0 s8;
	[dreg:$0x19] =	wrdreg s10  }
0x2c: {  	s8 =	smul.u32 $0x28000, s5;
	[dreg:$0x1b] =	wrdreg s0;
	s19 =	sshll.u32 s16, $0x6  }
0x2d: {  	s20 =	sshll.u32 s16, $0x4;
	[smem:$0x7F8] =	sst s4;
	s26 =	sshll.u32 s22, $0x6  }
0x2e: {  	s4 =	sadd.s32 s25, s3;
	s5 =	sadd.s32 $0x96000, s2;
	[dreg:$0x10] =	wrdreg s14  }
0x2f: {  	s6 =	sadd.s32 $0x25800, s3;
	s25 =	simm.s32 $0x15F90;
	[smem:$0x7F9] =	sst s4  }
0x30: {  	s10 =	simm.s32 $0x1AF90;
	s4 =	sadd.s32 s26, s2;
	[smem:$0x7FA] =	sst s5  }
0x31: {  	[smem:$0x7FC] =	sst s6;
	s14 =	sshrl.u32 s8, $0x2;
	s4 =	smov.u32 @p0 s5  }
0x32: {  	s16 =	simm.s32 $0x5;
	s0 =	sadd.s32 s14, s2;
	[smem:$0x7FB] =	sst s4  }
0x33: {  	s8 =	simm.s32 $0xD;
	[dreg:$0x1d] =	wrdreg s0;
	s0 =	sadd.s32 s19, s2  }
.Ltmp0:
0x34: {  	[dreg:$0x1f] =	wrdreg s0;
	s0 =	sadd.s32 s20, s3;
	(pc) =	sbr.rel .LBB2_1-.Ltmp0, $4  }
0x35: {  	s4 =	simm.s32 $0x50;
	[smem:$0x7F7] =	sst s0;
	s0 =	sshll.u32 s22, $0x4  }
0x36: {  	s14 =	simm.s32 $0x8;
	s19 =	simm.s32 $0x17390;
	s0 =	sadd.s32 s0, s3  }
0x37: {  	s20 =	simm.s32 $0x18790;
	s22 =	simm.s32 $0x10;
	s0 =	smov.u32 @p0 s6  }
0x38: {  	v0 =	vimm.bf16 $0.0e+00;
	v1 =	vimm.bf16 $1.0000e+00;
	s6 =	simm.s32 $0x7;
	[smem:$0x7FD] =	sst s0;
	s0 =	simm.s32 $0x6  }
.LBB2_11:
0x39: {  	[spmem:s3] =	stream.indirect.scatter.add.bf16 [tilespmem:s28], [sflag:$0xF], $0x10, s17, s4, $0xb8;
	[tilespmem:$0x1C890] =	vst v63  }
0x3a: {  	s5 =	simm.s32 @!p2 $0xA  }
0x3b: {  	_ =	swait.ge @!p2 [sflag:s5], $0x1400  }
0x3c: {  	[sflag:s5] =	ssyncset.done @!p2 $0x0  }
0x3d: {  	[sflag:s5] =	ssyncadd.s32 @!p2 $0xFFFFEC00;
	s5 =	simm.s32 @!p2 $0xF  }
0x3e: {  	_ =	swait.ge @!p2 [sflag:s5], $0x500  }
0x3f: {  	s17 =	sshra.s32 s23, $0x2;
	[sflag:s5] =	ssyncset.done @!p2 $0x0  }
0x40: {  	s21 =	sadd.s32 $0xC490, s17;
	[sflag:s5] =	ssyncadd.s32 @!p2 $0xFFFFFB00  }
0x41: {  	[tilespmem:s10], [sflag:$0x5] =	stream.indirect.gather [hbm4b:s24+s4], $0x40, s21, s4, $0xb8;
	[tilespmem:$0x1C890] =	vst v63  }
0x42: {  	_ =	swait.ge [sflag:s31], $0x1400  }
0x43: {  	[sflag:s31] =	ssyncset.done $0x0  }
0x44: {  	s22 =	sadd.s32 $0x11170, s17;
	[sflag:s31] =	ssyncadd.s32 $0xFFFFEC00  }
0x45: {  	[spmem:s2] =	stream.indirect.scatter.add.bf16 [tilespmem:s25], [sflag:$0x6], $0x40, s22, s4, $0xb8;
	[tilespmem:$0x1C890] =	vst v63  }
0x46: {  	_ = 	snop  }
0x47: {  	[spmem:s3] =	stream.indirect.scatter.add.bf16 [tilespmem:s28], [sflag:$0xB], $0x10, s22, s4, $0xb8;
	[tilespmem:$0x1C890] =	vst v63  }
0x48: {  	_ =	swait.ge [sflag:s0], $0x1400  }
0x49: {  	[sflag:s0] =	ssyncset.done $0x0  }
0x4a: {  	[sflag:s0] =	ssyncadd.s32 $0xFFFFEC00  }
0x4b: {  	p2 =	seq.s32 s23, $0x13240;
	_ =	swait.ge [sflag:s11], $0x500  }
0x4c: {  	s5 =	sshra.s32 @!p2 s23, $0x2;
	s18 =	simm.s32 @!p2 $0x15F90;
	[sflag:s11] =	ssyncset.done $0x0  }
0x4d: {  	s21 =	sadd.s32 @!p2 $0xC4E0, s5;
	s22 =	simm.s32 @!p2 $0x50;
	[sflag:s11] =	ssyncadd.s32 $0xFFFFFB00  }
0x4e: {  	[tilespmem:s18], [sflag:$0x1] =	stream.indirect.gather @!p2 [hbm4b:s24+s22], $0x40, s21, s22, $0xb8;
	[tilespmem:$0x1C890] =	vst v63  }
0x4f: {  	_ =	swait.ge [sflag:s12], $0x1400  }
0x50: {  	[sflag:s12] =	ssyncset.done $0x0  }
0x51: {  	s23 =	sadd.s32 $0x111C0, s17;
	[sflag:s12] =	ssyncadd.s32 $0xFFFFEC00  }
0x52: {  	[spmem:s2] =	stream.indirect.scatter.add.bf16 [tilespmem:s19], [sflag:$0x7], $0x40, s23, s4, $0xb8;
	[tilespmem:$0x1C890] =	vst v63  }
0x53: {  	_ = 	snop  }
0x54: {  	[spmem:s3] =	stream.indirect.scatter.add.bf16 [tilespmem:s28], [sflag:$0xC], $0x10, s23, s4, $0xb8;
	[tilespmem:$0x1C890] =	vst v63  }
0x55: {  	_ =	swait.ge [sflag:s6], $0x1400  }
0x56: {  	[sflag:s6] =	ssyncset.done $0x0  }
0x57: {  	[sflag:s6] =	ssyncadd.s32 $0xFFFFEC00  }
0x58: {  	_ =	swait.ge [sflag:s7], $0x500  }
0x59: {  	[sflag:s7] =	ssyncset.done $0x0  }
0x5a: {  	s18 =	sadd.s32 @!p2 $0xC530, s5;
	s21 =	simm.s32 @!p2 $0x17390;
	[sflag:s7] =	ssyncadd.s32 $0xFFFFFB00  }
0x5b: {  	[tilespmem:s21], [sflag:$0x2] =	stream.indirect.gather @!p2 [hbm4b:s24+s22], $0x40, s18, s22, $0xb8;
	[tilespmem:$0x1C890] =	vst v63  }
0x5c: {  	_ =	swait.ge [sflag:s13], $0x1400  }
0x5d: {  	[sflag:s13] =	ssyncset.done $0x0  }
0x5e: {  	s26 =	sadd.s32 $0x11210, s17;
	[sflag:s13] =	ssyncadd.s32 $0xFFFFEC00  }
0x5f: {  	[spmem:s2] =	stream.indirect.scatter.add.bf16 [tilespmem:s20], [sflag:$0x8], $0x40, s26, s4, $0xb8;
	[tilespmem:$0x1C890] =	vst v63  }
0x60: {  	_ = 	snop  }
0x61: {  	[spmem:s3] =	stream.indirect.scatter.add.bf16 [tilespmem:s28], [sflag:$0xD], $0x10, s26, s4, $0xb8;
	[tilespmem:$0x1C890] =	vst v63  }
0x62: {  	_ =	swait.ge [sflag:s14], $0x1400  }
0x63: {  	[sflag:s14] =	ssyncset.done $0x0  }
0x64: {  	[sflag:s14] =	ssyncadd.s32 $0xFFFFEC00  }
0x65: {  	_ =	swait.ge [sflag:s8], $0x500  }
0x66: {  	[sflag:s8] =	ssyncset.done $0x0  }
0x67: {  	s18 =	sadd.s32 @!p2 $0xC580, s5;
	s21 =	simm.s32 @!p2 $0x18790;
	[sflag:s8] =	ssyncadd.s32 $0xFFFFFB00  }
0x68: {  	[tilespmem:s21], [sflag:$0x3] =	stream.indirect.gather @!p2 [hbm4b:s24+s22], $0x40, s18, s22, $0xb8;
	[tilespmem:$0x1C890] =	vst v63  }
0x69: {  	_ =	swait.ge [sflag:s29], $0x1400  }
0x6a: {  	[sflag:s29] =	ssyncset.done $0x0  }
0x6b: {  	s21 =	sadd.s32 $0x11260, s17;
	[sflag:s29] =	ssyncadd.s32 $0xFFFFEC00  }
0x6c: {  	[spmem:s2] =	stream.indirect.scatter.add.bf16 [tilespmem:s30], [sflag:$0x9], $0x40, s21, s4, $0xb8;
	[tilespmem:$0x1C890] =	vst v63  }
0x6d: {  	_ = 	snop  }
0x6e: {  	[spmem:s3] =	stream.indirect.scatter.add.bf16 [tilespmem:s28], [sflag:$0xE], $0x10, s21, s4, $0xb8;
	[tilespmem:$0x1C890] =	vst v63  }
0x6f: {  	_ =	swait.ge [sflag:s15], $0x1400  }
0x70: {  	[sflag:s15] =	ssyncset.done $0x0  }
0x71: {  	[sflag:s15] =	ssyncadd.s32 $0xFFFFEC00  }
0x72: {  	_ =	swait.ge [sflag:s9], $0x500  }
0x73: {  	[sflag:s9] =	ssyncset.done $0x0  }
0x74: {  	s5 =	sadd.s32 @!p2 $0xC5D0, s5;
	s18 =	simm.s32 @!p2 $0x19B90;
	[sflag:s9] =	ssyncadd.s32 $0xFFFFFB00  }
0x75: {  	[tilespmem:s18], [sflag:$0x4] =	stream.indirect.gather @!p2 [hbm4b:s24+s22], $0x40, s5, s22, $0xb8;
	[tilespmem:$0x1C890] =	vst v63  }
0x76: {  	_ =	swait.ge [sflag:s16], $0x1400  }
0x77: {  	[sflag:s16] =	ssyncset.done $0x0  }
0x78: {  	s22 =	sadd.s32 $0x112B0, s17;
	[sflag:s16] =	ssyncadd.s32 $0xFFFFEC00  }
0x79: {  	[spmem:s2] =	stream.indirect.scatter.add.bf16 [tilespmem:s10], [sflag:$0xA], $0x40, s22, s4, $0xb8;
	[tilespmem:$0x1C890] =	vst v63  }
0x7a: {  	s23 =	simm.s32 $0xA  }
0x7b: {  	[spmem:s3] =	stream.indirect.scatter.add.bf16 [tilespmem:s28], [sflag:$0xF], $0x10, s22, s4, $0xb8;
	[tilespmem:$0x1C890] =	vst v63  }
0x7c: {  	_ =	swait.ge [sflag:s23], $0x1400  }
0x7d: {  	[sflag:s23] =	ssyncset.done $0x0  }
0x7e: {  	s26 =	simm.s32 $0xF;
	[sflag:s23] =	ssyncadd.s32 $0xFFFFEC00  }
0x7f: {  	_ =	swait.ge [sflag:s26], $0x500  }
0x80: {  	[sflag:s26] =	ssyncset.done $0x0  }
0x81: {  	[sflag:s26] =	ssyncadd.s32 $0xFFFFFB00  }
0x82: {  	[bflag:$0x0] =	sbarrier.arrive $0xFFFF  }
0x83: {  	s18 =	sld [smem:$0x7F2];
	_ =	sdelay $0x1  }
0x84: {  	s5 =	simm.s32 @p0 $0x1FD0;
	s17 =	rddreg [dreg:$0x18]  }
0x85: {  	[hbm:s17], [sflag:s5] =	dma.local @p0 [spmem:s18], $0xC80  }
0x86: {  	s17 =	simm.s32 @p0 $0x10  }
0x87: {  	_ =	swait.ge @p0 [sflag:s17], $0xC80  }
0x88: {  	s21 =	sld [smem:$0x7F3]  }
0x89: {  	[sflag:s17] =	ssyncset.done @p0 $0x0  }
0x8a: {  	s18 =	rddreg [dreg:$0x19];
	[sflag:s17] =	ssyncadd.s32 @p0 $0xFFFFF380  }
0x8b: {  	[hbm:s18], [sflag:s5] =	dma.local @p0 [spmem:s21], $0x320  }
0x8c: {  	_ =	swait.ge @p0 [sflag:s17], $0x320  }
0x8d: {  	[sflag:s17] =	ssyncset.done @p0 $0x0;
	s21 =	sld [smem:$0x7F6]  }
0x8e: {  	[sflag:s17] =	ssyncadd.s32 @p0 $0xFFFFFCE0;
	s17 =	sld [smem:$0x7F4];
	_ =	sdelay $0x1  }
0x8f: {  	s5 =	rddreg [dreg:$0x12]  }
0x90: {  	[hbm:s5], [sflag:s21] =	dma.local @!p0 [spmem:s17], $0x1400  }
0x91: {  	s5 =	simm.s32 @!p0 $0x10  }
0x92: {  	_ =	swait.ge @!p0 [sflag:s5], $0x1400  }
0x93: {  	s18 =	sld [smem:$0x7F5]  }
0x94: {  	[sflag:s5] =	ssyncset.done @!p0 $0x0  }
0x95: {  	s17 =	rddreg [dreg:$0x16];
	[sflag:s5] =	ssyncadd.s32 @!p0 $0xFFFFEC00  }
0x96: {  	[hbm:s17], [sflag:s21] =	dma.local @!p0 [spmem:s18], $0x500  }
0x97: {  	_ =	swait.ge @!p0 [sflag:s5], $0x500  }
0x98: {  	[sflag:s5] =	ssyncset.done @!p0 $0x0  }
0x99: {  	s17 =	rddreg [dreg:$0x5];
	[sflag:s5] =	ssyncadd.s32 @!p0 $0xFFFFFB00  }
.LBB2_12:
0x9a: {  	s17 =	sadd.s32 $0x1, s17;
	s5 =	rddreg [dreg:$0x1c]  }
0x9b: {  	p2 =	sne.s32 s17, s5  }
.Ltmp1:
0x9c: {  	_ = 	snop;
	(pc) =	sbr.rel @!p2 .LBB2_13-.Ltmp1, $2  }
0x9d: {  	_ =	sdelay $0x2  }
0x9e: {  	s22 =	simm.s32 $0x10  }
.LBB2_1:
0x9f: {  	[dreg:$0x5] =	wrdreg s17;
	s17 =	simm.s32 $0x15FB0  }
0xa0: {  	[tilespmem:s17+$0x0] =	vst v0  }
0xa1: {  	[tilespmem:s17+$0xFFFFFFE0] =	vst v0  }
0xa2: {  	[tilespmem:s17+$0x10] =	vst v0  }
0xa3: {  	s18 =	simm.s32 $0x40;
	s21 =	simm.s32 $0x0;
	[tilespmem:s17+$0xFFFFFFF0] =	vst v0  }
.LBB2_2:
0xa4: {  	p2 =	sne.s32 s18, $0x13C0  }
0xa5: {  	[tilespmem:s21+$0x1C390] =	vst v0;
	s17 =	sadd.s32 $0x40, s17;
	s21 =	smov.u32 s18;
	s18 =	sadd.s32 $0x40, s18  }
.Ltmp2:
0xa6: {  	[tilespmem:s17+$0x0] =	vst v0;
	(pc) =	sbr.rel @p2 .LBB2_2-.Ltmp2, $4  }
0xa7: {  	_ = 	snop  }
0xa8: {  	[tilespmem:s17+$0xFFFFFFE0] =	vst v0  }
0xa9: {  	[tilespmem:s17+$0x10] =	vst v0  }
0xaa: {  	s21 =	sshra.s32 s21, $0x2;
	[tilespmem:s17+$0xFFFFFFF0] =	vst v0  }
0xab: {  	[tilespmem:s21+$0x1C390] =	vst v0;
	s17 =	simm.s32 @!p0 $0x15F90;
	s5 =	rddreg [dreg:$0x1d];
	s18 =	simm.s32 @!p0 $0x10  }
0xac: {  	[spmem:s5] =	stream.linear.scatter @!p0 [tilespmem:s17], [sflag:$0x10], $0x1400, $0x38;
	[tilespmem:$0x1C890] =	vst v63  }
0xad: {  	_ =	swait.ge @!p0 [sflag:s18], $0x1400  }
0xae: {  	[sflag:s18] =	ssyncset.done @!p0 $0x0  }
0xaf: {  	s21 =	simm.s32 @!p0 $0x1C390;
	s5 =	rddreg [dreg:$0x1e];
	[sflag:s18] =	ssyncadd.s32 @!p0 $0xFFFFEC00  }
0xb0: {  	[spmem:s5] =	stream.linear.scatter @!p0 [tilespmem:s21], [sflag:$0x10], $0x500, $0x38;
	[tilespmem:$0x1C890] =	vst v63  }
0xb1: {  	_ =	swait.ge @!p0 [sflag:s18], $0x500  }
0xb2: {  	[sflag:s18] =	ssyncset.done @!p0 $0x0  }
0xb3: {  	s5 =	rddreg [dreg:$0x1f];
	[sflag:s18] =	ssyncadd.s32 @!p0 $0xFFFFFB00  }
0xb4: {  	[spmem:s5] =	stream.linear.scatter @!p0 [tilespmem:s17], [sflag:$0x10], $0x1400, $0x38;
	[tilespmem:$0x1C890] =	vst v63  }
0xb5: {  	_ =	swait.ge @!p0 [sflag:s18], $0x1400  }
0xb6: {  	s5 =	sld [smem:$0x7F7]  }
0xb7: {  	[sflag:s18] =	ssyncset.done @!p0 $0x0  }
0xb8: {  	[sflag:s18] =	ssyncadd.s32 @!p0 $0xFFFFEC00  }
0xb9: {  	[spmem:s5] =	stream.linear.scatter @!p0 [tilespmem:s21], [sflag:$0x10], $0x500, $0x38;
	[tilespmem:$0x1C890] =	vst v63  }
0xba: {  	_ =	swait.ge @!p0 [sflag:s18], $0x500  }
0xbb: {  	s5 =	sld [smem:$0x7F8]  }
0xbc: {  	[sflag:s18] =	ssyncset.done @!p0 $0x0  }
0xbd: {  	[sflag:s18] =	ssyncadd.s32 @!p0 $0xFFFFFB00  }
0xbe: {  	[spmem:s5] =	stream.linear.scatter @!p0 [tilespmem:s17], [sflag:$0x10], $0x1400, $0x38;
	[tilespmem:$0x1C890] =	vst v63  }
0xbf: {  	_ =	swait.ge @!p0 [sflag:s18], $0x1400  }
0xc0: {  	s5 =	sld [smem:$0x7F9]  }
0xc1: {  	[sflag:s18] =	ssyncset.done @!p0 $0x0  }
0xc2: {  	[sflag:s18] =	ssyncadd.s32 @!p0 $0xFFFFEC00  }
0xc3: {  	[spmem:s5] =	stream.linear.scatter @!p0 [tilespmem:s21], [sflag:$0x10], $0x500, $0x38;
	[tilespmem:$0x1C890] =	vst v63  }
0xc4: {  	_ =	swait.ge @!p0 [sflag:s18], $0x500  }
0xc5: {  	s17 =	sld [smem:$0x7FB]  }
0xc6: {  	[sflag:s18] =	ssyncset.done @!p0 $0x0  }
0xc7: {  	[sflag:s18] =	ssyncadd.s32 @!p0 $0xFFFFFB00  }
0xc8: {  	[spmem:s17] =	stream.linear.scatter [tilespmem:s25], [sflag:$0x10], $0x1400, $0x38;
	[tilespmem:$0x1C890] =	vst v63  }
0xc9: {  	_ =	swait.ge [sflag:s22], $0x1400  }
0xca: {  	s18 =	sld [smem:$0x7FD]  }
0xcb: {  	[sflag:s22] =	ssyncset.done $0x0  }
0xcc: {  	[sflag:s22] =	ssyncadd.s32 $0xFFFFEC00  }
0xcd: {  	[spmem:s18] =	stream.linear.scatter [tilespmem:s28], [sflag:$0x10], $0x500, $0x38;
	[tilespmem:$0x1C890] =	vst v63  }
0xce: {  	_ =	swait.ge [sflag:s22], $0x500  }
0xcf: {  	[sflag:s22] =	ssyncset.done $0x0  }
0xd0: {  	s21 =	rddreg [dreg:$0xa];
	[sflag:s22] =	ssyncadd.s32 $0xFFFFFB00  }
0xd1: {  	[spmem:s21] =	stream.linear.scatter [tilespmem:s25], [sflag:$0x10], $0x1400, $0x38;
	[tilespmem:$0x1C890] =	vst v63  }
0xd2: {  	_ =	swait.ge [sflag:s22], $0x1400  }
0xd3: {  	[sflag:s22] =	ssyncset.done $0x0  }
0xd4: {  	s23 =	rddreg [dreg:$0xb];
	[sflag:s22] =	ssyncadd.s32 $0xFFFFEC00  }
0xd5: {  	[spmem:s23] =	stream.linear.scatter [tilespmem:s28], [sflag:$0x10], $0x500, $0x38;
	[tilespmem:$0x1C890] =	vst v63  }
0xd6: {  	_ =	swait.ge [sflag:s22], $0x500  }
0xd7: {  	[sflag:s22] =	ssyncset.done $0x0  }
0xd8: {  	s26 =	rddreg [dreg:$0xc];
	[sflag:s22] =	ssyncadd.s32 $0xFFFFFB00  }
0xd9: {  	[spmem:s26] =	stream.linear.scatter [tilespmem:s25], [sflag:$0x10], $0x1400, $0x38;
	[tilespmem:$0x1C890] =	vst v63  }
0xda: {  	_ =	swait.ge [sflag:s22], $0x1400  }
0xdb: {  	[sflag:s22] =	ssyncset.done $0x0  }
0xdc: {  	s17 =	rddreg [dreg:$0xd];
	[sflag:s22] =	ssyncadd.s32 $0xFFFFEC00  }
0xdd: {  	[spmem:s17] =	stream.linear.scatter [tilespmem:s28], [sflag:$0x10], $0x500, $0x38;
	[tilespmem:$0x1C890] =	vst v63  }
0xde: {  	_ =	swait.ge [sflag:s22], $0x500  }
0xdf: {  	[sflag:s22] =	ssyncset.done $0x0  }
0xe0: {  	s18 =	rddreg [dreg:$0xe];
	[sflag:s22] =	ssyncadd.s32 $0xFFFFFB00  }
0xe1: {  	[spmem:s18] =	stream.linear.scatter [tilespmem:s25], [sflag:$0x10], $0x1400, $0x38;
	[tilespmem:$0x1C890] =	vst v63  }
0xe2: {  	_ =	swait.ge [sflag:s22], $0x1400  }
0xe3: {  	[sflag:s22] =	ssyncset.done $0x0  }
0xe4: {  	s21 =	rddreg [dreg:$0xf];
	[sflag:s22] =	ssyncadd.s32 $0xFFFFEC00  }
0xe5: {  	[spmem:s21] =	stream.linear.scatter [tilespmem:s28], [sflag:$0x10], $0x500, $0x38;
	[tilespmem:$0x1C890] =	vst v63  }
0xe6: {  	_ =	swait.ge [sflag:s22], $0x500  }
0xe7: {  	[sflag:s22] =	ssyncset.done $0x0  }
0xe8: {  	s23 =	rddreg [dreg:$0x10];
	[sflag:s22] =	ssyncadd.s32 $0xFFFFFB00  }
0xe9: {  	[spmem:s23] =	stream.linear.scatter [tilespmem:s25], [sflag:$0x10], $0x1400, $0x38;
	[tilespmem:$0x1C890] =	vst v63  }
0xea: {  	_ =	swait.ge [sflag:s22], $0x1400  }
0xeb: {  	[sflag:s22] =	ssyncset.done $0x0  }
0xec: {  	s26 =	rddreg [dreg:$0x11];
	[sflag:s22] =	ssyncadd.s32 $0xFFFFEC00  }
0xed: {  	[spmem:s26] =	stream.linear.scatter [tilespmem:s28], [sflag:$0x10], $0x500, $0x38;
	[tilespmem:$0x1C890] =	vst v63  }
0xee: {  	_ =	swait.ge [sflag:s22], $0x500  }
0xef: {  	[sflag:s22] =	ssyncset.done $0x0  }
0xf0: {  	s17 =	simm.s32 $0x40;
	s18 =	simm.s32 $0x0;
	[sflag:s22] =	ssyncadd.s32 $0xFFFFFB00  }
.LBB2_4:
0xf1: {  	p2 =	sne.s32 s17, $0x13C0;
	[tilespmem:s18+$0x1C390] =	vst v1;
	s18 =	smov.u32 s17;
	s17 =	sadd.s32 $0x40, s17  }
.Ltmp3:
0xf2: {  	(pc) =	sbr.rel @p2 .LBB2_4-.Ltmp3, $2  }
0xf3: {  	_ =	sdelay $0x2  }
0xf4: {  	s18 =	sshra.s32 s18, $0x2  }
0xf5: {  	[tilespmem:s18+$0x1C390] =	vst v1  }
0xf6: {  	[bflag:$0x0] =	sbarrier.arrive $0xFFFF  }
0xf7: {  	s5 =	sld [smem:$0x7FA];
	_ =	sdelay $0x2  }
0xf8: {  	s5 =	sshrl.u32 @p0 s5, $0x3  }
0xf9: {  	[smem:$0x7F2] =	sst s5  }
0xfa: {  	s5 =	sld [smem:$0x7FC];
	_ =	sdelay $0x2  }
0xfb: {  	s5 =	sshrl.u32 @p0 s5, $0x3  }
0xfc: {  	[smem:$0x7F3] =	sst s5;
	s5 =	stileid.u32  }
0xfd: {  	s17 =	sshll.u32 @!p0 s5, $0x6;
	s5 =	rddreg [dreg:$0x13]  }
0xfe: {  	s5 =	sshrl.u32 @!p0 s5, $0x3  }
.Ltmp4:
0xff: {  	[smem:$0x7F4] =	sst s5;
	(pc) =	sbr.rel @p1 .LBB2_9-.Ltmp4, $4  }
0x100: {  	s5 =	rddreg [dreg:$0x14]  }
0x101: {  	s5 =	sshrl.u32 @!p0 s5, $0x3  }
0x102: {  	[smem:$0x7F5] =	sst s5;
	s5 =	sor.u32 @!p0 $0x1C10, s17  }
0x103: {  	[smem:$0x7F6] =	sst s5  }
0x104: {  	s17 =	simm.s32 $0x0;
	s5 =	rddreg [dreg:$0x8];
	s18 =	simm.s32 $0xC350  }
0x105: {  	[tilespmem:s18], [sflag:$0x10] =	stream.linear.gather [hbm4b:s5+s17], $0x4E20, $0x38;
	[tilespmem:$0x1C890] =	vst v63  }
0x106: {  	_ =	swait.ge [sflag:s22], $0x4E20  }
0x107: {  	[sflag:s22] =	ssyncset.done $0x0  }
0x108: {  	s21 =	simm.s32 $0x11170;
	s26 =	rddreg [dreg:$0x9];
	[sflag:s22] =	ssyncadd.s32 $0xFFFFB1E0  }
0x109: {  	[tilespmem:s21], [sflag:$0x10] =	stream.linear.gather [hbm4b:s26+s17], $0x4E20, $0x38;
	[tilespmem:$0x1C890] =	vst v63  }
0x10a: {  	_ =	swait.ge [sflag:s22], $0x4E20  }
0x10b: {  	[sflag:s22] =	ssyncset.done $0x0  }
0x10c: {  	[sflag:s22] =	ssyncadd.s32 $0xFFFFB1E0  }
0x10d: {  	[tilespmem:s25], [sflag:$0x1] =	stream.indirect.gather [hbm4b:s1+s4], $0x40, s18, s4, $0xb8;
	[tilespmem:$0x1C890] =	vst v63  }
0x10e: {  	s23 =	simm.s32 $0xC3A0  }
0x10f: {  	[tilespmem:s19], [sflag:$0x2] =	stream.indirect.gather [hbm4b:s1+s4], $0x40, s23, s4, $0xb8;
	[tilespmem:$0x1C890] =	vst v63  }
0x110: {  	p2 =	por $0x1, $0x1;
	s26 =	simm.s32 $0xC3F0  }
0x111: {  	[tilespmem:s20], [sflag:$0x3] =	stream.indirect.gather [hbm4b:s1+s4], $0x40, s26, s4, $0xb8;
	[tilespmem:$0x1C890] =	vst v63  }
0x112: {  	p2 =	por p2, p2;
	s17 =	simm.s32 $0xC440  }
0x113: {  	[tilespmem:s30], [sflag:$0x4] =	stream.indirect.gather [hbm4b:s1+s4], $0x40, s17, s4, $0xb8;
	[tilespmem:$0x1C890] =	vst v63  }
0x114: {  	s17 =	simm.s32 @!p2 $0xA  }
0x115: {  	_ =	swait.ge @!p2 [sflag:s17], $0x1400  }
0x116: {  	[sflag:s17] =	ssyncset.done @!p2 $0x0  }
0x117: {  	[sflag:s17] =	ssyncadd.s32 @!p2 $0xFFFFEC00;
	s17 =	simm.s32 @!p2 $0xF  }
0x118: {  	_ =	swait.ge @!p2 [sflag:s17], $0x500  }
0x119: {  	[sflag:s17] =	ssyncset.done @!p2 $0x0  }
0x11a: {  	s18 =	simm.s32 $0xC490;
	[sflag:s17] =	ssyncadd.s32 @!p2 $0xFFFFFB00  }
0x11b: {  	[tilespmem:s10], [sflag:$0x5] =	stream.indirect.gather [hbm4b:s1+s4], $0x40, s18, s4, $0xb8;
	[tilespmem:$0x1C890] =	vst v63  }
0x11c: {  	_ =	swait.ge [sflag:s31], $0x1400  }
0x11d: {  	[sflag:s31] =	ssyncset.done $0x0  }
0x11e: {  	s21 =	simm.s32 $0x11170;
	[sflag:s31] =	ssyncadd.s32 $0xFFFFEC00  }
0x11f: {  	[spmem:s2] =	stream.indirect.scatter.add.bf16 [tilespmem:s25], [sflag:$0x6], $0x40, s21, s4, $0xb8;
	[tilespmem:$0x1C890] =	vst v63  }
0x120: {  	_ = 	snop  }
0x121: {  	[spmem:s3] =	stream.indirect.scatter.add.bf16 [tilespmem:s28], [sflag:$0xB], $0x10, s21, s4, $0xb8;
	[tilespmem:$0x1C890] =	vst v63  }
0x122: {  	_ =	swait.ge [sflag:s0], $0x1400  }
0x123: {  	[sflag:s0] =	ssyncset.done $0x0  }
0x124: {  	[sflag:s0] =	ssyncadd.s32 $0xFFFFEC00  }
0x125: {  	p2 =	por $0x0, $0x0;
	_ =	swait.ge [sflag:s11], $0x500  }
0x126: {  	s17 =	simm.s32 @!p2 $0x15F90;
	[sflag:s11] =	ssyncset.done $0x0  }
0x127: {  	s18 =	simm.s32 @!p2 $0xC4E0;
	s21 =	simm.s32 @!p2 $0x50;
	[sflag:s11] =	ssyncadd.s32 $0xFFFFFB00  }
0x128: {  	[tilespmem:s17], [sflag:$0x1] =	stream.indirect.gather @!p2 [hbm4b:s1+s21], $0x40, s18, s21, $0xb8;
	[tilespmem:$0x1C890] =	vst v63  }
0x129: {  	_ =	swait.ge [sflag:s12], $0x1400  }
0x12a: {  	[sflag:s12] =	ssyncset.done $0x0  }
0x12b: {  	s22 =	simm.s32 $0x111C0;
	[sflag:s12] =	ssyncadd.s32 $0xFFFFEC00  }
0x12c: {  	[spmem:s2] =	stream.indirect.scatter.add.bf16 [tilespmem:s19], [sflag:$0x7], $0x40, s22, s4, $0xb8;
	[tilespmem:$0x1C890] =	vst v63  }
0x12d: {  	_ = 	snop  }
0x12e: {  	[spmem:s3] =	stream.indirect.scatter.add.bf16 [tilespmem:s28], [sflag:$0xC], $0x10, s22, s4, $0xb8;
	[tilespmem:$0x1C890] =	vst v63  }
0x12f: {  	_ =	swait.ge [sflag:s6], $0x1400  }
0x130: {  	[sflag:s6] =	ssyncset.done $0x0  }
0x131: {  	[sflag:s6] =	ssyncadd.s32 $0xFFFFEC00  }
0x132: {  	_ =	swait.ge [sflag:s7], $0x500  }
0x133: {  	[sflag:s7] =	ssyncset.done $0x0  }
0x134: {  	s17 =	simm.s32 @!p2 $0xC530;
	s18 =	simm.s32 @!p2 $0x17390;
	[sflag:s7] =	ssyncadd.s32 $0xFFFFFB00  }
0x135: {  	[tilespmem:s18], [sflag:$0x2] =	stream.indirect.gather @!p2 [hbm4b:s1+s21], $0x40, s17, s21, $0xb8;
	[tilespmem:$0x1C890] =	vst v63  }
0x136: {  	_ =	swait.ge [sflag:s13], $0x1400  }
0x137: {  	[sflag:s13] =	ssyncset.done $0x0  }
0x138: {  	s23 =	simm.s32 $0x11210;
	[sflag:s13] =	ssyncadd.s32 $0xFFFFEC00  }
0x139: {  	[spmem:s2] =	stream.indirect.scatter.add.bf16 [tilespmem:s20], [sflag:$0x8], $0x40, s23, s4, $0xb8;
	[tilespmem:$0x1C890] =	vst v63  }
0x13a: {  	_ = 	snop  }
0x13b: {  	[spmem:s3] =	stream.indirect.scatter.add.bf16 [tilespmem:s28], [sflag:$0xD], $0x10, s23, s4, $0xb8;
	[tilespmem:$0x1C890] =	vst v63  }
0x13c: {  	_ =	swait.ge [sflag:s14], $0x1400  }
0x13d: {  	[sflag:s14] =	ssyncset.done $0x0  }
0x13e: {  	[sflag:s14] =	ssyncadd.s32 $0xFFFFEC00  }
0x13f: {  	_ =	swait.ge [sflag:s8], $0x500  }
0x140: {  	[sflag:s8] =	ssyncset.done $0x0  }
0x141: {  	s17 =	simm.s32 @!p2 $0xC580;
	s18 =	simm.s32 @!p2 $0x18790;
	[sflag:s8] =	ssyncadd.s32 $0xFFFFFB00  }
0x142: {  	[tilespmem:s18], [sflag:$0x3] =	stream.indirect.gather @!p2 [hbm4b:s1+s21], $0x40, s17, s21, $0xb8;
	[tilespmem:$0x1C890] =	vst v63  }
0x143: {  	_ =	swait.ge [sflag:s29], $0x1400  }
0x144: {  	[sflag:s29] =	ssyncset.done $0x0  }
0x145: {  	s26 =	simm.s32 $0x11260;
	[sflag:s29] =	ssyncadd.s32 $0xFFFFEC00  }
0x146: {  	[spmem:s2] =	stream.indirect.scatter.add.bf16 [tilespmem:s30], [sflag:$0x9], $0x40, s26, s4, $0xb8;
	[tilespmem:$0x1C890] =	vst v63  }
0x147: {  	_ = 	snop  }
0x148: {  	[spmem:s3] =	stream.indirect.scatter.add.bf16 [tilespmem:s28], [sflag:$0xE], $0x10, s26, s4, $0xb8;
	[tilespmem:$0x1C890] =	vst v63  }
0x149: {  	_ =	swait.ge [sflag:s15], $0x1400  }
0x14a: {  	[sflag:s15] =	ssyncset.done $0x0  }
0x14b: {  	[sflag:s15] =	ssyncadd.s32 $0xFFFFEC00  }
0x14c: {  	_ =	swait.ge [sflag:s9], $0x500  }
0x14d: {  	[sflag:s9] =	ssyncset.done $0x0  }
0x14e: {  	s17 =	simm.s32 @!p2 $0xC5D0;
	s18 =	simm.s32 @!p2 $0x19B90;
	[sflag:s9] =	ssyncadd.s32 $0xFFFFFB00  }
0x14f: {  	[tilespmem:s18], [sflag:$0x4] =	stream.indirect.gather @!p2 [hbm4b:s1+s21], $0x40, s17, s21, $0xb8;
	[tilespmem:$0x1C890] =	vst v63  }
0x150: {  	p6 =	por $0x0, $0x0;
	_ =	swait.ge [sflag:s16], $0x1400  }
0x151: {  	s23 =	simm.s32 $0x640;
	s17 =	simm.s32 $0x112B0;
	[sflag:s16] =	ssyncset.done $0x0  }
0x152: {  	s21 =	simm.s32 $0xC80;
	p2 =	por p6, p6;
	[sflag:s16] =	ssyncadd.s32 $0xFFFFEC00  }
0x153: {  	[spmem:s2] =	stream.indirect.scatter.add.bf16 [tilespmem:s10], [sflag:$0xA], $0x40, s17, s4, $0xb8;
	[tilespmem:$0x1C890] =	vst v63  }
.LBB2_7:
0x154: {  	[spmem:s3] =	stream.indirect.scatter.add.bf16 [tilespmem:s28], [sflag:$0xF], $0x10, s17, s4, $0xb8;
	[tilespmem:$0x1C890] =	vst v63  }
0x155: {  	s5 =	smov.u32 s21  }
0x156: {  	s21 =	sadd.s32 $0x640, s21;
	s17 =	simm.s32 @!p2 $0xA;
	p4 =	seq.s32 s5, $0x0  }
0x157: {  	p3 =	sne.s32 s21, $0x13880;
	_ =	swait.ge @!p2 [sflag:s17], $0x1400  }
0x158: {  	[sflag:s17] =	ssyncset.done @!p2 $0x0  }
0x159: {  	s18 =	simm.s32 @!p2 $0xF;
	[sflag:s17] =	ssyncadd.s32 @!p2 $0xFFFFEC00  }
0x15a: {  	_ =	swait.ge @!p2 [sflag:s18], $0x500  }
0x15b: {  	s17 =	sshra.s32 s23, $0x2;
	[sflag:s18] =	ssyncset.done @!p2 $0x0  }
0x15c: {  	[sflag:s18] =	ssyncadd.s32 @!p2 $0xFFFFFB00;
	s18 =	sadd.s32 $0xC490, s17;
	p2 =	por p4, p4  }
0x15d: {  	[tilespmem:s10], [sflag:$0x5] =	stream.indirect.gather [hbm4b:s1+s4], $0x40, s18, s4, $0xb8;
	[tilespmem:$0x1C890] =	vst v63  }
0x15e: {  	_ =	swait.ge [sflag:s31], $0x1400  }
0x15f: {  	[sflag:s31] =	ssyncset.done $0x0  }
0x160: {  	s18 =	sadd.s32 $0x11170, s17;
	[sflag:s31] =	ssyncadd.s32 $0xFFFFEC00  }
0x161: {  	[spmem:s2] =	stream.indirect.scatter.add.bf16 [tilespmem:s25], [sflag:$0x6], $0x40, s18, s4, $0xb8;
	[tilespmem:$0x1C890] =	vst v63  }
0x162: {  	_ = 	snop  }
0x163: {  	[spmem:s3] =	stream.indirect.scatter.add.bf16 [tilespmem:s28], [sflag:$0xB], $0x10, s18, s4, $0xb8;
	[tilespmem:$0x1C890] =	vst v63  }
0x164: {  	_ =	swait.ge [sflag:s0], $0x1400  }
0x165: {  	[sflag:s0] =	ssyncset.done $0x0  }
0x166: {  	[sflag:s0] =	ssyncadd.s32 $0xFFFFEC00  }
0x167: {  	p4 =	seq.s32 s23, $0x13240;
	_ =	swait.ge [sflag:s11], $0x500  }
0x168: {  	s18 =	sshra.s32 @!p4 s23, $0x2;
	s23 =	simm.s32 @!p4 $0x15F90;
	[sflag:s11] =	ssyncset.done $0x0  }
0x169: {  	s22 =	simm.s32 @!p4 $0x50;
	s26 =	sadd.s32 @!p4 $0xC4E0, s18;
	[sflag:s11] =	ssyncadd.s32 $0xFFFFFB00  }
0x16a: {  	[tilespmem:s23], [sflag:$0x1] =	stream.indirect.gather @!p4 [hbm4b:s1+s22], $0x40, s26, s22, $0xb8;
	[tilespmem:$0x1C890] =	vst v63  }
0x16b: {  	s25 =	sadd.s32 @!p4 $0xC580, s18;
	s26 =	sadd.s32 @!p4 $0xC530, s18;
	_ =	swait.ge [sflag:s12], $0x1400  }
0x16c: {  	s18 =	sadd.s32 @!p4 $0xC5D0, s18;
	s23 =	smov.u32 s5;
	[sflag:s12] =	ssyncset.done $0x0  }
0x16d: {  	s5 =	sadd.s32 $0x111C0, s17;
	[sflag:s12] =	ssyncadd.s32 $0xFFFFEC00  }
0x16e: {  	[spmem:s2] =	stream.indirect.scatter.add.bf16 [tilespmem:s19], [sflag:$0x7], $0x40, s5, s4, $0xb8;
	[tilespmem:$0x1C890] =	vst v63  }
0x16f: {  	_ = 	snop  }
0x170: {  	[spmem:s3] =	stream.indirect.scatter.add.bf16 [tilespmem:s28], [sflag:$0xC], $0x10, s5, s4, $0xb8;
	[tilespmem:$0x1C890] =	vst v63  }
0x171: {  	_ =	swait.ge [sflag:s6], $0x1400  }
0x172: {  	[sflag:s6] =	ssyncset.done $0x0  }
0x173: {  	[sflag:s6] =	ssyncadd.s32 $0xFFFFEC00  }
0x174: {  	_ =	swait.ge [sflag:s7], $0x500  }
0x175: {  	[sflag:s7] =	ssyncset.done $0x0  }
0x176: {  	s5 =	simm.s32 @!p4 $0x17390;
	[sflag:s7] =	ssyncadd.s32 $0xFFFFFB00  }
0x177: {  	[tilespmem:s5], [sflag:$0x2] =	stream.indirect.gather @!p4 [hbm4b:s1+s22], $0x40, s26, s22, $0xb8;
	[tilespmem:$0x1C890] =	vst v63  }
0x178: {  	_ =	swait.ge [sflag:s13], $0x1400  }
0x179: {  	[sflag:s13] =	ssyncset.done $0x0  }
0x17a: {  	s5 =	sadd.s32 $0x11210, s17;
	[sflag:s13] =	ssyncadd.s32 $0xFFFFEC00  }
0x17b: {  	[spmem:s2] =	stream.indirect.scatter.add.bf16 [tilespmem:s20], [sflag:$0x8], $0x40, s5, s4, $0xb8;
	[tilespmem:$0x1C890] =	vst v63  }
0x17c: {  	_ = 	snop  }
0x17d: {  	[spmem:s3] =	stream.indirect.scatter.add.bf16 [tilespmem:s28], [sflag:$0xD], $0x10, s5, s4, $0xb8;
	[tilespmem:$0x1C890] =	vst v63  }
0x17e: {  	_ =	swait.ge [sflag:s14], $0x1400  }
0x17f: {  	[sflag:s14] =	ssyncset.done $0x0  }
0x180: {  	[sflag:s14] =	ssyncadd.s32 $0xFFFFEC00  }
0x181: {  	_ =	swait.ge [sflag:s8], $0x500  }
0x182: {  	[sflag:s8] =	ssyncset.done $0x0  }
0x183: {  	s5 =	simm.s32 @!p4 $0x18790;
	[sflag:s8] =	ssyncadd.s32 $0xFFFFFB00  }
0x184: {  	[tilespmem:s5], [sflag:$0x3] =	stream.indirect.gather @!p4 [hbm4b:s1+s22], $0x40, s25, s22, $0xb8;
	[tilespmem:$0x1C890] =	vst v63  }
0x185: {  	s25 =	simm.s32 $0x15F90  }
0x186: {  	_ =	swait.ge [sflag:s29], $0x1400  }
0x187: {  	[sflag:s29] =	ssyncset.done $0x0  }
0x188: {  	s5 =	sadd.s32 $0x11260, s17;
	[sflag:s29] =	ssyncadd.s32 $0xFFFFEC00  }
0x189: {  	[spmem:s2] =	stream.indirect.scatter.add.bf16 [tilespmem:s30], [sflag:$0x9], $0x40, s5, s4, $0xb8;
	[tilespmem:$0x1C890] =	vst v63  }
0x18a: {  	_ = 	snop  }
0x18b: {  	[spmem:s3] =	stream.indirect.scatter.add.bf16 [tilespmem:s28], [sflag:$0xE], $0x10, s5, s4, $0xb8;
	[tilespmem:$0x1C890] =	vst v63  }
0x18c: {  	_ =	swait.ge [sflag:s15], $0x1400  }
0x18d: {  	[sflag:s15] =	ssyncset.done $0x0  }
0x18e: {  	[sflag:s15] =	ssyncadd.s32 $0xFFFFEC00  }
0x18f: {  	_ =	swait.ge [sflag:s9], $0x500  }
0x190: {  	[sflag:s9] =	ssyncset.done $0x0  }
0x191: {  	s5 =	simm.s32 @!p4 $0x19B90;
	[sflag:s9] =	ssyncadd.s32 $0xFFFFFB00  }
0x192: {  	[tilespmem:s5], [sflag:$0x4] =	stream.indirect.gather @!p4 [hbm4b:s1+s22], $0x40, s18, s22, $0xb8;
	[tilespmem:$0x1C890] =	vst v63  }
.Ltmp5:
0x193: {  	_ = 	snop;
	(pc) =	sbr.rel @p3 .LBB2_7-.Ltmp5, $4  }
0x194: {  	_ =	swait.ge [sflag:s16], $0x1400  }
0x195: {  	[sflag:s16] =	ssyncset.done $0x0  }
0x196: {  	s17 =	sadd.s32 $0x112B0, s17;
	[sflag:s16] =	ssyncadd.s32 $0xFFFFEC00  }
0x197: {  	[spmem:s2] =	stream.indirect.scatter.add.bf16 [tilespmem:s10], [sflag:$0xA], $0x40, s17, s4, $0xb8;
	[tilespmem:$0x1C890] =	vst v63  }
0x198: {  	[spmem:s3] =	stream.indirect.scatter.add.bf16 [tilespmem:s28], [sflag:$0xF], $0x10, s17, s4, $0xb8;
	[tilespmem:$0x1C890] =	vst v63  }
0x199: {  	s5 =	simm.s32 @!p2 $0xA  }
0x19a: {  	_ =	swait.ge @!p2 [sflag:s5], $0x1400  }
0x19b: {  	[sflag:s5] =	ssyncset.done @!p2 $0x0  }
0x19c: {  	[sflag:s5] =	ssyncadd.s32 @!p2 $0xFFFFEC00;
	s5 =	simm.s32 @!p2 $0xF  }
0x19d: {  	_ =	swait.ge @!p2 [sflag:s5], $0x500  }
0x19e: {  	s17 =	sshra.s32 s23, $0x2;
	[sflag:s5] =	ssyncset.done @!p2 $0x0  }
0x19f: {  	s21 =	sadd.s32 $0xC490, s17;
	[sflag:s5] =	ssyncadd.s32 @!p2 $0xFFFFFB00  }
0x1a0: {  	[tilespmem:s10], [sflag:$0x5] =	stream.indirect.gather [hbm4b:s1+s4], $0x40, s21, s4, $0xb8;
	[tilespmem:$0x1C890] =	vst v63  }
0x1a1: {  	_ =	swait.ge [sflag:s31], $0x1400  }
0x1a2: {  	[sflag:s31] =	ssyncset.done $0x0  }
0x1a3: {  	s22 =	sadd.s32 $0x11170, s17;
	[sflag:s31] =	ssyncadd.s32 $0xFFFFEC00  }
0x1a4: {  	[spmem:s2] =	stream.indirect.scatter.add.bf16 [tilespmem:s25], [sflag:$0x6], $0x40, s22, s4, $0xb8;
	[tilespmem:$0x1C890] =	vst v63  }
0x1a5: {  	_ = 	snop  }
0x1a6: {  	[spmem:s3] =	stream.indirect.scatter.add.bf16 [tilespmem:s28], [sflag:$0xB], $0x10, s22, s4, $0xb8;
	[tilespmem:$0x1C890] =	vst v63  }
0x1a7: {  	_ =	swait.ge [sflag:s0], $0x1400  }
0x1a8: {  	[sflag:s0] =	ssyncset.done $0x0  }
0x1a9: {  	[sflag:s0] =	ssyncadd.s32 $0xFFFFEC00  }
0x1aa: {  	p2 =	seq.s32 s23, $0x13240;
	_ =	swait.ge [sflag:s11], $0x500  }
0x1ab: {  	s5 =	sshra.s32 @!p2 s23, $0x2;
	s18 =	simm.s32 @!p2 $0x15F90;
	[sflag:s11] =	ssyncset.done $0x0  }
0x1ac: {  	s21 =	sadd.s32 @!p2 $0xC4E0, s5;
	s22 =	simm.s32 @!p2 $0x50;
	[sflag:s11] =	ssyncadd.s32 $0xFFFFFB00  }
0x1ad: {  	[tilespmem:s18], [sflag:$0x1] =	stream.indirect.gather @!p2 [hbm4b:s1+s22], $0x40, s21, s22, $0xb8;
	[tilespmem:$0x1C890] =	vst v63  }
0x1ae: {  	_ =	swait.ge [sflag:s12], $0x1400  }
0x1af: {  	[sflag:s12] =	ssyncset.done $0x0  }
0x1b0: {  	s23 =	sadd.s32 $0x111C0, s17;
	[sflag:s12] =	ssyncadd.s32 $0xFFFFEC00  }
0x1b1: {  	[spmem:s2] =	stream.indirect.scatter.add.bf16 [tilespmem:s19], [sflag:$0x7], $0x40, s23, s4, $0xb8;
	[tilespmem:$0x1C890] =	vst v63  }
0x1b2: {  	_ = 	snop  }
0x1b3: {  	[spmem:s3] =	stream.indirect.scatter.add.bf16 [tilespmem:s28], [sflag:$0xC], $0x10, s23, s4, $0xb8;
	[tilespmem:$0x1C890] =	vst v63  }
0x1b4: {  	_ =	swait.ge [sflag:s6], $0x1400  }
0x1b5: {  	[sflag:s6] =	ssyncset.done $0x0  }
0x1b6: {  	[sflag:s6] =	ssyncadd.s32 $0xFFFFEC00  }
0x1b7: {  	_ =	swait.ge [sflag:s7], $0x500  }
0x1b8: {  	[sflag:s7] =	ssyncset.done $0x0  }
0x1b9: {  	s18 =	sadd.s32 @!p2 $0xC530, s5;
	s21 =	simm.s32 @!p2 $0x17390;
	[sflag:s7] =	ssyncadd.s32 $0xFFFFFB00  }
0x1ba: {  	[tilespmem:s21], [sflag:$0x2] =	stream.indirect.gather @!p2 [hbm4b:s1+s22], $0x40, s18, s22, $0xb8;
	[tilespmem:$0x1C890] =	vst v63  }
0x1bb: {  	_ =	swait.ge [sflag:s13], $0x1400  }
0x1bc: {  	[sflag:s13] =	ssyncset.done $0x0  }
0x1bd: {  	s26 =	sadd.s32 $0x11210, s17;
	[sflag:s13] =	ssyncadd.s32 $0xFFFFEC00  }
0x1be: {  	[spmem:s2] =	stream.indirect.scatter.add.bf16 [tilespmem:s20], [sflag:$0x8], $0x40, s26, s4, $0xb8;
	[tilespmem:$0x1C890] =	vst v63  }
0x1bf: {  	_ = 	snop  }
0x1c0: {  	[spmem:s3] =	stream.indirect.scatter.add.bf16 [tilespmem:s28], [sflag:$0xD], $0x10, s26, s4, $0xb8;
	[tilespmem:$0x1C890] =	vst v63  }
0x1c1: {  	_ =	swait.ge [sflag:s14], $0x1400  }
0x1c2: {  	[sflag:s14] =	ssyncset.done $0x0  }
0x1c3: {  	[sflag:s14] =	ssyncadd.s32 $0xFFFFEC00  }
0x1c4: {  	_ =	swait.ge [sflag:s8], $0x500  }
0x1c5: {  	[sflag:s8] =	ssyncset.done $0x0  }
0x1c6: {  	s18 =	sadd.s32 @!p2 $0xC580, s5;
	s21 =	simm.s32 @!p2 $0x18790;
	[sflag:s8] =	ssyncadd.s32 $0xFFFFFB00  }
0x1c7: {  	[tilespmem:s21], [sflag:$0x3] =	stream.indirect.gather @!p2 [hbm4b:s1+s22], $0x40, s18, s22, $0xb8;
	[tilespmem:$0x1C890] =	vst v63  }
0x1c8: {  	_ =	swait.ge [sflag:s29], $0x1400  }
0x1c9: {  	[sflag:s29] =	ssyncset.done $0x0  }
0x1ca: {  	s21 =	sadd.s32 $0x11260, s17;
	[sflag:s29] =	ssyncadd.s32 $0xFFFFEC00  }
0x1cb: {  	[spmem:s2] =	stream.indirect.scatter.add.bf16 [tilespmem:s30], [sflag:$0x9], $0x40, s21, s4, $0xb8;
	[tilespmem:$0x1C890] =	vst v63  }
0x1cc: {  	_ = 	snop  }
0x1cd: {  	[spmem:s3] =	stream.indirect.scatter.add.bf16 [tilespmem:s28], [sflag:$0xE], $0x10, s21, s4, $0xb8;
	[tilespmem:$0x1C890] =	vst v63  }
0x1ce: {  	_ =	swait.ge [sflag:s15], $0x1400  }
0x1cf: {  	[sflag:s15] =	ssyncset.done $0x0  }
0x1d0: {  	[sflag:s15] =	ssyncadd.s32 $0xFFFFEC00  }
0x1d1: {  	_ =	swait.ge [sflag:s9], $0x500  }
0x1d2: {  	[sflag:s9] =	ssyncset.done $0x0  }
0x1d3: {  	s5 =	sadd.s32 @!p2 $0xC5D0, s5;
	s18 =	simm.s32 @!p2 $0x19B90;
	[sflag:s9] =	ssyncadd.s32 $0xFFFFFB00  }
0x1d4: {  	[tilespmem:s18], [sflag:$0x4] =	stream.indirect.gather @!p2 [hbm4b:s1+s22], $0x40, s5, s22, $0xb8;
	[tilespmem:$0x1C890] =	vst v63  }
0x1d5: {  	_ =	swait.ge [sflag:s16], $0x1400  }
0x1d6: {  	[sflag:s16] =	ssyncset.done $0x0  }
0x1d7: {  	s22 =	sadd.s32 $0x112B0, s17;
	[sflag:s16] =	ssyncadd.s32 $0xFFFFEC00  }
0x1d8: {  	[spmem:s2] =	stream.indirect.scatter.add.bf16 [tilespmem:s10], [sflag:$0xA], $0x40, s22, s4, $0xb8;
	[tilespmem:$0x1C890] =	vst v63  }
0x1d9: {  	s23 =	simm.s32 $0xA  }
0x1da: {  	[spmem:s3] =	stream.indirect.scatter.add.bf16 [tilespmem:s28], [sflag:$0xF], $0x10, s22, s4, $0xb8;
	[tilespmem:$0x1C890] =	vst v63  }
0x1db: {  	_ =	swait.ge [sflag:s23], $0x1400  }
0x1dc: {  	[sflag:s23] =	ssyncset.done $0x0  }
0x1dd: {  	s26 =	simm.s32 $0xF;
	[sflag:s23] =	ssyncadd.s32 $0xFFFFEC00  }
0x1de: {  	_ =	swait.ge [sflag:s26], $0x500  }
0x1df: {  	[sflag:s26] =	ssyncset.done $0x0  }
0x1e0: {  	[sflag:s26] =	ssyncadd.s32 $0xFFFFFB00  }
0x1e1: {  	[bflag:$0x0] =	sbarrier.arrive $0xFFFF  }
0x1e2: {  	s18 =	sld [smem:$0x7F2];
	_ =	sdelay $0x1  }
0x1e3: {  	s5 =	simm.s32 @p0 $0x1FD0;
	s17 =	rddreg [dreg:$0x1a]  }
0x1e4: {  	[hbm:s17], [sflag:s5] =	dma.local @p0 [spmem:s18], $0xC80  }
0x1e5: {  	s17 =	simm.s32 @p0 $0x10  }
0x1e6: {  	_ =	swait.ge @p0 [sflag:s17], $0xC80  }
0x1e7: {  	s21 =	sld [smem:$0x7F3]  }
0x1e8: {  	[sflag:s17] =	ssyncset.done @p0 $0x0  }
0x1e9: {  	s18 =	rddreg [dreg:$0x1b];
	[sflag:s17] =	ssyncadd.s32 @p0 $0xFFFFF380  }
0x1ea: {  	[hbm:s18], [sflag:s5] =	dma.local @p0 [spmem:s21], $0x320  }
0x1eb: {  	_ =	swait.ge @p0 [sflag:s17], $0x320  }
0x1ec: {  	[sflag:s17] =	ssyncset.done @p0 $0x0;
	s21 =	sld [smem:$0x7F6]  }
0x1ed: {  	[sflag:s17] =	ssyncadd.s32 @p0 $0xFFFFFCE0;
	s17 =	sld [smem:$0x7F4];
	_ =	sdelay $0x1  }
0x1ee: {  	s5 =	rddreg [dreg:$0x15]  }
0x1ef: {  	[hbm:s5], [sflag:s21] =	dma.local @!p0 [spmem:s17], $0x1400  }
0x1f0: {  	s5 =	simm.s32 @!p0 $0x10  }
0x1f1: {  	_ =	swait.ge @!p0 [sflag:s5], $0x1400  }
0x1f2: {  	s18 =	sld [smem:$0x7F5]  }
0x1f3: {  	[sflag:s5] =	ssyncset.done @!p0 $0x0  }
.Ltmp6:
0x1f4: {  	s17 =	rddreg [dreg:$0x17];
	[sflag:s5] =	ssyncadd.s32 @!p0 $0xFFFFEC00;
	(pc) =	sbr.rel .LBB2_12-.Ltmp6, $4  }
0x1f5: {  	[hbm:s17], [sflag:s21] =	dma.local @!p0 [spmem:s18], $0x500  }
0x1f6: {  	_ =	swait.ge @!p0 [sflag:s5], $0x500  }
0x1f7: {  	[sflag:s5] =	ssyncset.done @!p0 $0x0  }
0x1f8: {  	s17 =	rddreg [dreg:$0x5];
	[sflag:s5] =	ssyncadd.s32 @!p0 $0xFFFFFB00  }
.LBB2_9:
0x1f9: {  	s5 =	simm.s32 $0x0;
	s17 =	rddreg [dreg:$0x6];
	s18 =	simm.s32 $0xC350  }
0x1fa: {  	[tilespmem:s18], [sflag:$0x10] =	stream.linear.gather [hbm4b:s17+s5], $0x4E20, $0x38;
	[tilespmem:$0x1C890] =	vst v63  }
0x1fb: {  	_ =	swait.ge [sflag:s22], $0x4E20  }
0x1fc: {  	[sflag:s22] =	ssyncset.done $0x0  }
0x1fd: {  	s21 =	simm.s32 $0x11170;
	s26 =	rddreg [dreg:$0x7];
	[sflag:s22] =	ssyncadd.s32 $0xFFFFB1E0  }
0x1fe: {  	[tilespmem:s21], [sflag:$0x10] =	stream.linear.gather [hbm4b:s26+s5], $0x4E20, $0x38;
	[tilespmem:$0x1C890] =	vst v63  }
0x1ff: {  	_ =	swait.ge [sflag:s22], $0x4E20  }
0x200: {  	[sflag:s22] =	ssyncset.done $0x0  }
0x201: {  	[sflag:s22] =	ssyncadd.s32 $0xFFFFB1E0  }
0x202: {  	[tilespmem:s25], [sflag:$0x1] =	stream.indirect.gather [hbm4b:s24+s4], $0x40, s18, s4, $0xb8;
	[tilespmem:$0x1C890] =	vst v63  }
0x203: {  	s23 =	simm.s32 $0xC3A0;
	p2 =	por $0x1, $0x1  }
0x204: {  	[tilespmem:s19], [sflag:$0x2] =	stream.indirect.gather [hbm4b:s24+s4], $0x40, s23, s4, $0xb8;
	[tilespmem:$0x1C890] =	vst v63  }
0x205: {  	p2 =	por p2, p2;
	s26 =	simm.s32 $0xC3F0  }
0x206: {  	[tilespmem:s20], [sflag:$0x3] =	stream.indirect.gather [hbm4b:s24+s4], $0x40, s26, s4, $0xb8;
	[tilespmem:$0x1C890] =	vst v63  }
0x207: {  	s17 =	simm.s32 $0xC440;
	s5 =	simm.s32 @!p2 $0xA  }
0x208: {  	[tilespmem:s30], [sflag:$0x4] =	stream.indirect.gather [hbm4b:s24+s4], $0x40, s17, s4, $0xb8;
	[tilespmem:$0x1C890] =	vst v63  }
0x209: {  	_ =	swait.ge @!p2 [sflag:s5], $0x1400  }
0x20a: {  	[sflag:s5] =	ssyncset.done @!p2 $0x0  }
0x20b: {  	[sflag:s5] =	ssyncadd.s32 @!p2 $0xFFFFEC00;
	s5 =	simm.s32 @!p2 $0xF  }
0x20c: {  	_ =	swait.ge @!p2 [sflag:s5], $0x500  }
0x20d: {  	[sflag:s5] =	ssyncset.done @!p2 $0x0  }
0x20e: {  	s18 =	simm.s32 $0xC490;
	[sflag:s5] =	ssyncadd.s32 @!p2 $0xFFFFFB00  }
0x20f: {  	[tilespmem:s10], [sflag:$0x5] =	stream.indirect.gather [hbm4b:s24+s4], $0x40, s18, s4, $0xb8;
	[tilespmem:$0x1C890] =	vst v63  }
0x210: {  	_ =	swait.ge [sflag:s31], $0x1400  }
0x211: {  	[sflag:s31] =	ssyncset.done $0x0  }
0x212: {  	s21 =	simm.s32 $0x11170;
	[sflag:s31] =	ssyncadd.s32 $0xFFFFEC00  }
0x213: {  	[spmem:s2] =	stream.indirect.scatter.add.bf16 [tilespmem:s25], [sflag:$0x6], $0x40, s21, s4, $0xb8;
	[tilespmem:$0x1C890] =	vst v63  }
0x214: {  	_ = 	snop  }
0x215: {  	[spmem:s3] =	stream.indirect.scatter.add.bf16 [tilespmem:s28], [sflag:$0xB], $0x10, s21, s4, $0xb8;
	[tilespmem:$0x1C890] =	vst v63  }
0x216: {  	_ =	swait.ge [sflag:s0], $0x1400  }
0x217: {  	[sflag:s0] =	ssyncset.done $0x0  }
0x218: {  	[sflag:s0] =	ssyncadd.s32 $0xFFFFEC00  }
0x219: {  	p2 =	por $0x0, $0x0;
	_ =	swait.ge [sflag:s11], $0x500  }
0x21a: {  	s5 =	simm.s32 @!p2 $0x15F90;
	[sflag:s11] =	ssyncset.done $0x0  }
0x21b: {  	s17 =	simm.s32 @!p2 $0xC4E0;
	s18 =	simm.s32 @!p2 $0x50;
	[sflag:s11] =	ssyncadd.s32 $0xFFFFFB00  }
0x21c: {  	[tilespmem:s5], [sflag:$0x1] =	stream.indirect.gather @!p2 [hbm4b:s24+s18], $0x40, s17, s18, $0xb8;
	[tilespmem:$0x1C890] =	vst v63  }
0x21d: {  	_ =	swait.ge [sflag:s12], $0x1400  }
0x21e: {  	[sflag:s12] =	ssyncset.done $0x0  }
0x21f: {  	s22 =	simm.s32 $0x111C0;
	[sflag:s12] =	ssyncadd.s32 $0xFFFFEC00  }
0x220: {  	[spmem:s2] =	stream.indirect.scatter.add.bf16 [tilespmem:s19], [sflag:$0x7], $0x40, s22, s4, $0xb8;
	[tilespmem:$0x1C890] =	vst v63  }
0x221: {  	_ = 	snop  }
0x222: {  	[spmem:s3] =	stream.indirect.scatter.add.bf16 [tilespmem:s28], [sflag:$0xC], $0x10, s22, s4, $0xb8;
	[tilespmem:$0x1C890] =	vst v63  }
0x223: {  	_ =	swait.ge [sflag:s6], $0x1400  }
0x224: {  	[sflag:s6] =	ssyncset.done $0x0  }
0x225: {  	[sflag:s6] =	ssyncadd.s32 $0xFFFFEC00  }
0x226: {  	_ =	swait.ge [sflag:s7], $0x500  }
0x227: {  	[sflag:s7] =	ssyncset.done $0x0  }
0x228: {  	s5 =	simm.s32 @!p2 $0xC530;
	s17 =	simm.s32 @!p2 $0x17390;
	[sflag:s7] =	ssyncadd.s32 $0xFFFFFB00  }
0x229: {  	[tilespmem:s17], [sflag:$0x2] =	stream.indirect.gather @!p2 [hbm4b:s24+s18], $0x40, s5, s18, $0xb8;
	[tilespmem:$0x1C890] =	vst v63  }
0x22a: {  	_ =	swait.ge [sflag:s13], $0x1400  }
0x22b: {  	[sflag:s13] =	ssyncset.done $0x0  }
0x22c: {  	s23 =	simm.s32 $0x11210;
	[sflag:s13] =	ssyncadd.s32 $0xFFFFEC00  }
0x22d: {  	[spmem:s2] =	stream.indirect.scatter.add.bf16 [tilespmem:s20], [sflag:$0x8], $0x40, s23, s4, $0xb8;
	[tilespmem:$0x1C890] =	vst v63  }
0x22e: {  	_ = 	snop  }
0x22f: {  	[spmem:s3] =	stream.indirect.scatter.add.bf16 [tilespmem:s28], [sflag:$0xD], $0x10, s23, s4, $0xb8;
	[tilespmem:$0x1C890] =	vst v63  }
0x230: {  	_ =	swait.ge [sflag:s14], $0x1400  }
0x231: {  	[sflag:s14] =	ssyncset.done $0x0  }
0x232: {  	[sflag:s14] =	ssyncadd.s32 $0xFFFFEC00  }
0x233: {  	_ =	swait.ge [sflag:s8], $0x500  }
0x234: {  	[sflag:s8] =	ssyncset.done $0x0  }
0x235: {  	s5 =	simm.s32 @!p2 $0xC580;
	s17 =	simm.s32 @!p2 $0x18790;
	[sflag:s8] =	ssyncadd.s32 $0xFFFFFB00  }
0x236: {  	[tilespmem:s17], [sflag:$0x3] =	stream.indirect.gather @!p2 [hbm4b:s24+s18], $0x40, s5, s18, $0xb8;
	[tilespmem:$0x1C890] =	vst v63  }
0x237: {  	_ =	swait.ge [sflag:s29], $0x1400  }
0x238: {  	[sflag:s29] =	ssyncset.done $0x0  }
0x239: {  	s26 =	simm.s32 $0x11260;
	[sflag:s29] =	ssyncadd.s32 $0xFFFFEC00  }
0x23a: {  	[spmem:s2] =	stream.indirect.scatter.add.bf16 [tilespmem:s30], [sflag:$0x9], $0x40, s26, s4, $0xb8;
	[tilespmem:$0x1C890] =	vst v63  }
0x23b: {  	_ = 	snop  }
0x23c: {  	[spmem:s3] =	stream.indirect.scatter.add.bf16 [tilespmem:s28], [sflag:$0xE], $0x10, s26, s4, $0xb8;
	[tilespmem:$0x1C890] =	vst v63  }
0x23d: {  	_ =	swait.ge [sflag:s15], $0x1400  }
0x23e: {  	[sflag:s15] =	ssyncset.done $0x0  }
0x23f: {  	[sflag:s15] =	ssyncadd.s32 $0xFFFFEC00  }
0x240: {  	_ =	swait.ge [sflag:s9], $0x500  }
0x241: {  	[sflag:s9] =	ssyncset.done $0x0  }
0x242: {  	s5 =	simm.s32 @!p2 $0xC5D0;
	s17 =	simm.s32 @!p2 $0x19B90;
	[sflag:s9] =	ssyncadd.s32 $0xFFFFFB00  }
0x243: {  	[tilespmem:s17], [sflag:$0x4] =	stream.indirect.gather @!p2 [hbm4b:s24+s18], $0x40, s5, s18, $0xb8;
	[tilespmem:$0x1C890] =	vst v63  }
0x244: {  	p6 =	por $0x0, $0x0;
	_ =	swait.ge [sflag:s16], $0x1400  }
0x245: {  	s21 =	simm.s32 $0xC80;
	s23 =	simm.s32 $0x640;
	[sflag:s16] =	ssyncset.done $0x0  }
0x246: {  	s17 =	simm.s32 $0x112B0;
	p2 =	por p6, p6;
	[sflag:s16] =	ssyncadd.s32 $0xFFFFEC00  }
0x247: {  	[spmem:s2] =	stream.indirect.scatter.add.bf16 [tilespmem:s10], [sflag:$0xA], $0x40, s17, s4, $0xb8;
	[tilespmem:$0x1C890] =	vst v63  }
.LBB2_10:
0x248: {  	[spmem:s3] =	stream.indirect.scatter.add.bf16 [tilespmem:s28], [sflag:$0xF], $0x10, s17, s4, $0xb8;
	[tilespmem:$0x1C890] =	vst v63  }
0x249: {  	s5 =	smov.u32 s21  }
0x24a: {  	s21 =	sadd.s32 $0x640, s21;
	s17 =	simm.s32 @!p2 $0xA;
	p4 =	seq.s32 s5, $0x0  }
0x24b: {  	p3 =	sne.s32 s21, $0x13880;
	_ =	swait.ge @!p2 [sflag:s17], $0x1400  }
0x24c: {  	[sflag:s17] =	ssyncset.done @!p2 $0x0  }
0x24d: {  	s18 =	simm.s32 @!p2 $0xF;
	[sflag:s17] =	ssyncadd.s32 @!p2 $0xFFFFEC00  }
0x24e: {  	_ =	swait.ge @!p2 [sflag:s18], $0x500  }
0x24f: {  	s17 =	sshra.s32 s23, $0x2;
	[sflag:s18] =	ssyncset.done @!p2 $0x0  }
0x250: {  	[sflag:s18] =	ssyncadd.s32 @!p2 $0xFFFFFB00;
	s18 =	sadd.s32 $0xC490, s17;
	p2 =	por p4, p4  }
0x251: {  	[tilespmem:s10], [sflag:$0x5] =	stream.indirect.gather [hbm4b:s24+s4], $0x40, s18, s4, $0xb8;
	[tilespmem:$0x1C890] =	vst v63  }
0x252: {  	_ =	swait.ge [sflag:s31], $0x1400  }
0x253: {  	[sflag:s31] =	ssyncset.done $0x0  }
0x254: {  	s18 =	sadd.s32 $0x11170, s17;
	[sflag:s31] =	ssyncadd.s32 $0xFFFFEC00  }
0x255: {  	[spmem:s2] =	stream.indirect.scatter.add.bf16 [tilespmem:s25], [sflag:$0x6], $0x40, s18, s4, $0xb8;
	[tilespmem:$0x1C890] =	vst v63  }
0x256: {  	_ = 	snop  }
0x257: {  	[spmem:s3] =	stream.indirect.scatter.add.bf16 [tilespmem:s28], [sflag:$0xB], $0x10, s18, s4, $0xb8;
	[tilespmem:$0x1C890] =	vst v63  }
0x258: {  	_ =	swait.ge [sflag:s0], $0x1400  }
0x259: {  	[sflag:s0] =	ssyncset.done $0x0  }
0x25a: {  	[sflag:s0] =	ssyncadd.s32 $0xFFFFEC00  }
0x25b: {  	p4 =	seq.s32 s23, $0x13240;
	_ =	swait.ge [sflag:s11], $0x500  }
0x25c: {  	s18 =	sshra.s32 @!p4 s23, $0x2;
	s23 =	simm.s32 @!p4 $0x15F90;
	[sflag:s11] =	ssyncset.done $0x0  }
0x25d: {  	s22 =	simm.s32 @!p4 $0x50;
	s25 =	sadd.s32 @!p4 $0xC4E0, s18;
	[sflag:s11] =	ssyncadd.s32 $0xFFFFFB00  }
0x25e: {  	[tilespmem:s23], [sflag:$0x1] =	stream.indirect.gather @!p4 [hbm4b:s24+s22], $0x40, s25, s22, $0xb8;
	[tilespmem:$0x1C890] =	vst v63  }
0x25f: {  	s26 =	sadd.s32 @!p4 $0xC580, s18;
	s25 =	sadd.s32 @!p4 $0xC530, s18;
	_ =	swait.ge [sflag:s12], $0x1400  }
0x260: {  	s18 =	sadd.s32 @!p4 $0xC5D0, s18;
	s23 =	smov.u32 s5;
	[sflag:s12] =	ssyncset.done $0x0  }
0x261: {  	s5 =	sadd.s32 $0x111C0, s17;
	[sflag:s12] =	ssyncadd.s32 $0xFFFFEC00  }
0x262: {  	[spmem:s2] =	stream.indirect.scatter.add.bf16 [tilespmem:s19], [sflag:$0x7], $0x40, s5, s4, $0xb8;
	[tilespmem:$0x1C890] =	vst v63  }
0x263: {  	_ = 	snop  }
0x264: {  	[spmem:s3] =	stream.indirect.scatter.add.bf16 [tilespmem:s28], [sflag:$0xC], $0x10, s5, s4, $0xb8;
	[tilespmem:$0x1C890] =	vst v63  }
0x265: {  	_ =	swait.ge [sflag:s6], $0x1400  }
0x266: {  	[sflag:s6] =	ssyncset.done $0x0  }
0x267: {  	[sflag:s6] =	ssyncadd.s32 $0xFFFFEC00  }
0x268: {  	_ =	swait.ge [sflag:s7], $0x500  }
0x269: {  	[sflag:s7] =	ssyncset.done $0x0  }
0x26a: {  	s5 =	simm.s32 @!p4 $0x17390;
	[sflag:s7] =	ssyncadd.s32 $0xFFFFFB00  }
0x26b: {  	[tilespmem:s5], [sflag:$0x2] =	stream.indirect.gather @!p4 [hbm4b:s24+s22], $0x40, s25, s22, $0xb8;
	[tilespmem:$0x1C890] =	vst v63  }
0x26c: {  	s25 =	simm.s32 $0x15F90  }
0x26d: {  	_ =	swait.ge [sflag:s13], $0x1400  }
0x26e: {  	[sflag:s13] =	ssyncset.done $0x0  }
0x26f: {  	s5 =	sadd.s32 $0x11210, s17;
	[sflag:s13] =	ssyncadd.s32 $0xFFFFEC00  }
0x270: {  	[spmem:s2] =	stream.indirect.scatter.add.bf16 [tilespmem:s20], [sflag:$0x8], $0x40, s5, s4, $0xb8;
	[tilespmem:$0x1C890] =	vst v63  }
0x271: {  	_ = 	snop  }
0x272: {  	[spmem:s3] =	stream.indirect.scatter.add.bf16 [tilespmem:s28], [sflag:$0xD], $0x10, s5, s4, $0xb8;
	[tilespmem:$0x1C890] =	vst v63  }
0x273: {  	_ =	swait.ge [sflag:s14], $0x1400  }
0x274: {  	[sflag:s14] =	ssyncset.done $0x0  }
0x275: {  	[sflag:s14] =	ssyncadd.s32 $0xFFFFEC00  }
0x276: {  	_ =	swait.ge [sflag:s8], $0x500  }
0x277: {  	[sflag:s8] =	ssyncset.done $0x0  }
0x278: {  	s5 =	simm.s32 @!p4 $0x18790;
	[sflag:s8] =	ssyncadd.s32 $0xFFFFFB00  }
0x279: {  	[tilespmem:s5], [sflag:$0x3] =	stream.indirect.gather @!p4 [hbm4b:s24+s22], $0x40, s26, s22, $0xb8;
	[tilespmem:$0x1C890] =	vst v63  }
0x27a: {  	_ =	swait.ge [sflag:s29], $0x1400  }
0x27b: {  	[sflag:s29] =	ssyncset.done $0x0  }
0x27c: {  	s5 =	sadd.s32 $0x11260, s17;
	[sflag:s29] =	ssyncadd.s32 $0xFFFFEC00  }
0x27d: {  	[spmem:s2] =	stream.indirect.scatter.add.bf16 [tilespmem:s30], [sflag:$0x9], $0x40, s5, s4, $0xb8;
	[tilespmem:$0x1C890] =	vst v63  }
0x27e: {  	_ = 	snop  }
0x27f: {  	[spmem:s3] =	stream.indirect.scatter.add.bf16 [tilespmem:s28], [sflag:$0xE], $0x10, s5, s4, $0xb8;
	[tilespmem:$0x1C890] =	vst v63  }
0x280: {  	_ =	swait.ge [sflag:s15], $0x1400  }
0x281: {  	[sflag:s15] =	ssyncset.done $0x0  }
0x282: {  	[sflag:s15] =	ssyncadd.s32 $0xFFFFEC00  }
0x283: {  	_ =	swait.ge [sflag:s9], $0x500  }
0x284: {  	[sflag:s9] =	ssyncset.done $0x0  }
0x285: {  	s5 =	simm.s32 @!p4 $0x19B90;
	[sflag:s9] =	ssyncadd.s32 $0xFFFFFB00  }
0x286: {  	[tilespmem:s5], [sflag:$0x4] =	stream.indirect.gather @!p4 [hbm4b:s24+s22], $0x40, s18, s22, $0xb8;
	[tilespmem:$0x1C890] =	vst v63  }
.Ltmp7:
0x287: {  	_ = 	snop;
	(pc) =	sbr.rel @p3 .LBB2_10-.Ltmp7, $4  }
0x288: {  	_ =	swait.ge [sflag:s16], $0x1400  }
0x289: {  	[sflag:s16] =	ssyncset.done $0x0  }
0x28a: {  	s17 =	sadd.s32 $0x112B0, s17;
	[sflag:s16] =	ssyncadd.s32 $0xFFFFEC00  }
0x28b: {  	[spmem:s2] =	stream.indirect.scatter.add.bf16 [tilespmem:s10], [sflag:$0xA], $0x40, s17, s4, $0xb8;
	[tilespmem:$0x1C890] =	vst v63  }
.Ltmp8:
0x28c: {  	_ = 	snop;
	(pc) =	sbr.rel .LBB2_11-.Ltmp8, $1  }
0x28d: {  	_ =	sdelay $0x3  }
.LBB2_13:
0x28e: {  	_ =	sfence.sel $0x180000  }
0x28f: {  	[bflag:$0x0] =	sbarrier.arrive $0xFFFF  }
0x290: {  	_ =	strace $0x90000047  }
0x291: {  	s0 =	stileid.u32;
	[bflag:$0x2] =	sbarrier.arrive $0xFFFF  }
0x292: {  	p0 =	sne.s32 s0, $0x0;
	s0 =	rddreg [dreg:$0x4]  }
0x293: {  	s0 =	sadd.s32 @!p0 $0x100000, s0  }
0x294: {  	[sflag:s0] =	ssyncadd.tile.s32 @!p0 $0x1;
	_ =	shalt  }
.Lfunc_end2:
_tile_overlayer_lowered:
.L_overlay_start_2:
0x295: {  	(tag) =	ssettag $0x2  }
0x296: {  	s0 =	rddreg [dreg:$0x0];
	s2 =	stileid.u32  }
0x297: {  	s1 =	rddreg [dreg:$0x1];
	p0 =	sne.s32 s2, $0x0  }
0x298: {  	s3 =	rddreg [dreg:$0x2];
	[bflag:$0x3] =	sbarrier.arrive $0xFFFF;
	s2 =	simm.s32 @!p0 $0x1C10  }
0x299: {  	[timem:s3], [sflag:s2] =	dma.local @!p0 [hbm:s0], s1  }
0x29a: {  	s0 =	simm.s32 @!p0 $0x10  }
0x29b: {  	_ =	swait.ge @!p0 [sflag:s0], s1  }
0x29c: {  	s1 =	ssub.s32 @!p0 $0x0, s1;
	[sflag:s0] =	ssyncset.done @!p0 $0x0  }
0x29d: {  	[sflag:s0] =	ssyncadd.s32 @!p0 s1  }
0x29e: {  	[bflag:$0x3] =	sbarrier.arrive $0xFFFF  }
0x29f: {  	_ =	shalt  }

</sc_bundles>
